<compile_context>
chip_gen: v7x
topology: tpu7x:2x2x1
jax: 0.10.2.dev20260603
libtpu: 0.0.44.dev20260713+nightly
codegen_flags: <defaults>
</compile_context>

<pallas_src>
import functools

import jax
import jax.numpy as jnp
from jax import lax
from jax.experimental import pallas as pl
from jax.experimental.pallas import tpu as pltpu
from jax.experimental.pallas import tpu_sc as plsc

_INPUT_SIZE = 768
_NUM_EXPERTS = 64
_BT = 4096
_NW = 32
_LANES = 16


def _mm_t_body(x_ref, wt_ref, b_ref, out_ref):
    s = jnp.dot(x_ref[...], wt_ref[...],
                preferred_element_type=jnp.float32)
    out_ref[...] = s.T + b_ref[...]


def _tc_scores_t(x, wt, b2, n_tokens):
    grid = (n_tokens // _BT,)
    return pl.pallas_call(
        _mm_t_body,
        grid=grid,
        in_specs=[
            pl.BlockSpec((_BT, _INPUT_SIZE), lambda i: (i, 0)),
            pl.BlockSpec((_INPUT_SIZE, _NUM_EXPERTS), lambda i: (0, 0)),
            pl.BlockSpec((_NUM_EXPERTS, 1), lambda i: (0, 0)),
        ],
        out_specs=pl.BlockSpec((_NUM_EXPERTS, _BT), lambda i: (0, i)),
        out_shape=jax.ShapeDtypeStruct((_NUM_EXPERTS, n_tokens), jnp.float32),
        compiler_params=pltpu.CompilerParams(
            dimension_semantics=("arbitrary",),
        ),
    )(x, wt, b2)


def _sc_route(scores_t, n_tokens):
    chunk = n_tokens // _NW
    n_groups = chunk // _LANES
    mesh = plsc.VectorSubcoreMesh(core_axis_name="c", subcore_axis_name="s")

    @functools.partial(
        pl.kernel,
        mesh=mesh,
        out_type=[
            jax.ShapeDtypeStruct((2, n_tokens), jnp.float32),
            jax.ShapeDtypeStruct((2, n_tokens), jnp.int32),
        ],
        scratch_types=[
            pltpu.VMEM((_NUM_EXPERTS, chunk), jnp.float32),
            pltpu.VMEM((chunk,), jnp.float32),
            pltpu.VMEM((chunk,), jnp.float32),
            pltpu.VMEM((chunk,), jnp.int32),
            pltpu.VMEM((chunk,), jnp.int32),
        ],
    )
    def route(st_hbm, outp_hbm, outi_hbm, st_v, p1_v, p2_v, i1_v, i2_v):
        wid = lax.axis_index("s") * 2 + lax.axis_index("c")
        base = wid * chunk
        pltpu.sync_copy(st_hbm.at[:, pl.ds(base, chunk)], st_v)

        lane = jnp.arange(_LANES, dtype=jnp.int32)
        zeros = jnp.zeros((_LANES,), jnp.int32)
        neg_inf = jnp.full((_LANES,), -jnp.inf, jnp.float32)

        def group_body(g, carry):
            t0 = g * _LANES
            m1 = neg_inf
            m2 = neg_inf
            i1 = zeros
            i2 = zeros
            for e in range(_NUM_EXPERTS):
                v = st_v[e, pl.ds(t0, _LANES)]
                e_vec = jnp.full((_LANES,), e, jnp.int32)
                gt1 = v > m1
                gt2 = v > m2
                i2 = jnp.where(gt1, i1, jnp.where(gt2, e_vec, i2))
                m2 = jnp.where(gt1, m1, jnp.where(gt2, v, m2))
                i1 = jnp.where(gt1, e_vec, i1)
                m1 = jnp.where(gt1, v, m1)
            ex = jnp.exp(m2 - m1)
            denom = 1.0 + ex
            p1_v[pl.ds(t0, _LANES)] = 1.0 / denom
            p2_v[pl.ds(t0, _LANES)] = ex / denom
            i1_v[pl.ds(t0, _LANES)] = i1
            i2_v[pl.ds(t0, _LANES)] = i2
            return carry

        lax.fori_loop(0, n_groups, group_body, 0)
        pltpu.sync_copy(p1_v, outp_hbm.at[0, pl.ds(base, chunk)])
        pltpu.sync_copy(p2_v, outp_hbm.at[1, pl.ds(base, chunk)])
        pltpu.sync_copy(i1_v, outi_hbm.at[0, pl.ds(base, chunk)])
        pltpu.sync_copy(i2_v, outi_hbm.at[1, pl.ds(base, chunk)])

    p_t, i_t = route(scores_t)
    return p_t.T, i_t.T


def kernel(x, W, b):
    n_tokens = x.shape[0]
    wt = W.T
    b2 = b.reshape(_NUM_EXPERTS, 1)
    scores_t = _tc_scores_t(x, wt, b2, n_tokens)
    return _sc_route(scores_t, n_tokens)

# --- scband reference (transcript-rebuilt; emitter-appended) ---
"""Pipeline reference for scband-mo-egate-31275951849843 (READ-ONLY COPY).

The authoritative reference and input builder live on the scoring server;
editing this copy changes nothing except your own understanding.
"""

import jax, jax.numpy as jnp
import numpy as np

INPUT_SIZE = 768
NUM_EXPERTS = 64
TOP_K = 2
N_TOKENS = 32768


def setup_inputs(seed: int = 0) -> dict:
    key = jax.random.key(seed)
    k_x, k_w, k_b = jax.random.split(key, 3)
    x = jax.random.normal(k_x, (N_TOKENS, INPUT_SIZE), dtype=jnp.float32)
    # nn.Linear(input_size, num_experts): weight [num_experts, input_size], bias [num_experts]
    bound = 1.0 / np.sqrt(INPUT_SIZE)
    W = jax.random.uniform(k_w, (NUM_EXPERTS, INPUT_SIZE), dtype=jnp.float32, minval=-bound, maxval=bound)
    b = jax.random.uniform(k_b, (NUM_EXPERTS,), dtype=jnp.float32, minval=-bound, maxval=bound)
    return {"x": x, "W": W, "b": b}


def reference(x, W, b):
    # gate_scores = self.gate(x)
    gate_scores = x @ W.T + b
    # top_k over last dim (descending, matching torch.topk)
    top_k_scores, top_k_indices = jax.lax.top_k(gate_scores, TOP_K)
    # softmax over the top-k scores
    top_k_scores = jax.nn.softmax(top_k_scores, axis=-1)
    return (top_k_scores, top_k_indices)

if __name__ == "__main__":
    import jax
    _d = setup_inputs()
    print(jax.jit(kernel)(*tuple(_d.values())))

</pallas_src>

<mosaic_0001>
#map = affine_map<(d0, d1) -> (0, 0)>
module attributes {stable_mosaic.version = 14 : i64} {
  func.func @route(%arg0: i32, %arg1: i32, %arg2: memref<64x32768xf32, #tpu.memory_space<hbm>>, %arg3: memref<2x32768xf32, #tpu.memory_space<hbm>>, %arg4: memref<2x32768xi32, #tpu.memory_space<hbm>>, %arg5: memref<64x1024xf32, #tpu.memory_space<vmem>>, %arg6: memref<1024xf32, #tpu.memory_space<vmem>>, %arg7: memref<1024xf32, #tpu.memory_space<vmem>>, %arg8: memref<1024xi32, #tpu.memory_space<vmem>>, %arg9: memref<1024xi32, #tpu.memory_space<vmem>>) attributes {dimension_semantics = [#tpu.dimension_semantics<core_parallel>, #tpu.dimension_semantics<subcore_parallel>], iteration_bounds = array<i64: 2, 16>, scalar_prefetch = 0 : i64, scratch_operands = 5 : i64, tpu.core_type = #tpu.core_type<sc_vector_subcore>, window_params = [{transform_indices = #map}, {transform_indices = #map}, {transform_indices = #map}]} {
    %mul3A = arith.constant 2 : i32
    %mul3A_0 = arith.muli %arg1, %mul3A : i32
    %add3A = arith.addi %mul3A_0, %arg0 : i32
    %mul3A_1 = arith.constant 1024 : i32
    %mul3A_2 = arith.muli %add3A, %mul3A_1 : i32
    "tpu.region"() ({
      %run_scoped3A_14 = tpu.sem_alloc : memref<!tpu.dma_semaphore, #tpu.memory_space<semaphore_mem>>
      %dma_start3A = arith.constant 0 : i32
      %dma_start3A_15 = tpu.memref_slice %arg2[%dma_start3A, %mul3A_2] : memref<64x32768xf32, #tpu.memory_space<hbm>> -> memref<64x1024xf32, #tpu.memory_space<hbm>>
      %dma_start3A_16 = arith.constant 0 : i32
      %dma_start3A_17 = tpu.memref_slice %arg2[%dma_start3A_16, %mul3A_2] : memref<64x32768xf32, #tpu.memory_space<hbm>> -> memref<64x1024xf32, #tpu.memory_space<hbm>>
      tpu.enqueue_dma source(%dma_start3A_17 : memref<64x1024xf32, #tpu.memory_space<hbm>>) target(%arg5 : memref<64x1024xf32, #tpu.memory_space<vmem>>) target_semaphore(%run_scoped3A_14 : memref<!tpu.dma_semaphore, #tpu.memory_space<semaphore_mem>>)
      %dma_wait3A = arith.constant 0 : i32
      %dma_wait3A_18 = tpu.memref_slice %arg2[%dma_wait3A, %mul3A_2] : memref<64x32768xf32, #tpu.memory_space<hbm>> -> memref<64x1024xf32, #tpu.memory_space<hbm>>
      %dma_wait3A_19 = arith.constant 0 : i32
      %dma_wait3A_20 = tpu.memref_slice %arg2[%dma_wait3A_19, %mul3A_2] : memref<64x32768xf32, #tpu.memory_space<hbm>> -> memref<64x1024xf32, #tpu.memory_space<hbm>>
      tpu.wait_dma2 semaphore(%run_scoped3A_14 : memref<!tpu.dma_semaphore, #tpu.memory_space<semaphore_mem>>) src(%dma_wait3A_20 : memref<64x1024xf32, #tpu.memory_space<hbm>>) dst(%arg5 : memref<64x1024xf32, #tpu.memory_space<vmem>>)
      tpu.yield
    }) : () -> ()
    %iota3A = tpu.iota {dimensions = array<i32: 0>} : vector<16xi32>
    %broadcast_in_dim3A = arith.constant 0 : i32
    %broadcast_in_dim3A_3 = vector.broadcast %broadcast_in_dim3A : i32 to vector<16xi32>
    %broadcast_in_dim3A_4 = arith.constant 0xFF800000 : f32
    %broadcast_in_dim3A_5 = vector.broadcast %broadcast_in_dim3A_4 : f32 to vector<16xf32>
    %scan3A = arith.constant 0 : i32
    %scan3A_6 = arith.constant 0 : i32
    %scan3A_7 = arith.constant 64 : i32
    %scan3A_8 = arith.addi %scan3A_6, %scan3A_7 : i32
    %scan3A_9 = arith.constant 1 : i32
    scf.for %scan3A_14 = %scan3A_6 to %scan3A_8 step %scan3A_9  : i32 {
      %mul3A_15 = arith.constant 16 : i32
      %mul3A_16 = arith.muli %scan3A_14, %mul3A_15 : i32
      %get3A = arith.constant 0 : i32
      %get3A_17 = arith.index_cast %get3A : i32 to index
      %get3A_18 = arith.index_cast %mul3A_16 : i32 to index
      %get3A_19 = tpu.vector_load %arg5[%get3A_17, %get3A_18] {strides = array<i32>} : memref<64x1024xf32, #tpu.memory_space<vmem>>, vector<1x16xf32>,
      %get3A_20 = vector.shape_cast %get3A_19 : vector<1x16xf32> to vector<16xf32>
      %broadcast_in_dim3A_21 = arith.constant 0 : i32
      %broadcast_in_dim3A_22 = vector.broadcast %broadcast_in_dim3A_21 : i32 to vector<16xi32>
      %gt3A = arith.cmpf ogt, %get3A_20, %broadcast_in_dim3A_5 : vector<16xf32>
      %gt3A_23 = arith.cmpf ogt, %get3A_20, %broadcast_in_dim3A_5 : vector<16xf32>
      %select_n3A = arith.select %gt3A_23, %broadcast_in_dim3A_22, %broadcast_in_dim3A_3 : vector<16xi1>, vector<16xi32>
      %select_n3A_24 = arith.select %gt3A, %broadcast_in_dim3A_3, %select_n3A : vector<16xi1>, vector<16xi32>
      %select_n3A_25 = arith.select %gt3A_23, %get3A_20, %broadcast_in_dim3A_5 : vector<16xi1>, vector<16xf32>
      %select_n3A_26 = arith.select %gt3A, %broadcast_in_dim3A_5, %select_n3A_25 : vector<16xi1>, vector<16xf32>
      %select_n3A_27 = arith.select %gt3A, %broadcast_in_dim3A_22, %broadcast_in_dim3A_3 : vector<16xi1>, vector<16xi32>
      %select_n3A_28 = arith.select %gt3A, %get3A_20, %broadcast_in_dim3A_5 : vector<16xi1>, vector<16xf32>
      %get3A_29 = arith.constant 1 : i32
      %get3A_30 = arith.index_cast %get3A_29 : i32 to index
      %get3A_31 = arith.index_cast %mul3A_16 : i32 to index
      %get3A_32 = tpu.vector_load %arg5[%get3A_30, %get3A_31] {strides = array<i32>} : memref<64x1024xf32, #tpu.memory_space<vmem>>, vector<1x16xf32>,
      %get3A_33 = vector.shape_cast %get3A_32 : vector<1x16xf32> to vector<16xf32>
      %broadcast_in_dim3A_34 = arith.constant 1 : i32
      %broadcast_in_dim3A_35 = vector.broadcast %broadcast_in_dim3A_34 : i32 to vector<16xi32>
      %gt3A_36 = arith.cmpf ogt, %get3A_33, %select_n3A_28 : vector<16xf32>
      %gt3A_37 = arith.cmpf ogt, %get3A_33, %select_n3A_26 : vector<16xf32>
      %select_n3A_38 = arith.select %gt3A_37, %broadcast_in_dim3A_35, %select_n3A_24 : vector<16xi1>, vector<16xi32>
      %select_n3A_39 = arith.select %gt3A_36, %select_n3A_27, %select_n3A_38 : vector<16xi1>, vector<16xi32>
      %select_n3A_40 = arith.select %gt3A_37, %get3A_33, %select_n3A_26 : vector<16xi1>, vector<16xf32>
      %select_n3A_41 = arith.select %gt3A_36, %select_n3A_28, %select_n3A_40 : vector<16xi1>, vector<16xf32>
      %select_n3A_42 = arith.select %gt3A_36, %broadcast_in_dim3A_35, %select_n3A_27 : vector<16xi1>, vector<16xi32>
      %select_n3A_43 = arith.select %gt3A_36, %get3A_33, %select_n3A_28 : vector<16xi1>, vector<16xf32>
      %get3A_44 = arith.constant 2 : i32
      %get3A_45 = arith.index_cast %get3A_44 : i32 to index
      %get3A_46 = arith.index_cast %mul3A_16 : i32 to index
      %get3A_47 = tpu.vector_load %arg5[%get3A_45, %get3A_46] {strides = array<i32>} : memref<64x1024xf32, #tpu.memory_space<vmem>>, vector<1x16xf32>,
      %get3A_48 = vector.shape_cast %get3A_47 : vector<1x16xf32> to vector<16xf32>
      %broadcast_in_dim3A_49 = arith.constant 2 : i32
      %broadcast_in_dim3A_50 = vector.broadcast %broadcast_in_dim3A_49 : i32 to vector<16xi32>
      %gt3A_51 = arith.cmpf ogt, %get3A_48, %select_n3A_43 : vector<16xf32>
      %gt3A_52 = arith.cmpf ogt, %get3A_48, %select_n3A_41 : vector<16xf32>
      %select_n3A_53 = arith.select %gt3A_52, %broadcast_in_dim3A_50, %select_n3A_39 : vector<16xi1>, vector<16xi32>
      %select_n3A_54 = arith.select %gt3A_51, %select_n3A_42, %select_n3A_53 : vector<16xi1>, vector<16xi32>
      %select_n3A_55 = arith.select %gt3A_52, %get3A_48, %select_n3A_41 : vector<16xi1>, vector<16xf32>
      %select_n3A_56 = arith.select %gt3A_51, %select_n3A_43, %select_n3A_55 : vector<16xi1>, vector<16xf32>
      %select_n3A_57 = arith.select %gt3A_51, %broadcast_in_dim3A_50, %select_n3A_42 : vector<16xi1>, vector<16xi32>
      %select_n3A_58 = arith.select %gt3A_51, %get3A_48, %select_n3A_43 : vector<16xi1>, vector<16xf32>
      %get3A_59 = arith.constant 3 : i32
      %get3A_60 = arith.index_cast %get3A_59 : i32 to index
      %get3A_61 = arith.index_cast %mul3A_16 : i32 to index
      %get3A_62 = tpu.vector_load %arg5[%get3A_60, %get3A_61] {strides = array<i32>} : memref<64x1024xf32, #tpu.memory_space<vmem>>, vector<1x16xf32>,
      %get3A_63 = vector.shape_cast %get3A_62 : vector<1x16xf32> to vector<16xf32>
      %broadcast_in_dim3A_64 = arith.constant 3 : i32
      %broadcast_in_dim3A_65 = vector.broadcast %broadcast_in_dim3A_64 : i32 to vector<16xi32>
      %gt3A_66 = arith.cmpf ogt, %get3A_63, %select_n3A_58 : vector<16xf32>
      %gt3A_67 = arith.cmpf ogt, %get3A_63, %select_n3A_56 : vector<16xf32>
      %select_n3A_68 = arith.select %gt3A_67, %broadcast_in_dim3A_65, %select_n3A_54 : vector<16xi1>, vector<16xi32>
      %select_n3A_69 = arith.select %gt3A_66, %select_n3A_57, %select_n3A_68 : vector<16xi1>, vector<16xi32>
      %select_n3A_70 = arith.select %gt3A_67, %get3A_63, %select_n3A_56 : vector<16xi1>, vector<16xf32>
      %select_n3A_71 = arith.select %gt3A_66, %select_n3A_58, %select_n3A_70 : vector<16xi1>, vector<16xf32>
      %select_n3A_72 = arith.select %gt3A_66, %broadcast_in_dim3A_65, %select_n3A_57 : vector<16xi1>, vector<16xi32>
      %select_n3A_73 = arith.select %gt3A_66, %get3A_63, %select_n3A_58 : vector<16xi1>, vector<16xf32>
      %get3A_74 = arith.constant 4 : i32
      %get3A_75 = arith.index_cast %get3A_74 : i32 to index
      %get3A_76 = arith.index_cast %mul3A_16 : i32 to index
      %get3A_77 = tpu.vector_load %arg5[%get3A_75, %get3A_76] {strides = array<i32>} : memref<64x1024xf32, #tpu.memory_space<vmem>>, vector<1x16xf32>,
      %get3A_78 = vector.shape_cast %get3A_77 : vector<1x16xf32> to vector<16xf32>
      %broadcast_in_dim3A_79 = arith.constant 4 : i32
      %broadcast_in_dim3A_80 = vector.broadcast %broadcast_in_dim3A_79 : i32 to vector<16xi32>
      %gt3A_81 = arith.cmpf ogt, %get3A_78, %select_n3A_73 : vector<16xf32>
      %gt3A_82 = arith.cmpf ogt, %get3A_78, %select_n3A_71 : vector<16xf32>
      %select_n3A_83 = arith.select %gt3A_82, %broadcast_in_dim3A_80, %select_n3A_69 : vector<16xi1>, vector<16xi32>
      %select_n3A_84 = arith.select %gt3A_81, %select_n3A_72, %select_n3A_83 : vector<16xi1>, vector<16xi32>
      %select_n3A_85 = arith.select %gt3A_82, %get3A_78, %select_n3A_71 : vector<16xi1>, vector<16xf32>
      %select_n3A_86 = arith.select %gt3A_81, %select_n3A_73, %select_n3A_85 : vector<16xi1>, vector<16xf32>
      %select_n3A_87 = arith.select %gt3A_81, %broadcast_in_dim3A_80, %select_n3A_72 : vector<16xi1>, vector<16xi32>
      %select_n3A_88 = arith.select %gt3A_81, %get3A_78, %select_n3A_73 : vector<16xi1>, vector<16xf32>
      %get3A_89 = arith.constant 5 : i32
      %get3A_90 = arith.index_cast %get3A_89 : i32 to index
      %get3A_91 = arith.index_cast %mul3A_16 : i32 to index
      %get3A_92 = tpu.vector_load %arg5[%get3A_90, %get3A_91] {strides = array<i32>} : memref<64x1024xf32, #tpu.memory_space<vmem>>, vector<1x16xf32>,
      %get3A_93 = vector.shape_cast %get3A_92 : vector<1x16xf32> to vector<16xf32>
      %broadcast_in_dim3A_94 = arith.constant 5 : i32
      %broadcast_in_dim3A_95 = vector.broadcast %broadcast_in_dim3A_94 : i32 to vector<16xi32>
      %gt3A_96 = arith.cmpf ogt, %get3A_93, %select_n3A_88 : vector<16xf32>
      %gt3A_97 = arith.cmpf ogt, %get3A_93, %select_n3A_86 : vector<16xf32>
      %select_n3A_98 = arith.select %gt3A_97, %broadcast_in_dim3A_95, %select_n3A_84 : vector<16xi1>, vector<16xi32>
      %select_n3A_99 = arith.select %gt3A_96, %select_n3A_87, %select_n3A_98 : vector<16xi1>, vector<16xi32>
      %select_n3A_100 = arith.select %gt3A_97, %get3A_93, %select_n3A_86 : vector<16xi1>, vector<16xf32>
      %select_n3A_101 = arith.select %gt3A_96, %select_n3A_88, %select_n3A_100 : vector<16xi1>, vector<16xf32>
      %select_n3A_102 = arith.select %gt3A_96, %broadcast_in_dim3A_95, %select_n3A_87 : vector<16xi1>, vector<16xi32>
      %select_n3A_103 = arith.select %gt3A_96, %get3A_93, %select_n3A_88 : vector<16xi1>, vector<16xf32>
      %get3A_104 = arith.constant 6 : i32
      %get3A_105 = arith.index_cast %get3A_104 : i32 to index
      %get3A_106 = arith.index_cast %mul3A_16 : i32 to index
      %get3A_107 = tpu.vector_load %arg5[%get3A_105, %get3A_106] {strides = array<i32>} : memref<64x1024xf32, #tpu.memory_space<vmem>>, vector<1x16xf32>,
      %get3A_108 = vector.shape_cast %get3A_107 : vector<1x16xf32> to vector<16xf32>
      %broadcast_in_dim3A_109 = arith.constant 6 : i32
      %broadcast_in_dim3A_110 = vector.broadcast %broadcast_in_dim3A_109 : i32 to vector<16xi32>
      %gt3A_111 = arith.cmpf ogt, %get3A_108, %select_n3A_103 : vector<16xf32>
      %gt3A_112 = arith.cmpf ogt, %get3A_108, %select_n3A_101 : vector<16xf32>
      %select_n3A_113 = arith.select %gt3A_112, %broadcast_in_dim3A_110, %select_n3A_99 : vector<16xi1>, vector<16xi32>
      %select_n3A_114 = arith.select %gt3A_111, %select_n3A_102, %select_n3A_113 : vector<16xi1>, vector<16xi32>
      %select_n3A_115 = arith.select %gt3A_112, %get3A_108, %select_n3A_101 : vector<16xi1>, vector<16xf32>
      %select_n3A_116 = arith.select %gt3A_111, %select_n3A_103, %select_n3A_115 : vector<16xi1>, vector<16xf32>
      %select_n3A_117 = arith.select %gt3A_111, %broadcast_in_dim3A_110, %select_n3A_102 : vector<16xi1>, vector<16xi32>
      %select_n3A_118 = arith.select %gt3A_111, %get3A_108, %select_n3A_103 : vector<16xi1>, vector<16xf32>
      %get3A_119 = arith.constant 7 : i32
      %get3A_120 = arith.index_cast %get3A_119 : i32 to index
      %get3A_121 = arith.index_cast %mul3A_16 : i32 to index
      %get3A_122 = tpu.vector_load %arg5[%get3A_120, %get3A_121] {strides = array<i32>} : memref<64x1024xf32, #tpu.memory_space<vmem>>, vector<1x16xf32>,
      %get3A_123 = vector.shape_cast %get3A_122 : vector<1x16xf32> to vector<16xf32>
      %broadcast_in_dim3A_124 = arith.constant 7 : i32
      %broadcast_in_dim3A_125 = vector.broadcast %broadcast_in_dim3A_124 : i32 to vector<16xi32>
      %gt3A_126 = arith.cmpf ogt, %get3A_123, %select_n3A_118 : vector<16xf32>
      %gt3A_127 = arith.cmpf ogt, %get3A_123, %select_n3A_116 : vector<16xf32>
      %select_n3A_128 = arith.select %gt3A_127, %broadcast_in_dim3A_125, %select_n3A_114 : vector<16xi1>, vector<16xi32>
      %select_n3A_129 = arith.select %gt3A_126, %select_n3A_117, %select_n3A_128 : vector<16xi1>, vector<16xi32>
      %select_n3A_130 = arith.select %gt3A_127, %get3A_123, %select_n3A_116 : vector<16xi1>, vector<16xf32>
      %select_n3A_131 = arith.select %gt3A_126, %select_n3A_118, %select_n3A_130 : vector<16xi1>, vector<16xf32>
      %select_n3A_132 = arith.select %gt3A_126, %broadcast_in_dim3A_125, %select_n3A_117 : vector<16xi1>, vector<16xi32>
      %select_n3A_133 = arith.select %gt3A_126, %get3A_123, %select_n3A_118 : vector<16xi1>, vector<16xf32>
      %get3A_134 = arith.constant 8 : i32
      %get3A_135 = arith.index_cast %get3A_134 : i32 to index
      %get3A_136 = arith.index_cast %mul3A_16 : i32 to index
      %get3A_137 = tpu.vector_load %arg5[%get3A_135, %get3A_136] {strides = array<i32>} : memref<64x1024xf32, #tpu.memory_space<vmem>>, vector<1x16xf32>,
      %get3A_138 = vector.shape_cast %get3A_137 : vector<1x16xf32> to vector<16xf32>
      %broadcast_in_dim3A_139 = arith.constant 8 : i32
      %broadcast_in_dim3A_140 = vector.broadcast %broadcast_in_dim3A_139 : i32 to vector<16xi32>
      %gt3A_141 = arith.cmpf ogt, %get3A_138, %select_n3A_133 : vector<16xf32>
      %gt3A_142 = arith.cmpf ogt, %get3A_138, %select_n3A_131 : vector<16xf32>
      %select_n3A_143 = arith.select %gt3A_142, %broadcast_in_dim3A_140, %select_n3A_129 : vector<16xi1>, vector<16xi32>
      %select_n3A_144 = arith.select %gt3A_141, %select_n3A_132, %select_n3A_143 : vector<16xi1>, vector<16xi32>
      %select_n3A_145 = arith.select %gt3A_142, %get3A_138, %select_n3A_131 : vector<16xi1>, vector<16xf32>
      %select_n3A_146 = arith.select %gt3A_141, %select_n3A_133, %select_n3A_145 : vector<16xi1>, vector<16xf32>
      %select_n3A_147 = arith.select %gt3A_141, %broadcast_in_dim3A_140, %select_n3A_132 : vector<16xi1>, vector<16xi32>
      %select_n3A_148 = arith.select %gt3A_141, %get3A_138, %select_n3A_133 : vector<16xi1>, vector<16xf32>
      %get3A_149 = arith.constant 9 : i32
      %get3A_150 = arith.index_cast %get3A_149 : i32 to index
      %get3A_151 = arith.index_cast %mul3A_16 : i32 to index
      %get3A_152 = tpu.vector_load %arg5[%get3A_150, %get3A_151] {strides = array<i32>} : memref<64x1024xf32, #tpu.memory_space<vmem>>, vector<1x16xf32>,
      %get3A_153 = vector.shape_cast %get3A_152 : vector<1x16xf32> to vector<16xf32>
      %broadcast_in_dim3A_154 = arith.constant 9 : i32
      %broadcast_in_dim3A_155 = vector.broadcast %broadcast_in_dim3A_154 : i32 to vector<16xi32>
      %gt3A_156 = arith.cmpf ogt, %get3A_153, %select_n3A_148 : vector<16xf32>
      %gt3A_157 = arith.cmpf ogt, %get3A_153, %select_n3A_146 : vector<16xf32>
      %select_n3A_158 = arith.select %gt3A_157, %broadcast_in_dim3A_155, %select_n3A_144 : vector<16xi1>, vector<16xi32>
      %select_n3A_159 = arith.select %gt3A_156, %select_n3A_147, %select_n3A_158 : vector<16xi1>, vector<16xi32>
      %select_n3A_160 = arith.select %gt3A_157, %get3A_153, %select_n3A_146 : vector<16xi1>, vector<16xf32>
      %select_n3A_161 = arith.select %gt3A_156, %select_n3A_148, %select_n3A_160 : vector<16xi1>, vector<16xf32>
      %select_n3A_162 = arith.select %gt3A_156, %broadcast_in_dim3A_155, %select_n3A_147 : vector<16xi1>, vector<16xi32>
      %select_n3A_163 = arith.select %gt3A_156, %get3A_153, %select_n3A_148 : vector<16xi1>, vector<16xf32>
      %get3A_164 = arith.constant 10 : i32
      %get3A_165 = arith.index_cast %get3A_164 : i32 to index
      %get3A_166 = arith.index_cast %mul3A_16 : i32 to index
      %get3A_167 = tpu.vector_load %arg5[%get3A_165, %get3A_166] {strides = array<i32>} : memref<64x1024xf32, #tpu.memory_space<vmem>>, vector<1x16xf32>,
      %get3A_168 = vector.shape_cast %get3A_167 : vector<1x16xf32> to vector<16xf32>
      %broadcast_in_dim3A_169 = arith.constant 10 : i32
      %broadcast_in_dim3A_170 = vector.broadcast %broadcast_in_dim3A_169 : i32 to vector<16xi32>
      %gt3A_171 = arith.cmpf ogt, %get3A_168, %select_n3A_163 : vector<16xf32>
      %gt3A_172 = arith.cmpf ogt, %get3A_168, %select_n3A_161 : vector<16xf32>
      %select_n3A_173 = arith.select %gt3A_172, %broadcast_in_dim3A_170, %select_n3A_159 : vector<16xi1>, vector<16xi32>
      %select_n3A_174 = arith.select %gt3A_171, %select_n3A_162, %select_n3A_173 : vector<16xi1>, vector<16xi32>
      %select_n3A_175 = arith.select %gt3A_172, %get3A_168, %select_n3A_161 : vector<16xi1>, vector<16xf32>
      %select_n3A_176 = arith.select %gt3A_171, %select_n3A_163, %select_n3A_175 : vector<16xi1>, vector<16xf32>
      %select_n3A_177 = arith.select %gt3A_171, %broadcast_in_dim3A_170, %select_n3A_162 : vector<16xi1>, vector<16xi32>
      %select_n3A_178 = arith.select %gt3A_171, %get3A_168, %select_n3A_163 : vector<16xi1>, vector<16xf32>
      %get3A_179 = arith.constant 11 : i32
      %get3A_180 = arith.index_cast %get3A_179 : i32 to index
      %get3A_181 = arith.index_cast %mul3A_16 : i32 to index
      %get3A_182 = tpu.vector_load %arg5[%get3A_180, %get3A_181] {strides = array<i32>} : memref<64x1024xf32, #tpu.memory_space<vmem>>, vector<1x16xf32>,
      %get3A_183 = vector.shape_cast %get3A_182 : vector<1x16xf32> to vector<16xf32>
      %broadcast_in_dim3A_184 = arith.constant 11 : i32
      %broadcast_in_dim3A_185 = vector.broadcast %broadcast_in_dim3A_184 : i32 to vector<16xi32>
      %gt3A_186 = arith.cmpf ogt, %get3A_183, %select_n3A_178 : vector<16xf32>
      %gt3A_187 = arith.cmpf ogt, %get3A_183, %select_n3A_176 : vector<16xf32>
      %select_n3A_188 = arith.select %gt3A_187, %broadcast_in_dim3A_185, %select_n3A_174 : vector<16xi1>, vector<16xi32>
      %select_n3A_189 = arith.select %gt3A_186, %select_n3A_177, %select_n3A_188 : vector<16xi1>, vector<16xi32>
      %select_n3A_190 = arith.select %gt3A_187, %get3A_183, %select_n3A_176 : vector<16xi1>, vector<16xf32>
      %select_n3A_191 = arith.select %gt3A_186, %select_n3A_178, %select_n3A_190 : vector<16xi1>, vector<16xf32>
      %select_n3A_192 = arith.select %gt3A_186, %broadcast_in_dim3A_185, %select_n3A_177 : vector<16xi1>, vector<16xi32>
      %select_n3A_193 = arith.select %gt3A_186, %get3A_183, %select_n3A_178 : vector<16xi1>, vector<16xf32>
      %get3A_194 = arith.constant 12 : i32
      %get3A_195 = arith.index_cast %get3A_194 : i32 to index
      %get3A_196 = arith.index_cast %mul3A_16 : i32 to index
      %get3A_197 = tpu.vector_load %arg5[%get3A_195, %get3A_196] {strides = array<i32>} : memref<64x1024xf32, #tpu.memory_space<vmem>>, vector<1x16xf32>,
      %get3A_198 = vector.shape_cast %get3A_197 : vector<1x16xf32> to vector<16xf32>
      %broadcast_in_dim3A_199 = arith.constant 12 : i32
      %broadcast_in_dim3A_200 = vector.broadcast %broadcast_in_dim3A_199 : i32 to vector<16xi32>
      %gt3A_201 = arith.cmpf ogt, %get3A_198, %select_n3A_193 : vector<16xf32>
      %gt3A_202 = arith.cmpf ogt, %get3A_198, %select_n3A_191 : vector<16xf32>
      %select_n3A_203 = arith.select %gt3A_202, %broadcast_in_dim3A_200, %select_n3A_189 : vector<16xi1>, vector<16xi32>
      %select_n3A_204 = arith.select %gt3A_201, %select_n3A_192, %select_n3A_203 : vector<16xi1>, vector<16xi32>
      %select_n3A_205 = arith.select %gt3A_202, %get3A_198, %select_n3A_191 : vector<16xi1>, vector<16xf32>
      %select_n3A_206 = arith.select %gt3A_201, %select_n3A_193, %select_n3A_205 : vector<16xi1>, vector<16xf32>
      %select_n3A_207 = arith.select %gt3A_201, %broadcast_in_dim3A_200, %select_n3A_192 : vector<16xi1>, vector<16xi32>
      %select_n3A_208 = arith.select %gt3A_201, %get3A_198, %select_n3A_193 : vector<16xi1>, vector<16xf32>
      %get3A_209 = arith.constant 13 : i32
      %get3A_210 = arith.index_cast %get3A_209 : i32 to index
      %get3A_211 = arith.index_cast %mul3A_16 : i32 to index
      %get3A_212 = tpu.vector_load %arg5[%get3A_210, %get3A_211] {strides = array<i32>} : memref<64x1024xf32, #tpu.memory_space<vmem>>, vector<1x16xf32>,
      %get3A_213 = vector.shape_cast %get3A_212 : vector<1x16xf32> to vector<16xf32>
      %broadcast_in_dim3A_214 = arith.constant 13 : i32
      %broadcast_in_dim3A_215 = vector.broadcast %broadcast_in_dim3A_214 : i32 to vector<16xi32>
      %gt3A_216 = arith.cmpf ogt, %get3A_213, %select_n3A_208 : vector<16xf32>
      %gt3A_217 = arith.cmpf ogt, %get3A_213, %select_n3A_206 : vector<16xf32>
      %select_n3A_218 = arith.select %gt3A_217, %broadcast_in_dim3A_215, %select_n3A_204 : vector<16xi1>, vector<16xi32>
      %select_n3A_219 = arith.select %gt3A_216, %select_n3A_207, %select_n3A_218 : vector<16xi1>, vector<16xi32>
      %select_n3A_220 = arith.select %gt3A_217, %get3A_213, %select_n3A_206 : vector<16xi1>, vector<16xf32>
      %select_n3A_221 = arith.select %gt3A_216, %select_n3A_208, %select_n3A_220 : vector<16xi1>, vector<16xf32>
      %select_n3A_222 = arith.select %gt3A_216, %broadcast_in_dim3A_215, %select_n3A_207 : vector<16xi1>, vector<16xi32>
      %select_n3A_223 = arith.select %gt3A_216, %get3A_213, %select_n3A_208 : vector<16xi1>, vector<16xf32>
      %get3A_224 = arith.constant 14 : i32
      %get3A_225 = arith.index_cast %get3A_224 : i32 to index
      %get3A_226 = arith.index_cast %mul3A_16 : i32 to index
      %get3A_227 = tpu.vector_load %arg5[%get3A_225, %get3A_226] {strides = array<i32>} : memref<64x1024xf32, #tpu.memory_space<vmem>>, vector<1x16xf32>,
      %get3A_228 = vector.shape_cast %get3A_227 : vector<1x16xf32> to vector<16xf32>
      %broadcast_in_dim3A_229 = arith.constant 14 : i32
      %broadcast_in_dim3A_230 = vector.broadcast %broadcast_in_dim3A_229 : i32 to vector<16xi32>
      %gt3A_231 = arith.cmpf ogt, %get3A_228, %select_n3A_223 : vector<16xf32>
      %gt3A_232 = arith.cmpf ogt, %get3A_228, %select_n3A_221 : vector<16xf32>
      %select_n3A_233 = arith.select %gt3A_232, %broadcast_in_dim3A_230, %select_n3A_219 : vector<16xi1>, vector<16xi32>
      %select_n3A_234 = arith.select %gt3A_231, %select_n3A_222, %select_n3A_233 : vector<16xi1>, vector<16xi32>
      %select_n3A_235 = arith.select %gt3A_232, %get3A_228, %select_n3A_221 : vector<16xi1>, vector<16xf32>
      %select_n3A_236 = arith.select %gt3A_231, %select_n3A_223, %select_n3A_235 : vector<16xi1>, vector<16xf32>
      %select_n3A_237 = arith.select %gt3A_231, %broadcast_in_dim3A_230, %select_n3A_222 : vector<16xi1>, vector<16xi32>
      %select_n3A_238 = arith.select %gt3A_231, %get3A_228, %select_n3A_223 : vector<16xi1>, vector<16xf32>
      %get3A_239 = arith.constant 15 : i32
      %get3A_240 = arith.index_cast %get3A_239 : i32 to index
      %get3A_241 = arith.index_cast %mul3A_16 : i32 to index
      %get3A_242 = tpu.vector_load %arg5[%get3A_240, %get3A_241] {strides = array<i32>} : memref<64x1024xf32, #tpu.memory_space<vmem>>, vector<1x16xf32>,
      %get3A_243 = vector.shape_cast %get3A_242 : vector<1x16xf32> to vector<16xf32>
      %broadcast_in_dim3A_244 = arith.constant 15 : i32
      %broadcast_in_dim3A_245 = vector.broadcast %broadcast_in_dim3A_244 : i32 to vector<16xi32>
      %gt3A_246 = arith.cmpf ogt, %get3A_243, %select_n3A_238 : vector<16xf32>
      %gt3A_247 = arith.cmpf ogt, %get3A_243, %select_n3A_236 : vector<16xf32>
      %select_n3A_248 = arith.select %gt3A_247, %broadcast_in_dim3A_245, %select_n3A_234 : vector<16xi1>, vector<16xi32>
      %select_n3A_249 = arith.select %gt3A_246, %select_n3A_237, %select_n3A_248 : vector<16xi1>, vector<16xi32>
      %select_n3A_250 = arith.select %gt3A_247, %get3A_243, %select_n3A_236 : vector<16xi1>, vector<16xf32>
      %select_n3A_251 = arith.select %gt3A_246, %select_n3A_238, %select_n3A_250 : vector<16xi1>, vector<16xf32>
      %select_n3A_252 = arith.select %gt3A_246, %broadcast_in_dim3A_245, %select_n3A_237 : vector<16xi1>, vector<16xi32>
      %select_n3A_253 = arith.select %gt3A_246, %get3A_243, %select_n3A_238 : vector<16xi1>, vector<16xf32>
      %get3A_254 = arith.constant 16 : i32
      %get3A_255 = arith.index_cast %get3A_254 : i32 to index
      %get3A_256 = arith.index_cast %mul3A_16 : i32 to index
      %get3A_257 = tpu.vector_load %arg5[%get3A_255, %get3A_256] {strides = array<i32>} : memref<64x1024xf32, #tpu.memory_space<vmem>>, vector<1x16xf32>,
      %get3A_258 = vector.shape_cast %get3A_257 : vector<1x16xf32> to vector<16xf32>
      %broadcast_in_dim3A_259 = arith.constant 16 : i32
      %broadcast_in_dim3A_260 = vector.broadcast %broadcast_in_dim3A_259 : i32 to vector<16xi32>
      %gt3A_261 = arith.cmpf ogt, %get3A_258, %select_n3A_253 : vector<16xf32>
      %gt3A_262 = arith.cmpf ogt, %get3A_258, %select_n3A_251 : vector<16xf32>
      %select_n3A_263 = arith.select %gt3A_262, %broadcast_in_dim3A_260, %select_n3A_249 : vector<16xi1>, vector<16xi32>
      %select_n3A_264 = arith.select %gt3A_261, %select_n3A_252, %select_n3A_263 : vector<16xi1>, vector<16xi32>
      %select_n3A_265 = arith.select %gt3A_262, %get3A_258, %select_n3A_251 : vector<16xi1>, vector<16xf32>
      %select_n3A_266 = arith.select %gt3A_261, %select_n3A_253, %select_n3A_265 : vector<16xi1>, vector<16xf32>
      %select_n3A_267 = arith.select %gt3A_261, %broadcast_in_dim3A_260, %select_n3A_252 : vector<16xi1>, vector<16xi32>
      %select_n3A_268 = arith.select %gt3A_261, %get3A_258, %select_n3A_253 : vector<16xi1>, vector<16xf32>
      %get3A_269 = arith.constant 17 : i32
      %get3A_270 = arith.index_cast %get3A_269 : i32 to index
      %get3A_271 = arith.index_cast %mul3A_16 : i32 to index
      %get3A_272 = tpu.vector_load %arg5[%get3A_270, %get3A_271] {strides = array<i32>} : memref<64x1024xf32, #tpu.memory_space<vmem>>, vector<1x16xf32>,
      %get3A_273 = vector.shape_cast %get3A_272 : vector<1x16xf32> to vector<16xf32>
      %broadcast_in_dim3A_274 = arith.constant 17 : i32
      %broadcast_in_dim3A_275 = vector.broadcast %broadcast_in_dim3A_274 : i32 to vector<16xi32>
      %gt3A_276 = arith.cmpf ogt, %get3A_273, %select_n3A_268 : vector<16xf32>
      %gt3A_277 = arith.cmpf ogt, %get3A_273, %select_n3A_266 : vector<16xf32>
      %select_n3A_278 = arith.select %gt3A_277, %broadcast_in_dim3A_275, %select_n3A_264 : vector<16xi1>, vector<16xi32>
      %select_n3A_279 = arith.select %gt3A_276, %select_n3A_267, %select_n3A_278 : vector<16xi1>, vector<16xi32>
      %select_n3A_280 = arith.select %gt3A_277, %get3A_273, %select_n3A_266 : vector<16xi1>, vector<16xf32>
      %select_n3A_281 = arith.select %gt3A_276, %select_n3A_268, %select_n3A_280 : vector<16xi1>, vector<16xf32>
      %select_n3A_282 = arith.select %gt3A_276, %broadcast_in_dim3A_275, %select_n3A_267 : vector<16xi1>, vector<16xi32>
      %select_n3A_283 = arith.select %gt3A_276, %get3A_273, %select_n3A_268 : vector<16xi1>, vector<16xf32>
      %get3A_284 = arith.constant 18 : i32
      %get3A_285 = arith.index_cast %get3A_284 : i32 to index
      %get3A_286 = arith.index_cast %mul3A_16 : i32 to index
      %get3A_287 = tpu.vector_load %arg5[%get3A_285, %get3A_286] {strides = array<i32>} : memref<64x1024xf32, #tpu.memory_space<vmem>>, vector<1x16xf32>,
      %get3A_288 = vector.shape_cast %get3A_287 : vector<1x16xf32> to vector<16xf32>
      %broadcast_in_dim3A_289 = arith.constant 18 : i32
      %broadcast_in_dim3A_290 = vector.broadcast %broadcast_in_dim3A_289 : i32 to vector<16xi32>
      %gt3A_291 = arith.cmpf ogt, %get3A_288, %select_n3A_283 : vector<16xf32>
      %gt3A_292 = arith.cmpf ogt, %get3A_288, %select_n3A_281 : vector<16xf32>
      %select_n3A_293 = arith.select %gt3A_292, %broadcast_in_dim3A_290, %select_n3A_279 : vector<16xi1>, vector<16xi32>
      %select_n3A_294 = arith.select %gt3A_291, %select_n3A_282, %select_n3A_293 : vector<16xi1>, vector<16xi32>
      %select_n3A_295 = arith.select %gt3A_292, %get3A_288, %select_n3A_281 : vector<16xi1>, vector<16xf32>
      %select_n3A_296 = arith.select %gt3A_291, %select_n3A_283, %select_n3A_295 : vector<16xi1>, vector<16xf32>
      %select_n3A_297 = arith.select %gt3A_291, %broadcast_in_dim3A_290, %select_n3A_282 : vector<16xi1>, vector<16xi32>
      %select_n3A_298 = arith.select %gt3A_291, %get3A_288, %select_n3A_283 : vector<16xi1>, vector<16xf32>
      %get3A_299 = arith.constant 19 : i32
      %get3A_300 = arith.index_cast %get3A_299 : i32 to index
      %get3A_301 = arith.index_cast %mul3A_16 : i32 to index
      %get3A_302 = tpu.vector_load %arg5[%get3A_300, %get3A_301] {strides = array<i32>} : memref<64x1024xf32, #tpu.memory_space<vmem>>, vector<1x16xf32>,
      %get3A_303 = vector.shape_cast %get3A_302 : vector<1x16xf32> to vector<16xf32>
      %broadcast_in_dim3A_304 = arith.constant 19 : i32
      %broadcast_in_dim3A_305 = vector.broadcast %broadcast_in_dim3A_304 : i32 to vector<16xi32>
      %gt3A_306 = arith.cmpf ogt, %get3A_303, %select_n3A_298 : vector<16xf32>
      %gt3A_307 = arith.cmpf ogt, %get3A_303, %select_n3A_296 : vector<16xf32>
      %select_n3A_308 = arith.select %gt3A_307, %broadcast_in_dim3A_305, %select_n3A_294 : vector<16xi1>, vector<16xi32>
      %select_n3A_309 = arith.select %gt3A_306, %select_n3A_297, %select_n3A_308 : vector<16xi1>, vector<16xi32>
      %select_n3A_310 = arith.select %gt3A_307, %get3A_303, %select_n3A_296 : vector<16xi1>, vector<16xf32>
      %select_n3A_311 = arith.select %gt3A_306, %select_n3A_298, %select_n3A_310 : vector<16xi1>, vector<16xf32>
      %select_n3A_312 = arith.select %gt3A_306, %broadcast_in_dim3A_305, %select_n3A_297 : vector<16xi1>, vector<16xi32>
      %select_n3A_313 = arith.select %gt3A_306, %get3A_303, %select_n3A_298 : vector<16xi1>, vector<16xf32>
      %get3A_314 = arith.constant 20 : i32
      %get3A_315 = arith.index_cast %get3A_314 : i32 to index
      %get3A_316 = arith.index_cast %mul3A_16 : i32 to index
      %get3A_317 = tpu.vector_load %arg5[%get3A_315, %get3A_316] {strides = array<i32>} : memref<64x1024xf32, #tpu.memory_space<vmem>>, vector<1x16xf32>,
      %get3A_318 = vector.shape_cast %get3A_317 : vector<1x16xf32> to vector<16xf32>
      %broadcast_in_dim3A_319 = arith.constant 20 : i32
      %broadcast_in_dim3A_320 = vector.broadcast %broadcast_in_dim3A_319 : i32 to vector<16xi32>
      %gt3A_321 = arith.cmpf ogt, %get3A_318, %select_n3A_313 : vector<16xf32>
      %gt3A_322 = arith.cmpf ogt, %get3A_318, %select_n3A_311 : vector<16xf32>
      %select_n3A_323 = arith.select %gt3A_322, %broadcast_in_dim3A_320, %select_n3A_309 : vector<16xi1>, vector<16xi32>
      %select_n3A_324 = arith.select %gt3A_321, %select_n3A_312, %select_n3A_323 : vector<16xi1>, vector<16xi32>
      %select_n3A_325 = arith.select %gt3A_322, %get3A_318, %select_n3A_311 : vector<16xi1>, vector<16xf32>
      %select_n3A_326 = arith.select %gt3A_321, %select_n3A_313, %select_n3A_325 : vector<16xi1>, vector<16xf32>
      %select_n3A_327 = arith.select %gt3A_321, %broadcast_in_dim3A_320, %select_n3A_312 : vector<16xi1>, vector<16xi32>
      %select_n3A_328 = arith.select %gt3A_321, %get3A_318, %select_n3A_313 : vector<16xi1>, vector<16xf32>
      %get3A_329 = arith.constant 21 : i32
      %get3A_330 = arith.index_cast %get3A_329 : i32 to index
      %get3A_331 = arith.index_cast %mul3A_16 : i32 to index
      %get3A_332 = tpu.vector_load %arg5[%get3A_330, %get3A_331] {strides = array<i32>} : memref<64x1024xf32, #tpu.memory_space<vmem>>, vector<1x16xf32>,
      %get3A_333 = vector.shape_cast %get3A_332 : vector<1x16xf32> to vector<16xf32>
      %broadcast_in_dim3A_334 = arith.constant 21 : i32
      %broadcast_in_dim3A_335 = vector.broadcast %broadcast_in_dim3A_334 : i32 to vector<16xi32>
      %gt3A_336 = arith.cmpf ogt, %get3A_333, %select_n3A_328 : vector<16xf32>
      %gt3A_337 = arith.cmpf ogt, %get3A_333, %select_n3A_326 : vector<16xf32>
      %select_n3A_338 = arith.select %gt3A_337, %broadcast_in_dim3A_335, %select_n3A_324 : vector<16xi1>, vector<16xi32>
      %select_n3A_339 = arith.select %gt3A_336, %select_n3A_327, %select_n3A_338 : vector<16xi1>, vector<16xi32>
      %select_n3A_340 = arith.select %gt3A_337, %get3A_333, %select_n3A_326 : vector<16xi1>, vector<16xf32>
      %select_n3A_341 = arith.select %gt3A_336, %select_n3A_328, %select_n3A_340 : vector<16xi1>, vector<16xf32>
      %select_n3A_342 = arith.select %gt3A_336, %broadcast_in_dim3A_335, %select_n3A_327 : vector<16xi1>, vector<16xi32>
      %select_n3A_343 = arith.select %gt3A_336, %get3A_333, %select_n3A_328 : vector<16xi1>, vector<16xf32>
      %get3A_344 = arith.constant 22 : i32
      %get3A_345 = arith.index_cast %get3A_344 : i32 to index
      %get3A_346 = arith.index_cast %mul3A_16 : i32 to index
      %get3A_347 = tpu.vector_load %arg5[%get3A_345, %get3A_346] {strides = array<i32>} : memref<64x1024xf32, #tpu.memory_space<vmem>>, vector<1x16xf32>,
      %get3A_348 = vector.shape_cast %get3A_347 : vector<1x16xf32> to vector<16xf32>
      %broadcast_in_dim3A_349 = arith.constant 22 : i32
      %broadcast_in_dim3A_350 = vector.broadcast %broadcast_in_dim3A_349 : i32 to vector<16xi32>
      %gt3A_351 = arith.cmpf ogt, %get3A_348, %select_n3A_343 : vector<16xf32>
      %gt3A_352 = arith.cmpf ogt, %get3A_348, %select_n3A_341 : vector<16xf32>
      %select_n3A_353 = arith.select %gt3A_352, %broadcast_in_dim3A_350, %select_n3A_339 : vector<16xi1>, vector<16xi32>
      %select_n3A_354 = arith.select %gt3A_351, %select_n3A_342, %select_n3A_353 : vector<16xi1>, vector<16xi32>
      %select_n3A_355 = arith.select %gt3A_352, %get3A_348, %select_n3A_341 : vector<16xi1>, vector<16xf32>
      %select_n3A_356 = arith.select %gt3A_351, %select_n3A_343, %select_n3A_355 : vector<16xi1>, vector<16xf32>
      %select_n3A_357 = arith.select %gt3A_351, %broadcast_in_dim3A_350, %select_n3A_342 : vector<16xi1>, vector<16xi32>
      %select_n3A_358 = arith.select %gt3A_351, %get3A_348, %select_n3A_343 : vector<16xi1>, vector<16xf32>
      %get3A_359 = arith.constant 23 : i32
      %get3A_360 = arith.index_cast %get3A_359 : i32 to index
      %get3A_361 = arith.index_cast %mul3A_16 : i32 to index
      %get3A_362 = tpu.vector_load %arg5[%get3A_360, %get3A_361] {strides = array<i32>} : memref<64x1024xf32, #tpu.memory_space<vmem>>, vector<1x16xf32>,
      %get3A_363 = vector.shape_cast %get3A_362 : vector<1x16xf32> to vector<16xf32>
      %broadcast_in_dim3A_364 = arith.constant 23 : i32
      %broadcast_in_dim3A_365 = vector.broadcast %broadcast_in_dim3A_364 : i32 to vector<16xi32>
      %gt3A_366 = arith.cmpf ogt, %get3A_363, %select_n3A_358 : vector<16xf32>
      %gt3A_367 = arith.cmpf ogt, %get3A_363, %select_n3A_356 : vector<16xf32>
      %select_n3A_368 = arith.select %gt3A_367, %broadcast_in_dim3A_365, %select_n3A_354 : vector<16xi1>, vector<16xi32>
      %select_n3A_369 = arith.select %gt3A_366, %select_n3A_357, %select_n3A_368 : vector<16xi1>, vector<16xi32>
      %select_n3A_370 = arith.select %gt3A_367, %get3A_363, %select_n3A_356 : vector<16xi1>, vector<16xf32>
      %select_n3A_371 = arith.select %gt3A_366, %select_n3A_358, %select_n3A_370 : vector<16xi1>, vector<16xf32>
      %select_n3A_372 = arith.select %gt3A_366, %broadcast_in_dim3A_365, %select_n3A_357 : vector<16xi1>, vector<16xi32>
      %select_n3A_373 = arith.select %gt3A_366, %get3A_363, %select_n3A_358 : vector<16xi1>, vector<16xf32>
      %get3A_374 = arith.constant 24 : i32
      %get3A_375 = arith.index_cast %get3A_374 : i32 to index
      %get3A_376 = arith.index_cast %mul3A_16 : i32 to index
      %get3A_377 = tpu.vector_load %arg5[%get3A_375, %get3A_376] {strides = array<i32>} : memref<64x1024xf32, #tpu.memory_space<vmem>>, vector<1x16xf32>,
      %get3A_378 = vector.shape_cast %get3A_377 : vector<1x16xf32> to vector<16xf32>
      %broadcast_in_dim3A_379 = arith.constant 24 : i32
      %broadcast_in_dim3A_380 = vector.broadcast %broadcast_in_dim3A_379 : i32 to vector<16xi32>
      %gt3A_381 = arith.cmpf ogt, %get3A_378, %select_n3A_373 : vector<16xf32>
      %gt3A_382 = arith.cmpf ogt, %get3A_378, %select_n3A_371 : vector<16xf32>
      %select_n3A_383 = arith.select %gt3A_382, %broadcast_in_dim3A_380, %select_n3A_369 : vector<16xi1>, vector<16xi32>
      %select_n3A_384 = arith.select %gt3A_381, %select_n3A_372, %select_n3A_383 : vector<16xi1>, vector<16xi32>
      %select_n3A_385 = arith.select %gt3A_382, %get3A_378, %select_n3A_371 : vector<16xi1>, vector<16xf32>
      %select_n3A_386 = arith.select %gt3A_381, %select_n3A_373, %select_n3A_385 : vector<16xi1>, vector<16xf32>
      %select_n3A_387 = arith.select %gt3A_381, %broadcast_in_dim3A_380, %select_n3A_372 : vector<16xi1>, vector<16xi32>
      %select_n3A_388 = arith.select %gt3A_381, %get3A_378, %select_n3A_373 : vector<16xi1>, vector<16xf32>
      %get3A_389 = arith.constant 25 : i32
      %get3A_390 = arith.index_cast %get3A_389 : i32 to index
      %get3A_391 = arith.index_cast %mul3A_16 : i32 to index
      %get3A_392 = tpu.vector_load %arg5[%get3A_390, %get3A_391] {strides = array<i32>} : memref<64x1024xf32, #tpu.memory_space<vmem>>, vector<1x16xf32>,
      %get3A_393 = vector.shape_cast %get3A_392 : vector<1x16xf32> to vector<16xf32>
      %broadcast_in_dim3A_394 = arith.constant 25 : i32
      %broadcast_in_dim3A_395 = vector.broadcast %broadcast_in_dim3A_394 : i32 to vector<16xi32>
      %gt3A_396 = arith.cmpf ogt, %get3A_393, %select_n3A_388 : vector<16xf32>
      %gt3A_397 = arith.cmpf ogt, %get3A_393, %select_n3A_386 : vector<16xf32>
      %select_n3A_398 = arith.select %gt3A_397, %broadcast_in_dim3A_395, %select_n3A_384 : vector<16xi1>, vector<16xi32>
      %select_n3A_399 = arith.select %gt3A_396, %select_n3A_387, %select_n3A_398 : vector<16xi1>, vector<16xi32>
      %select_n3A_400 = arith.select %gt3A_397, %get3A_393, %select_n3A_386 : vector<16xi1>, vector<16xf32>
      %select_n3A_401 = arith.select %gt3A_396, %select_n3A_388, %select_n3A_400 : vector<16xi1>, vector<16xf32>
      %select_n3A_402 = arith.select %gt3A_396, %broadcast_in_dim3A_395, %select_n3A_387 : vector<16xi1>, vector<16xi32>
      %select_n3A_403 = arith.select %gt3A_396, %get3A_393, %select_n3A_388 : vector<16xi1>, vector<16xf32>
      %get3A_404 = arith.constant 26 : i32
      %get3A_405 = arith.index_cast %get3A_404 : i32 to index
      %get3A_406 = arith.index_cast %mul3A_16 : i32 to index
      %get3A_407 = tpu.vector_load %arg5[%get3A_405, %get3A_406] {strides = array<i32>} : memref<64x1024xf32, #tpu.memory_space<vmem>>, vector<1x16xf32>,
      %get3A_408 = vector.shape_cast %get3A_407 : vector<1x16xf32> to vector<16xf32>
      %broadcast_in_dim3A_409 = arith.constant 26 : i32
      %broadcast_in_dim3A_410 = vector.broadcast %broadcast_in_dim3A_409 : i32 to vector<16xi32>
      %gt3A_411 = arith.cmpf ogt, %get3A_408, %select_n3A_403 : vector<16xf32>
      %gt3A_412 = arith.cmpf ogt, %get3A_408, %select_n3A_401 : vector<16xf32>
      %select_n3A_413 = arith.select %gt3A_412, %broadcast_in_dim3A_410, %select_n3A_399 : vector<16xi1>, vector<16xi32>
      %select_n3A_414 = arith.select %gt3A_411, %select_n3A_402, %select_n3A_413 : vector<16xi1>, vector<16xi32>
      %select_n3A_415 = arith.select %gt3A_412, %get3A_408, %select_n3A_401 : vector<16xi1>, vector<16xf32>
      %select_n3A_416 = arith.select %gt3A_411, %select_n3A_403, %select_n3A_415 : vector<16xi1>, vector<16xf32>
      %select_n3A_417 = arith.select %gt3A_411, %broadcast_in_dim3A_410, %select_n3A_402 : vector<16xi1>, vector<16xi32>
      %select_n3A_418 = arith.select %gt3A_411, %get3A_408, %select_n3A_403 : vector<16xi1>, vector<16xf32>
      %get3A_419 = arith.constant 27 : i32
      %get3A_420 = arith.index_cast %get3A_419 : i32 to index
      %get3A_421 = arith.index_cast %mul3A_16 : i32 to index
      %get3A_422 = tpu.vector_load %arg5[%get3A_420, %get3A_421] {strides = array<i32>} : memref<64x1024xf32, #tpu.memory_space<vmem>>, vector<1x16xf32>,
      %get3A_423 = vector.shape_cast %get3A_422 : vector<1x16xf32> to vector<16xf32>
      %broadcast_in_dim3A_424 = arith.constant 27 : i32
      %broadcast_in_dim3A_425 = vector.broadcast %broadcast_in_dim3A_424 : i32 to vector<16xi32>
      %gt3A_426 = arith.cmpf ogt, %get3A_423, %select_n3A_418 : vector<16xf32>
      %gt3A_427 = arith.cmpf ogt, %get3A_423, %select_n3A_416 : vector<16xf32>
      %select_n3A_428 = arith.select %gt3A_427, %broadcast_in_dim3A_425, %select_n3A_414 : vector<16xi1>, vector<16xi32>
      %select_n3A_429 = arith.select %gt3A_426, %select_n3A_417, %select_n3A_428 : vector<16xi1>, vector<16xi32>
      %select_n3A_430 = arith.select %gt3A_427, %get3A_423, %select_n3A_416 : vector<16xi1>, vector<16xf32>
      %select_n3A_431 = arith.select %gt3A_426, %select_n3A_418, %select_n3A_430 : vector<16xi1>, vector<16xf32>
      %select_n3A_432 = arith.select %gt3A_426, %broadcast_in_dim3A_425, %select_n3A_417 : vector<16xi1>, vector<16xi32>
      %select_n3A_433 = arith.select %gt3A_426, %get3A_423, %select_n3A_418 : vector<16xi1>, vector<16xf32>
      %get3A_434 = arith.constant 28 : i32
      %get3A_435 = arith.index_cast %get3A_434 : i32 to index
      %get3A_436 = arith.index_cast %mul3A_16 : i32 to index
      %get3A_437 = tpu.vector_load %arg5[%get3A_435, %get3A_436] {strides = array<i32>} : memref<64x1024xf32, #tpu.memory_space<vmem>>, vector<1x16xf32>,
      %get3A_438 = vector.shape_cast %get3A_437 : vector<1x16xf32> to vector<16xf32>
      %broadcast_in_dim3A_439 = arith.constant 28 : i32
      %broadcast_in_dim3A_440 = vector.broadcast %broadcast_in_dim3A_439 : i32 to vector<16xi32>
      %gt3A_441 = arith.cmpf ogt, %get3A_438, %select_n3A_433 : vector<16xf32>
      %gt3A_442 = arith.cmpf ogt, %get3A_438, %select_n3A_431 : vector<16xf32>
      %select_n3A_443 = arith.select %gt3A_442, %broadcast_in_dim3A_440, %select_n3A_429 : vector<16xi1>, vector<16xi32>
      %select_n3A_444 = arith.select %gt3A_441, %select_n3A_432, %select_n3A_443 : vector<16xi1>, vector<16xi32>
      %select_n3A_445 = arith.select %gt3A_442, %get3A_438, %select_n3A_431 : vector<16xi1>, vector<16xf32>
      %select_n3A_446 = arith.select %gt3A_441, %select_n3A_433, %select_n3A_445 : vector<16xi1>, vector<16xf32>
      %select_n3A_447 = arith.select %gt3A_441, %broadcast_in_dim3A_440, %select_n3A_432 : vector<16xi1>, vector<16xi32>
      %select_n3A_448 = arith.select %gt3A_441, %get3A_438, %select_n3A_433 : vector<16xi1>, vector<16xf32>
      %get3A_449 = arith.constant 29 : i32
      %get3A_450 = arith.index_cast %get3A_449 : i32 to index
      %get3A_451 = arith.index_cast %mul3A_16 : i32 to index
      %get3A_452 = tpu.vector_load %arg5[%get3A_450, %get3A_451] {strides = array<i32>} : memref<64x1024xf32, #tpu.memory_space<vmem>>, vector<1x16xf32>,
      %get3A_453 = vector.shape_cast %get3A_452 : vector<1x16xf32> to vector<16xf32>
      %broadcast_in_dim3A_454 = arith.constant 29 : i32
      %broadcast_in_dim3A_455 = vector.broadcast %broadcast_in_dim3A_454 : i32 to vector<16xi32>
      %gt3A_456 = arith.cmpf ogt, %get3A_453, %select_n3A_448 : vector<16xf32>
      %gt3A_457 = arith.cmpf ogt, %get3A_453, %select_n3A_446 : vector<16xf32>
      %select_n3A_458 = arith.select %gt3A_457, %broadcast_in_dim3A_455, %select_n3A_444 : vector<16xi1>, vector<16xi32>
      %select_n3A_459 = arith.select %gt3A_456, %select_n3A_447, %select_n3A_458 : vector<16xi1>, vector<16xi32>
      %select_n3A_460 = arith.select %gt3A_457, %get3A_453, %select_n3A_446 : vector<16xi1>, vector<16xf32>
      %select_n3A_461 = arith.select %gt3A_456, %select_n3A_448, %select_n3A_460 : vector<16xi1>, vector<16xf32>
      %select_n3A_462 = arith.select %gt3A_456, %broadcast_in_dim3A_455, %select_n3A_447 : vector<16xi1>, vector<16xi32>
      %select_n3A_463 = arith.select %gt3A_456, %get3A_453, %select_n3A_448 : vector<16xi1>, vector<16xf32>
      %get3A_464 = arith.constant 30 : i32
      %get3A_465 = arith.index_cast %get3A_464 : i32 to index
      %get3A_466 = arith.index_cast %mul3A_16 : i32 to index
      %get3A_467 = tpu.vector_load %arg5[%get3A_465, %get3A_466] {strides = array<i32>} : memref<64x1024xf32, #tpu.memory_space<vmem>>, vector<1x16xf32>,
      %get3A_468 = vector.shape_cast %get3A_467 : vector<1x16xf32> to vector<16xf32>
      %broadcast_in_dim3A_469 = arith.constant 30 : i32
      %broadcast_in_dim3A_470 = vector.broadcast %broadcast_in_dim3A_469 : i32 to vector<16xi32>
      %gt3A_471 = arith.cmpf ogt, %get3A_468, %select_n3A_463 : vector<16xf32>
      %gt3A_472 = arith.cmpf ogt, %get3A_468, %select_n3A_461 : vector<16xf32>
      %select_n3A_473 = arith.select %gt3A_472, %broadcast_in_dim3A_470, %select_n3A_459 : vector<16xi1>, vector<16xi32>
      %select_n3A_474 = arith.select %gt3A_471, %select_n3A_462, %select_n3A_473 : vector<16xi1>, vector<16xi32>
      %select_n3A_475 = arith.select %gt3A_472, %get3A_468, %select_n3A_461 : vector<16xi1>, vector<16xf32>
      %select_n3A_476 = arith.select %gt3A_471, %select_n3A_463, %select_n3A_475 : vector<16xi1>, vector<16xf32>
      %select_n3A_477 = arith.select %gt3A_471, %broadcast_in_dim3A_470, %select_n3A_462 : vector<16xi1>, vector<16xi32>
      %select_n3A_478 = arith.select %gt3A_471, %get3A_468, %select_n3A_463 : vector<16xi1>, vector<16xf32>
      %get3A_479 = arith.constant 31 : i32
      %get3A_480 = arith.index_cast %get3A_479 : i32 to index
      %get3A_481 = arith.index_cast %mul3A_16 : i32 to index
      %get3A_482 = tpu.vector_load %arg5[%get3A_480, %get3A_481] {strides = array<i32>} : memref<64x1024xf32, #tpu.memory_space<vmem>>, vector<1x16xf32>,
      %get3A_483 = vector.shape_cast %get3A_482 : vector<1x16xf32> to vector<16xf32>
      %broadcast_in_dim3A_484 = arith.constant 31 : i32
      %broadcast_in_dim3A_485 = vector.broadcast %broadcast_in_dim3A_484 : i32 to vector<16xi32>
      %gt3A_486 = arith.cmpf ogt, %get3A_483, %select_n3A_478 : vector<16xf32>
      %gt3A_487 = arith.cmpf ogt, %get3A_483, %select_n3A_476 : vector<16xf32>
      %select_n3A_488 = arith.select %gt3A_487, %broadcast_in_dim3A_485, %select_n3A_474 : vector<16xi1>, vector<16xi32>
      %select_n3A_489 = arith.select %gt3A_486, %select_n3A_477, %select_n3A_488 : vector<16xi1>, vector<16xi32>
      %select_n3A_490 = arith.select %gt3A_487, %get3A_483, %select_n3A_476 : vector<16xi1>, vector<16xf32>
      %select_n3A_491 = arith.select %gt3A_486, %select_n3A_478, %select_n3A_490 : vector<16xi1>, vector<16xf32>
      %select_n3A_492 = arith.select %gt3A_486, %broadcast_in_dim3A_485, %select_n3A_477 : vector<16xi1>, vector<16xi32>
      %select_n3A_493 = arith.select %gt3A_486, %get3A_483, %select_n3A_478 : vector<16xi1>, vector<16xf32>
      %get3A_494 = arith.constant 32 : i32
      %get3A_495 = arith.index_cast %get3A_494 : i32 to index
      %get3A_496 = arith.index_cast %mul3A_16 : i32 to index
      %get3A_497 = tpu.vector_load %arg5[%get3A_495, %get3A_496] {strides = array<i32>} : memref<64x1024xf32, #tpu.memory_space<vmem>>, vector<1x16xf32>,
      %get3A_498 = vector.shape_cast %get3A_497 : vector<1x16xf32> to vector<16xf32>
      %broadcast_in_dim3A_499 = arith.constant 32 : i32
      %broadcast_in_dim3A_500 = vector.broadcast %broadcast_in_dim3A_499 : i32 to vector<16xi32>
      %gt3A_501 = arith.cmpf ogt, %get3A_498, %select_n3A_493 : vector<16xf32>
      %gt3A_502 = arith.cmpf ogt, %get3A_498, %select_n3A_491 : vector<16xf32>
      %select_n3A_503 = arith.select %gt3A_502, %broadcast_in_dim3A_500, %select_n3A_489 : vector<16xi1>, vector<16xi32>
      %select_n3A_504 = arith.select %gt3A_501, %select_n3A_492, %select_n3A_503 : vector<16xi1>, vector<16xi32>
      %select_n3A_505 = arith.select %gt3A_502, %get3A_498, %select_n3A_491 : vector<16xi1>, vector<16xf32>
      %select_n3A_506 = arith.select %gt3A_501, %select_n3A_493, %select_n3A_505 : vector<16xi1>, vector<16xf32>
      %select_n3A_507 = arith.select %gt3A_501, %broadcast_in_dim3A_500, %select_n3A_492 : vector<16xi1>, vector<16xi32>
      %select_n3A_508 = arith.select %gt3A_501, %get3A_498, %select_n3A_493 : vector<16xi1>, vector<16xf32>
      %get3A_509 = arith.constant 33 : i32
      %get3A_510 = arith.index_cast %get3A_509 : i32 to index
      %get3A_511 = arith.index_cast %mul3A_16 : i32 to index
      %get3A_512 = tpu.vector_load %arg5[%get3A_510, %get3A_511] {strides = array<i32>} : memref<64x1024xf32, #tpu.memory_space<vmem>>, vector<1x16xf32>,
      %get3A_513 = vector.shape_cast %get3A_512 : vector<1x16xf32> to vector<16xf32>
      %broadcast_in_dim3A_514 = arith.constant 33 : i32
      %broadcast_in_dim3A_515 = vector.broadcast %broadcast_in_dim3A_514 : i32 to vector<16xi32>
      %gt3A_516 = arith.cmpf ogt, %get3A_513, %select_n3A_508 : vector<16xf32>
      %gt3A_517 = arith.cmpf ogt, %get3A_513, %select_n3A_506 : vector<16xf32>
      %select_n3A_518 = arith.select %gt3A_517, %broadcast_in_dim3A_515, %select_n3A_504 : vector<16xi1>, vector<16xi32>
      %select_n3A_519 = arith.select %gt3A_516, %select_n3A_507, %select_n3A_518 : vector<16xi1>, vector<16xi32>
      %select_n3A_520 = arith.select %gt3A_517, %get3A_513, %select_n3A_506 : vector<16xi1>, vector<16xf32>
      %select_n3A_521 = arith.select %gt3A_516, %select_n3A_508, %select_n3A_520 : vector<16xi1>, vector<16xf32>
      %select_n3A_522 = arith.select %gt3A_516, %broadcast_in_dim3A_515, %select_n3A_507 : vector<16xi1>, vector<16xi32>
      %select_n3A_523 = arith.select %gt3A_516, %get3A_513, %select_n3A_508 : vector<16xi1>, vector<16xf32>
      %get3A_524 = arith.constant 34 : i32
      %get3A_525 = arith.index_cast %get3A_524 : i32 to index
      %get3A_526 = arith.index_cast %mul3A_16 : i32 to index
      %get3A_527 = tpu.vector_load %arg5[%get3A_525, %get3A_526] {strides = array<i32>} : memref<64x1024xf32, #tpu.memory_space<vmem>>, vector<1x16xf32>,
      %get3A_528 = vector.shape_cast %get3A_527 : vector<1x16xf32> to vector<16xf32>
      %broadcast_in_dim3A_529 = arith.constant 34 : i32
      %broadcast_in_dim3A_530 = vector.broadcast %broadcast_in_dim3A_529 : i32 to vector<16xi32>
      %gt3A_531 = arith.cmpf ogt, %get3A_528, %select_n3A_523 : vector<16xf32>
      %gt3A_532 = arith.cmpf ogt, %get3A_528, %select_n3A_521 : vector<16xf32>
      %select_n3A_533 = arith.select %gt3A_532, %broadcast_in_dim3A_530, %select_n3A_519 : vector<16xi1>, vector<16xi32>
      %select_n3A_534 = arith.select %gt3A_531, %select_n3A_522, %select_n3A_533 : vector<16xi1>, vector<16xi32>
      %select_n3A_535 = arith.select %gt3A_532, %get3A_528, %select_n3A_521 : vector<16xi1>, vector<16xf32>
      %select_n3A_536 = arith.select %gt3A_531, %select_n3A_523, %select_n3A_535 : vector<16xi1>, vector<16xf32>
      %select_n3A_537 = arith.select %gt3A_531, %broadcast_in_dim3A_530, %select_n3A_522 : vector<16xi1>, vector<16xi32>
      %select_n3A_538 = arith.select %gt3A_531, %get3A_528, %select_n3A_523 : vector<16xi1>, vector<16xf32>
      %get3A_539 = arith.constant 35 : i32
      %get3A_540 = arith.index_cast %get3A_539 : i32 to index
      %get3A_541 = arith.index_cast %mul3A_16 : i32 to index
      %get3A_542 = tpu.vector_load %arg5[%get3A_540, %get3A_541] {strides = array<i32>} : memref<64x1024xf32, #tpu.memory_space<vmem>>, vector<1x16xf32>,
      %get3A_543 = vector.shape_cast %get3A_542 : vector<1x16xf32> to vector<16xf32>
      %broadcast_in_dim3A_544 = arith.constant 35 : i32
      %broadcast_in_dim3A_545 = vector.broadcast %broadcast_in_dim3A_544 : i32 to vector<16xi32>
      %gt3A_546 = arith.cmpf ogt, %get3A_543, %select_n3A_538 : vector<16xf32>
      %gt3A_547 = arith.cmpf ogt, %get3A_543, %select_n3A_536 : vector<16xf32>
      %select_n3A_548 = arith.select %gt3A_547, %broadcast_in_dim3A_545, %select_n3A_534 : vector<16xi1>, vector<16xi32>
      %select_n3A_549 = arith.select %gt3A_546, %select_n3A_537, %select_n3A_548 : vector<16xi1>, vector<16xi32>
      %select_n3A_550 = arith.select %gt3A_547, %get3A_543, %select_n3A_536 : vector<16xi1>, vector<16xf32>
      %select_n3A_551 = arith.select %gt3A_546, %select_n3A_538, %select_n3A_550 : vector<16xi1>, vector<16xf32>
      %select_n3A_552 = arith.select %gt3A_546, %broadcast_in_dim3A_545, %select_n3A_537 : vector<16xi1>, vector<16xi32>
      %select_n3A_553 = arith.select %gt3A_546, %get3A_543, %select_n3A_538 : vector<16xi1>, vector<16xf32>
      %get3A_554 = arith.constant 36 : i32
      %get3A_555 = arith.index_cast %get3A_554 : i32 to index
      %get3A_556 = arith.index_cast %mul3A_16 : i32 to index
      %get3A_557 = tpu.vector_load %arg5[%get3A_555, %get3A_556] {strides = array<i32>} : memref<64x1024xf32, #tpu.memory_space<vmem>>, vector<1x16xf32>,
      %get3A_558 = vector.shape_cast %get3A_557 : vector<1x16xf32> to vector<16xf32>
      %broadcast_in_dim3A_559 = arith.constant 36 : i32
      %broadcast_in_dim3A_560 = vector.broadcast %broadcast_in_dim3A_559 : i32 to vector<16xi32>
      %gt3A_561 = arith.cmpf ogt, %get3A_558, %select_n3A_553 : vector<16xf32>
      %gt3A_562 = arith.cmpf ogt, %get3A_558, %select_n3A_551 : vector<16xf32>
      %select_n3A_563 = arith.select %gt3A_562, %broadcast_in_dim3A_560, %select_n3A_549 : vector<16xi1>, vector<16xi32>
      %select_n3A_564 = arith.select %gt3A_561, %select_n3A_552, %select_n3A_563 : vector<16xi1>, vector<16xi32>
      %select_n3A_565 = arith.select %gt3A_562, %get3A_558, %select_n3A_551 : vector<16xi1>, vector<16xf32>
      %select_n3A_566 = arith.select %gt3A_561, %select_n3A_553, %select_n3A_565 : vector<16xi1>, vector<16xf32>
      %select_n3A_567 = arith.select %gt3A_561, %broadcast_in_dim3A_560, %select_n3A_552 : vector<16xi1>, vector<16xi32>
      %select_n3A_568 = arith.select %gt3A_561, %get3A_558, %select_n3A_553 : vector<16xi1>, vector<16xf32>
      %get3A_569 = arith.constant 37 : i32
      %get3A_570 = arith.index_cast %get3A_569 : i32 to index
      %get3A_571 = arith.index_cast %mul3A_16 : i32 to index
      %get3A_572 = tpu.vector_load %arg5[%get3A_570, %get3A_571] {strides = array<i32>} : memref<64x1024xf32, #tpu.memory_space<vmem>>, vector<1x16xf32>,
      %get3A_573 = vector.shape_cast %get3A_572 : vector<1x16xf32> to vector<16xf32>
      %broadcast_in_dim3A_574 = arith.constant 37 : i32
      %broadcast_in_dim3A_575 = vector.broadcast %broadcast_in_dim3A_574 : i32 to vector<16xi32>
      %gt3A_576 = arith.cmpf ogt, %get3A_573, %select_n3A_568 : vector<16xf32>
      %gt3A_577 = arith.cmpf ogt, %get3A_573, %select_n3A_566 : vector<16xf32>
      %select_n3A_578 = arith.select %gt3A_577, %broadcast_in_dim3A_575, %select_n3A_564 : vector<16xi1>, vector<16xi32>
      %select_n3A_579 = arith.select %gt3A_576, %select_n3A_567, %select_n3A_578 : vector<16xi1>, vector<16xi32>
      %select_n3A_580 = arith.select %gt3A_577, %get3A_573, %select_n3A_566 : vector<16xi1>, vector<16xf32>
      %select_n3A_581 = arith.select %gt3A_576, %select_n3A_568, %select_n3A_580 : vector<16xi1>, vector<16xf32>
      %select_n3A_582 = arith.select %gt3A_576, %broadcast_in_dim3A_575, %select_n3A_567 : vector<16xi1>, vector<16xi32>
      %select_n3A_583 = arith.select %gt3A_576, %get3A_573, %select_n3A_568 : vector<16xi1>, vector<16xf32>
      %get3A_584 = arith.constant 38 : i32
      %get3A_585 = arith.index_cast %get3A_584 : i32 to index
      %get3A_586 = arith.index_cast %mul3A_16 : i32 to index
      %get3A_587 = tpu.vector_load %arg5[%get3A_585, %get3A_586] {strides = array<i32>} : memref<64x1024xf32, #tpu.memory_space<vmem>>, vector<1x16xf32>,
      %get3A_588 = vector.shape_cast %get3A_587 : vector<1x16xf32> to vector<16xf32>
      %broadcast_in_dim3A_589 = arith.constant 38 : i32
      %broadcast_in_dim3A_590 = vector.broadcast %broadcast_in_dim3A_589 : i32 to vector<16xi32>
      %gt3A_591 = arith.cmpf ogt, %get3A_588, %select_n3A_583 : vector<16xf32>
      %gt3A_592 = arith.cmpf ogt, %get3A_588, %select_n3A_581 : vector<16xf32>
      %select_n3A_593 = arith.select %gt3A_592, %broadcast_in_dim3A_590, %select_n3A_579 : vector<16xi1>, vector<16xi32>
      %select_n3A_594 = arith.select %gt3A_591, %select_n3A_582, %select_n3A_593 : vector<16xi1>, vector<16xi32>
      %select_n3A_595 = arith.select %gt3A_592, %get3A_588, %select_n3A_581 : vector<16xi1>, vector<16xf32>
      %select_n3A_596 = arith.select %gt3A_591, %select_n3A_583, %select_n3A_595 : vector<16xi1>, vector<16xf32>
      %select_n3A_597 = arith.select %gt3A_591, %broadcast_in_dim3A_590, %select_n3A_582 : vector<16xi1>, vector<16xi32>
      %select_n3A_598 = arith.select %gt3A_591, %get3A_588, %select_n3A_583 : vector<16xi1>, vector<16xf32>
      %get3A_599 = arith.constant 39 : i32
      %get3A_600 = arith.index_cast %get3A_599 : i32 to index
      %get3A_601 = arith.index_cast %mul3A_16 : i32 to index
      %get3A_602 = tpu.vector_load %arg5[%get3A_600, %get3A_601] {strides = array<i32>} : memref<64x1024xf32, #tpu.memory_space<vmem>>, vector<1x16xf32>,
      %get3A_603 = vector.shape_cast %get3A_602 : vector<1x16xf32> to vector<16xf32>
      %broadcast_in_dim3A_604 = arith.constant 39 : i32
      %broadcast_in_dim3A_605 = vector.broadcast %broadcast_in_dim3A_604 : i32 to vector<16xi32>
      %gt3A_606 = arith.cmpf ogt, %get3A_603, %select_n3A_598 : vector<16xf32>
      %gt3A_607 = arith.cmpf ogt, %get3A_603, %select_n3A_596 : vector<16xf32>
      %select_n3A_608 = arith.select %gt3A_607, %broadcast_in_dim3A_605, %select_n3A_594 : vector<16xi1>, vector<16xi32>
      %select_n3A_609 = arith.select %gt3A_606, %select_n3A_597, %select_n3A_608 : vector<16xi1>, vector<16xi32>
      %select_n3A_610 = arith.select %gt3A_607, %get3A_603, %select_n3A_596 : vector<16xi1>, vector<16xf32>
      %select_n3A_611 = arith.select %gt3A_606, %select_n3A_598, %select_n3A_610 : vector<16xi1>, vector<16xf32>
      %select_n3A_612 = arith.select %gt3A_606, %broadcast_in_dim3A_605, %select_n3A_597 : vector<16xi1>, vector<16xi32>
      %select_n3A_613 = arith.select %gt3A_606, %get3A_603, %select_n3A_598 : vector<16xi1>, vector<16xf32>
      %get3A_614 = arith.constant 40 : i32
      %get3A_615 = arith.index_cast %get3A_614 : i32 to index
      %get3A_616 = arith.index_cast %mul3A_16 : i32 to index
      %get3A_617 = tpu.vector_load %arg5[%get3A_615, %get3A_616] {strides = array<i32>} : memref<64x1024xf32, #tpu.memory_space<vmem>>, vector<1x16xf32>,
      %get3A_618 = vector.shape_cast %get3A_617 : vector<1x16xf32> to vector<16xf32>
      %broadcast_in_dim3A_619 = arith.constant 40 : i32
      %broadcast_in_dim3A_620 = vector.broadcast %broadcast_in_dim3A_619 : i32 to vector<16xi32>
      %gt3A_621 = arith.cmpf ogt, %get3A_618, %select_n3A_613 : vector<16xf32>
      %gt3A_622 = arith.cmpf ogt, %get3A_618, %select_n3A_611 : vector<16xf32>
      %select_n3A_623 = arith.select %gt3A_622, %broadcast_in_dim3A_620, %select_n3A_609 : vector<16xi1>, vector<16xi32>
      %select_n3A_624 = arith.select %gt3A_621, %select_n3A_612, %select_n3A_623 : vector<16xi1>, vector<16xi32>
      %select_n3A_625 = arith.select %gt3A_622, %get3A_618, %select_n3A_611 : vector<16xi1>, vector<16xf32>
      %select_n3A_626 = arith.select %gt3A_621, %select_n3A_613, %select_n3A_625 : vector<16xi1>, vector<16xf32>
      %select_n3A_627 = arith.select %gt3A_621, %broadcast_in_dim3A_620, %select_n3A_612 : vector<16xi1>, vector<16xi32>
      %select_n3A_628 = arith.select %gt3A_621, %get3A_618, %select_n3A_613 : vector<16xi1>, vector<16xf32>
      %get3A_629 = arith.constant 41 : i32
      %get3A_630 = arith.index_cast %get3A_629 : i32 to index
      %get3A_631 = arith.index_cast %mul3A_16 : i32 to index
      %get3A_632 = tpu.vector_load %arg5[%get3A_630, %get3A_631] {strides = array<i32>} : memref<64x1024xf32, #tpu.memory_space<vmem>>, vector<1x16xf32>,
      %get3A_633 = vector.shape_cast %get3A_632 : vector<1x16xf32> to vector<16xf32>
      %broadcast_in_dim3A_634 = arith.constant 41 : i32
      %broadcast_in_dim3A_635 = vector.broadcast %broadcast_in_dim3A_634 : i32 to vector<16xi32>
      %gt3A_636 = arith.cmpf ogt, %get3A_633, %select_n3A_628 : vector<16xf32>
      %gt3A_637 = arith.cmpf ogt, %get3A_633, %select_n3A_626 : vector<16xf32>
      %select_n3A_638 = arith.select %gt3A_637, %broadcast_in_dim3A_635, %select_n3A_624 : vector<16xi1>, vector<16xi32>
      %select_n3A_639 = arith.select %gt3A_636, %select_n3A_627, %select_n3A_638 : vector<16xi1>, vector<16xi32>
      %select_n3A_640 = arith.select %gt3A_637, %get3A_633, %select_n3A_626 : vector<16xi1>, vector<16xf32>
      %select_n3A_641 = arith.select %gt3A_636, %select_n3A_628, %select_n3A_640 : vector<16xi1>, vector<16xf32>
      %select_n3A_642 = arith.select %gt3A_636, %broadcast_in_dim3A_635, %select_n3A_627 : vector<16xi1>, vector<16xi32>
      %select_n3A_643 = arith.select %gt3A_636, %get3A_633, %select_n3A_628 : vector<16xi1>, vector<16xf32>
      %get3A_644 = arith.constant 42 : i32
      %get3A_645 = arith.index_cast %get3A_644 : i32 to index
      %get3A_646 = arith.index_cast %mul3A_16 : i32 to index
      %get3A_647 = tpu.vector_load %arg5[%get3A_645, %get3A_646] {strides = array<i32>} : memref<64x1024xf32, #tpu.memory_space<vmem>>, vector<1x16xf32>,
      %get3A_648 = vector.shape_cast %get3A_647 : vector<1x16xf32> to vector<16xf32>
      %broadcast_in_dim3A_649 = arith.constant 42 : i32
      %broadcast_in_dim3A_650 = vector.broadcast %broadcast_in_dim3A_649 : i32 to vector<16xi32>
      %gt3A_651 = arith.cmpf ogt, %get3A_648, %select_n3A_643 : vector<16xf32>
      %gt3A_652 = arith.cmpf ogt, %get3A_648, %select_n3A_641 : vector<16xf32>
      %select_n3A_653 = arith.select %gt3A_652, %broadcast_in_dim3A_650, %select_n3A_639 : vector<16xi1>, vector<16xi32>
      %select_n3A_654 = arith.select %gt3A_651, %select_n3A_642, %select_n3A_653 : vector<16xi1>, vector<16xi32>
      %select_n3A_655 = arith.select %gt3A_652, %get3A_648, %select_n3A_641 : vector<16xi1>, vector<16xf32>
      %select_n3A_656 = arith.select %gt3A_651, %select_n3A_643, %select_n3A_655 : vector<16xi1>, vector<16xf32>
      %select_n3A_657 = arith.select %gt3A_651, %broadcast_in_dim3A_650, %select_n3A_642 : vector<16xi1>, vector<16xi32>
      %select_n3A_658 = arith.select %gt3A_651, %get3A_648, %select_n3A_643 : vector<16xi1>, vector<16xf32>
      %get3A_659 = arith.constant 43 : i32
      %get3A_660 = arith.index_cast %get3A_659 : i32 to index
      %get3A_661 = arith.index_cast %mul3A_16 : i32 to index
      %get3A_662 = tpu.vector_load %arg5[%get3A_660, %get3A_661] {strides = array<i32>} : memref<64x1024xf32, #tpu.memory_space<vmem>>, vector<1x16xf32>,
      %get3A_663 = vector.shape_cast %get3A_662 : vector<1x16xf32> to vector<16xf32>
      %broadcast_in_dim3A_664 = arith.constant 43 : i32
      %broadcast_in_dim3A_665 = vector.broadcast %broadcast_in_dim3A_664 : i32 to vector<16xi32>
      %gt3A_666 = arith.cmpf ogt, %get3A_663, %select_n3A_658 : vector<16xf32>
      %gt3A_667 = arith.cmpf ogt, %get3A_663, %select_n3A_656 : vector<16xf32>
      %select_n3A_668 = arith.select %gt3A_667, %broadcast_in_dim3A_665, %select_n3A_654 : vector<16xi1>, vector<16xi32>
      %select_n3A_669 = arith.select %gt3A_666, %select_n3A_657, %select_n3A_668 : vector<16xi1>, vector<16xi32>
      %select_n3A_670 = arith.select %gt3A_667, %get3A_663, %select_n3A_656 : vector<16xi1>, vector<16xf32>
      %select_n3A_671 = arith.select %gt3A_666, %select_n3A_658, %select_n3A_670 : vector<16xi1>, vector<16xf32>
      %select_n3A_672 = arith.select %gt3A_666, %broadcast_in_dim3A_665, %select_n3A_657 : vector<16xi1>, vector<16xi32>
      %select_n3A_673 = arith.select %gt3A_666, %get3A_663, %select_n3A_658 : vector<16xi1>, vector<16xf32>
      %get3A_674 = arith.constant 44 : i32
      %get3A_675 = arith.index_cast %get3A_674 : i32 to index
      %get3A_676 = arith.index_cast %mul3A_16 : i32 to index
      %get3A_677 = tpu.vector_load %arg5[%get3A_675, %get3A_676] {strides = array<i32>} : memref<64x1024xf32, #tpu.memory_space<vmem>>, vector<1x16xf32>,
      %get3A_678 = vector.shape_cast %get3A_677 : vector<1x16xf32> to vector<16xf32>
      %broadcast_in_dim3A_679 = arith.constant 44 : i32
      %broadcast_in_dim3A_680 = vector.broadcast %broadcast_in_dim3A_679 : i32 to vector<16xi32>
      %gt3A_681 = arith.cmpf ogt, %get3A_678, %select_n3A_673 : vector<16xf32>
      %gt3A_682 = arith.cmpf ogt, %get3A_678, %select_n3A_671 : vector<16xf32>
      %select_n3A_683 = arith.select %gt3A_682, %broadcast_in_dim3A_680, %select_n3A_669 : vector<16xi1>, vector<16xi32>
      %select_n3A_684 = arith.select %gt3A_681, %select_n3A_672, %select_n3A_683 : vector<16xi1>, vector<16xi32>
      %select_n3A_685 = arith.select %gt3A_682, %get3A_678, %select_n3A_671 : vector<16xi1>, vector<16xf32>
      %select_n3A_686 = arith.select %gt3A_681, %select_n3A_673, %select_n3A_685 : vector<16xi1>, vector<16xf32>
      %select_n3A_687 = arith.select %gt3A_681, %broadcast_in_dim3A_680, %select_n3A_672 : vector<16xi1>, vector<16xi32>
      %select_n3A_688 = arith.select %gt3A_681, %get3A_678, %select_n3A_673 : vector<16xi1>, vector<16xf32>
      %get3A_689 = arith.constant 45 : i32
      %get3A_690 = arith.index_cast %get3A_689 : i32 to index
      %get3A_691 = arith.index_cast %mul3A_16 : i32 to index
      %get3A_692 = tpu.vector_load %arg5[%get3A_690, %get3A_691] {strides = array<i32>} : memref<64x1024xf32, #tpu.memory_space<vmem>>, vector<1x16xf32>,
      %get3A_693 = vector.shape_cast %get3A_692 : vector<1x16xf32> to vector<16xf32>
      %broadcast_in_dim3A_694 = arith.constant 45 : i32
      %broadcast_in_dim3A_695 = vector.broadcast %broadcast_in_dim3A_694 : i32 to vector<16xi32>
      %gt3A_696 = arith.cmpf ogt, %get3A_693, %select_n3A_688 : vector<16xf32>
      %gt3A_697 = arith.cmpf ogt, %get3A_693, %select_n3A_686 : vector<16xf32>
      %select_n3A_698 = arith.select %gt3A_697, %broadcast_in_dim3A_695, %select_n3A_684 : vector<16xi1>, vector<16xi32>
      %select_n3A_699 = arith.select %gt3A_696, %select_n3A_687, %select_n3A_698 : vector<16xi1>, vector<16xi32>
      %select_n3A_700 = arith.select %gt3A_697, %get3A_693, %select_n3A_686 : vector<16xi1>, vector<16xf32>
      %select_n3A_701 = arith.select %gt3A_696, %select_n3A_688, %select_n3A_700 : vector<16xi1>, vector<16xf32>
      %select_n3A_702 = arith.select %gt3A_696, %broadcast_in_dim3A_695, %select_n3A_687 : vector<16xi1>, vector<16xi32>
      %select_n3A_703 = arith.select %gt3A_696, %get3A_693, %select_n3A_688 : vector<16xi1>, vector<16xf32>
      %get3A_704 = arith.constant 46 : i32
      %get3A_705 = arith.index_cast %get3A_704 : i32 to index
      %get3A_706 = arith.index_cast %mul3A_16 : i32 to index
      %get3A_707 = tpu.vector_load %arg5[%get3A_705, %get3A_706] {strides = array<i32>} : memref<64x1024xf32, #tpu.memory_space<vmem>>, vector<1x16xf32>,
      %get3A_708 = vector.shape_cast %get3A_707 : vector<1x16xf32> to vector<16xf32>
      %broadcast_in_dim3A_709 = arith.constant 46 : i32
      %broadcast_in_dim3A_710 = vector.broadcast %broadcast_in_dim3A_709 : i32 to vector<16xi32>
      %gt3A_711 = arith.cmpf ogt, %get3A_708, %select_n3A_703 : vector<16xf32>
      %gt3A_712 = arith.cmpf ogt, %get3A_708, %select_n3A_701 : vector<16xf32>
      %select_n3A_713 = arith.select %gt3A_712, %broadcast_in_dim3A_710, %select_n3A_699 : vector<16xi1>, vector<16xi32>
      %select_n3A_714 = arith.select %gt3A_711, %select_n3A_702, %select_n3A_713 : vector<16xi1>, vector<16xi32>
      %select_n3A_715 = arith.select %gt3A_712, %get3A_708, %select_n3A_701 : vector<16xi1>, vector<16xf32>
      %select_n3A_716 = arith.select %gt3A_711, %select_n3A_703, %select_n3A_715 : vector<16xi1>, vector<16xf32>
      %select_n3A_717 = arith.select %gt3A_711, %broadcast_in_dim3A_710, %select_n3A_702 : vector<16xi1>, vector<16xi32>
      %select_n3A_718 = arith.select %gt3A_711, %get3A_708, %select_n3A_703 : vector<16xi1>, vector<16xf32>
      %get3A_719 = arith.constant 47 : i32
      %get3A_720 = arith.index_cast %get3A_719 : i32 to index
      %get3A_721 = arith.index_cast %mul3A_16 : i32 to index
      %get3A_722 = tpu.vector_load %arg5[%get3A_720, %get3A_721] {strides = array<i32>} : memref<64x1024xf32, #tpu.memory_space<vmem>>, vector<1x16xf32>,
      %get3A_723 = vector.shape_cast %get3A_722 : vector<1x16xf32> to vector<16xf32>
      %broadcast_in_dim3A_724 = arith.constant 47 : i32
      %broadcast_in_dim3A_725 = vector.broadcast %broadcast_in_dim3A_724 : i32 to vector<16xi32>
      %gt3A_726 = arith.cmpf ogt, %get3A_723, %select_n3A_718 : vector<16xf32>
      %gt3A_727 = arith.cmpf ogt, %get3A_723, %select_n3A_716 : vector<16xf32>
      %select_n3A_728 = arith.select %gt3A_727, %broadcast_in_dim3A_725, %select_n3A_714 : vector<16xi1>, vector<16xi32>
      %select_n3A_729 = arith.select %gt3A_726, %select_n3A_717, %select_n3A_728 : vector<16xi1>, vector<16xi32>
      %select_n3A_730 = arith.select %gt3A_727, %get3A_723, %select_n3A_716 : vector<16xi1>, vector<16xf32>
      %select_n3A_731 = arith.select %gt3A_726, %select_n3A_718, %select_n3A_730 : vector<16xi1>, vector<16xf32>
      %select_n3A_732 = arith.select %gt3A_726, %broadcast_in_dim3A_725, %select_n3A_717 : vector<16xi1>, vector<16xi32>
      %select_n3A_733 = arith.select %gt3A_726, %get3A_723, %select_n3A_718 : vector<16xi1>, vector<16xf32>
      %get3A_734 = arith.constant 48 : i32
      %get3A_735 = arith.index_cast %get3A_734 : i32 to index
      %get3A_736 = arith.index_cast %mul3A_16 : i32 to index
      %get3A_737 = tpu.vector_load %arg5[%get3A_735, %get3A_736] {strides = array<i32>} : memref<64x1024xf32, #tpu.memory_space<vmem>>, vector<1x16xf32>,
      %get3A_738 = vector.shape_cast %get3A_737 : vector<1x16xf32> to vector<16xf32>
      %broadcast_in_dim3A_739 = arith.constant 48 : i32
      %broadcast_in_dim3A_740 = vector.broadcast %broadcast_in_dim3A_739 : i32 to vector<16xi32>
      %gt3A_741 = arith.cmpf ogt, %get3A_738, %select_n3A_733 : vector<16xf32>
      %gt3A_742 = arith.cmpf ogt, %get3A_738, %select_n3A_731 : vector<16xf32>
      %select_n3A_743 = arith.select %gt3A_742, %broadcast_in_dim3A_740, %select_n3A_729 : vector<16xi1>, vector<16xi32>
      %select_n3A_744 = arith.select %gt3A_741, %select_n3A_732, %select_n3A_743 : vector<16xi1>, vector<16xi32>
      %select_n3A_745 = arith.select %gt3A_742, %get3A_738, %select_n3A_731 : vector<16xi1>, vector<16xf32>
      %select_n3A_746 = arith.select %gt3A_741, %select_n3A_733, %select_n3A_745 : vector<16xi1>, vector<16xf32>
      %select_n3A_747 = arith.select %gt3A_741, %broadcast_in_dim3A_740, %select_n3A_732 : vector<16xi1>, vector<16xi32>
      %select_n3A_748 = arith.select %gt3A_741, %get3A_738, %select_n3A_733 : vector<16xi1>, vector<16xf32>
      %get3A_749 = arith.constant 49 : i32
      %get3A_750 = arith.index_cast %get3A_749 : i32 to index
      %get3A_751 = arith.index_cast %mul3A_16 : i32 to index
      %get3A_752 = tpu.vector_load %arg5[%get3A_750, %get3A_751] {strides = array<i32>} : memref<64x1024xf32, #tpu.memory_space<vmem>>, vector<1x16xf32>,
      %get3A_753 = vector.shape_cast %get3A_752 : vector<1x16xf32> to vector<16xf32>
      %broadcast_in_dim3A_754 = arith.constant 49 : i32
      %broadcast_in_dim3A_755 = vector.broadcast %broadcast_in_dim3A_754 : i32 to vector<16xi32>
      %gt3A_756 = arith.cmpf ogt, %get3A_753, %select_n3A_748 : vector<16xf32>
      %gt3A_757 = arith.cmpf ogt, %get3A_753, %select_n3A_746 : vector<16xf32>
      %select_n3A_758 = arith.select %gt3A_757, %broadcast_in_dim3A_755, %select_n3A_744 : vector<16xi1>, vector<16xi32>
      %select_n3A_759 = arith.select %gt3A_756, %select_n3A_747, %select_n3A_758 : vector<16xi1>, vector<16xi32>
      %select_n3A_760 = arith.select %gt3A_757, %get3A_753, %select_n3A_746 : vector<16xi1>, vector<16xf32>
      %select_n3A_761 = arith.select %gt3A_756, %select_n3A_748, %select_n3A_760 : vector<16xi1>, vector<16xf32>
      %select_n3A_762 = arith.select %gt3A_756, %broadcast_in_dim3A_755, %select_n3A_747 : vector<16xi1>, vector<16xi32>
      %select_n3A_763 = arith.select %gt3A_756, %get3A_753, %select_n3A_748 : vector<16xi1>, vector<16xf32>
      %get3A_764 = arith.constant 50 : i32
      %get3A_765 = arith.index_cast %get3A_764 : i32 to index
      %get3A_766 = arith.index_cast %mul3A_16 : i32 to index
      %get3A_767 = tpu.vector_load %arg5[%get3A_765, %get3A_766] {strides = array<i32>} : memref<64x1024xf32, #tpu.memory_space<vmem>>, vector<1x16xf32>,
      %get3A_768 = vector.shape_cast %get3A_767 : vector<1x16xf32> to vector<16xf32>
      %broadcast_in_dim3A_769 = arith.constant 50 : i32
      %broadcast_in_dim3A_770 = vector.broadcast %broadcast_in_dim3A_769 : i32 to vector<16xi32>
      %gt3A_771 = arith.cmpf ogt, %get3A_768, %select_n3A_763 : vector<16xf32>
      %gt3A_772 = arith.cmpf ogt, %get3A_768, %select_n3A_761 : vector<16xf32>
      %select_n3A_773 = arith.select %gt3A_772, %broadcast_in_dim3A_770, %select_n3A_759 : vector<16xi1>, vector<16xi32>
      %select_n3A_774 = arith.select %gt3A_771, %select_n3A_762, %select_n3A_773 : vector<16xi1>, vector<16xi32>
      %select_n3A_775 = arith.select %gt3A_772, %get3A_768, %select_n3A_761 : vector<16xi1>, vector<16xf32>
      %select_n3A_776 = arith.select %gt3A_771, %select_n3A_763, %select_n3A_775 : vector<16xi1>, vector<16xf32>
      %select_n3A_777 = arith.select %gt3A_771, %broadcast_in_dim3A_770, %select_n3A_762 : vector<16xi1>, vector<16xi32>
      %select_n3A_778 = arith.select %gt3A_771, %get3A_768, %select_n3A_763 : vector<16xi1>, vector<16xf32>
      %get3A_779 = arith.constant 51 : i32
      %get3A_780 = arith.index_cast %get3A_779 : i32 to index
      %get3A_781 = arith.index_cast %mul3A_16 : i32 to index
      %get3A_782 = tpu.vector_load %arg5[%get3A_780, %get3A_781] {strides = array<i32>} : memref<64x1024xf32, #tpu.memory_space<vmem>>, vector<1x16xf32>,
      %get3A_783 = vector.shape_cast %get3A_782 : vector<1x16xf32> to vector<16xf32>
      %broadcast_in_dim3A_784 = arith.constant 51 : i32
      %broadcast_in_dim3A_785 = vector.broadcast %broadcast_in_dim3A_784 : i32 to vector<16xi32>
      %gt3A_786 = arith.cmpf ogt, %get3A_783, %select_n3A_778 : vector<16xf32>
      %gt3A_787 = arith.cmpf ogt, %get3A_783, %select_n3A_776 : vector<16xf32>
      %select_n3A_788 = arith.select %gt3A_787, %broadcast_in_dim3A_785, %select_n3A_774 : vector<16xi1>, vector<16xi32>
      %select_n3A_789 = arith.select %gt3A_786, %select_n3A_777, %select_n3A_788 : vector<16xi1>, vector<16xi32>
      %select_n3A_790 = arith.select %gt3A_787, %get3A_783, %select_n3A_776 : vector<16xi1>, vector<16xf32>
      %select_n3A_791 = arith.select %gt3A_786, %select_n3A_778, %select_n3A_790 : vector<16xi1>, vector<16xf32>
      %select_n3A_792 = arith.select %gt3A_786, %broadcast_in_dim3A_785, %select_n3A_777 : vector<16xi1>, vector<16xi32>
      %select_n3A_793 = arith.select %gt3A_786, %get3A_783, %select_n3A_778 : vector<16xi1>, vector<16xf32>
      %get3A_794 = arith.constant 52 : i32
      %get3A_795 = arith.index_cast %get3A_794 : i32 to index
      %get3A_796 = arith.index_cast %mul3A_16 : i32 to index
      %get3A_797 = tpu.vector_load %arg5[%get3A_795, %get3A_796] {strides = array<i32>} : memref<64x1024xf32, #tpu.memory_space<vmem>>, vector<1x16xf32>,
      %get3A_798 = vector.shape_cast %get3A_797 : vector<1x16xf32> to vector<16xf32>
      %broadcast_in_dim3A_799 = arith.constant 52 : i32
      %broadcast_in_dim3A_800 = vector.broadcast %broadcast_in_dim3A_799 : i32 to vector<16xi32>
      %gt3A_801 = arith.cmpf ogt, %get3A_798, %select_n3A_793 : vector<16xf32>
      %gt3A_802 = arith.cmpf ogt, %get3A_798, %select_n3A_791 : vector<16xf32>
      %select_n3A_803 = arith.select %gt3A_802, %broadcast_in_dim3A_800, %select_n3A_789 : vector<16xi1>, vector<16xi32>
      %select_n3A_804 = arith.select %gt3A_801, %select_n3A_792, %select_n3A_803 : vector<16xi1>, vector<16xi32>
      %select_n3A_805 = arith.select %gt3A_802, %get3A_798, %select_n3A_791 : vector<16xi1>, vector<16xf32>
      %select_n3A_806 = arith.select %gt3A_801, %select_n3A_793, %select_n3A_805 : vector<16xi1>, vector<16xf32>
      %select_n3A_807 = arith.select %gt3A_801, %broadcast_in_dim3A_800, %select_n3A_792 : vector<16xi1>, vector<16xi32>
      %select_n3A_808 = arith.select %gt3A_801, %get3A_798, %select_n3A_793 : vector<16xi1>, vector<16xf32>
      %get3A_809 = arith.constant 53 : i32
      %get3A_810 = arith.index_cast %get3A_809 : i32 to index
      %get3A_811 = arith.index_cast %mul3A_16 : i32 to index
      %get3A_812 = tpu.vector_load %arg5[%get3A_810, %get3A_811] {strides = array<i32>} : memref<64x1024xf32, #tpu.memory_space<vmem>>, vector<1x16xf32>,
      %get3A_813 = vector.shape_cast %get3A_812 : vector<1x16xf32> to vector<16xf32>
      %broadcast_in_dim3A_814 = arith.constant 53 : i32
      %broadcast_in_dim3A_815 = vector.broadcast %broadcast_in_dim3A_814 : i32 to vector<16xi32>
      %gt3A_816 = arith.cmpf ogt, %get3A_813, %select_n3A_808 : vector<16xf32>
      %gt3A_817 = arith.cmpf ogt, %get3A_813, %select_n3A_806 : vector<16xf32>
      %select_n3A_818 = arith.select %gt3A_817, %broadcast_in_dim3A_815, %select_n3A_804 : vector<16xi1>, vector<16xi32>
      %select_n3A_819 = arith.select %gt3A_816, %select_n3A_807, %select_n3A_818 : vector<16xi1>, vector<16xi32>
      %select_n3A_820 = arith.select %gt3A_817, %get3A_813, %select_n3A_806 : vector<16xi1>, vector<16xf32>
      %select_n3A_821 = arith.select %gt3A_816, %select_n3A_808, %select_n3A_820 : vector<16xi1>, vector<16xf32>
      %select_n3A_822 = arith.select %gt3A_816, %broadcast_in_dim3A_815, %select_n3A_807 : vector<16xi1>, vector<16xi32>
      %select_n3A_823 = arith.select %gt3A_816, %get3A_813, %select_n3A_808 : vector<16xi1>, vector<16xf32>
      %get3A_824 = arith.constant 54 : i32
      %get3A_825 = arith.index_cast %get3A_824 : i32 to index
      %get3A_826 = arith.index_cast %mul3A_16 : i32 to index
      %get3A_827 = tpu.vector_load %arg5[%get3A_825, %get3A_826] {strides = array<i32>} : memref<64x1024xf32, #tpu.memory_space<vmem>>, vector<1x16xf32>,
      %get3A_828 = vector.shape_cast %get3A_827 : vector<1x16xf32> to vector<16xf32>
      %broadcast_in_dim3A_829 = arith.constant 54 : i32
      %broadcast_in_dim3A_830 = vector.broadcast %broadcast_in_dim3A_829 : i32 to vector<16xi32>
      %gt3A_831 = arith.cmpf ogt, %get3A_828, %select_n3A_823 : vector<16xf32>
      %gt3A_832 = arith.cmpf ogt, %get3A_828, %select_n3A_821 : vector<16xf32>
      %select_n3A_833 = arith.select %gt3A_832, %broadcast_in_dim3A_830, %select_n3A_819 : vector<16xi1>, vector<16xi32>
      %select_n3A_834 = arith.select %gt3A_831, %select_n3A_822, %select_n3A_833 : vector<16xi1>, vector<16xi32>
      %select_n3A_835 = arith.select %gt3A_832, %get3A_828, %select_n3A_821 : vector<16xi1>, vector<16xf32>
      %select_n3A_836 = arith.select %gt3A_831, %select_n3A_823, %select_n3A_835 : vector<16xi1>, vector<16xf32>
      %select_n3A_837 = arith.select %gt3A_831, %broadcast_in_dim3A_830, %select_n3A_822 : vector<16xi1>, vector<16xi32>
      %select_n3A_838 = arith.select %gt3A_831, %get3A_828, %select_n3A_823 : vector<16xi1>, vector<16xf32>
      %get3A_839 = arith.constant 55 : i32
      %get3A_840 = arith.index_cast %get3A_839 : i32 to index
      %get3A_841 = arith.index_cast %mul3A_16 : i32 to index
      %get3A_842 = tpu.vector_load %arg5[%get3A_840, %get3A_841] {strides = array<i32>} : memref<64x1024xf32, #tpu.memory_space<vmem>>, vector<1x16xf32>,
      %get3A_843 = vector.shape_cast %get3A_842 : vector<1x16xf32> to vector<16xf32>
      %broadcast_in_dim3A_844 = arith.constant 55 : i32
      %broadcast_in_dim3A_845 = vector.broadcast %broadcast_in_dim3A_844 : i32 to vector<16xi32>
      %gt3A_846 = arith.cmpf ogt, %get3A_843, %select_n3A_838 : vector<16xf32>
      %gt3A_847 = arith.cmpf ogt, %get3A_843, %select_n3A_836 : vector<16xf32>
      %select_n3A_848 = arith.select %gt3A_847, %broadcast_in_dim3A_845, %select_n3A_834 : vector<16xi1>, vector<16xi32>
      %select_n3A_849 = arith.select %gt3A_846, %select_n3A_837, %select_n3A_848 : vector<16xi1>, vector<16xi32>
      %select_n3A_850 = arith.select %gt3A_847, %get3A_843, %select_n3A_836 : vector<16xi1>, vector<16xf32>
      %select_n3A_851 = arith.select %gt3A_846, %select_n3A_838, %select_n3A_850 : vector<16xi1>, vector<16xf32>
      %select_n3A_852 = arith.select %gt3A_846, %broadcast_in_dim3A_845, %select_n3A_837 : vector<16xi1>, vector<16xi32>
      %select_n3A_853 = arith.select %gt3A_846, %get3A_843, %select_n3A_838 : vector<16xi1>, vector<16xf32>
      %get3A_854 = arith.constant 56 : i32
      %get3A_855 = arith.index_cast %get3A_854 : i32 to index
      %get3A_856 = arith.index_cast %mul3A_16 : i32 to index
      %get3A_857 = tpu.vector_load %arg5[%get3A_855, %get3A_856] {strides = array<i32>} : memref<64x1024xf32, #tpu.memory_space<vmem>>, vector<1x16xf32>,
      %get3A_858 = vector.shape_cast %get3A_857 : vector<1x16xf32> to vector<16xf32>
      %broadcast_in_dim3A_859 = arith.constant 56 : i32
      %broadcast_in_dim3A_860 = vector.broadcast %broadcast_in_dim3A_859 : i32 to vector<16xi32>
      %gt3A_861 = arith.cmpf ogt, %get3A_858, %select_n3A_853 : vector<16xf32>
      %gt3A_862 = arith.cmpf ogt, %get3A_858, %select_n3A_851 : vector<16xf32>
      %select_n3A_863 = arith.select %gt3A_862, %broadcast_in_dim3A_860, %select_n3A_849 : vector<16xi1>, vector<16xi32>
      %select_n3A_864 = arith.select %gt3A_861, %select_n3A_852, %select_n3A_863 : vector<16xi1>, vector<16xi32>
      %select_n3A_865 = arith.select %gt3A_862, %get3A_858, %select_n3A_851 : vector<16xi1>, vector<16xf32>
      %select_n3A_866 = arith.select %gt3A_861, %select_n3A_853, %select_n3A_865 : vector<16xi1>, vector<16xf32>
      %select_n3A_867 = arith.select %gt3A_861, %broadcast_in_dim3A_860, %select_n3A_852 : vector<16xi1>, vector<16xi32>
      %select_n3A_868 = arith.select %gt3A_861, %get3A_858, %select_n3A_853 : vector<16xi1>, vector<16xf32>
      %get3A_869 = arith.constant 57 : i32
      %get3A_870 = arith.index_cast %get3A_869 : i32 to index
      %get3A_871 = arith.index_cast %mul3A_16 : i32 to index
      %get3A_872 = tpu.vector_load %arg5[%get3A_870, %get3A_871] {strides = array<i32>} : memref<64x1024xf32, #tpu.memory_space<vmem>>, vector<1x16xf32>,
      %get3A_873 = vector.shape_cast %get3A_872 : vector<1x16xf32> to vector<16xf32>
      %broadcast_in_dim3A_874 = arith.constant 57 : i32
      %broadcast_in_dim3A_875 = vector.broadcast %broadcast_in_dim3A_874 : i32 to vector<16xi32>
      %gt3A_876 = arith.cmpf ogt, %get3A_873, %select_n3A_868 : vector<16xf32>
      %gt3A_877 = arith.cmpf ogt, %get3A_873, %select_n3A_866 : vector<16xf32>
      %select_n3A_878 = arith.select %gt3A_877, %broadcast_in_dim3A_875, %select_n3A_864 : vector<16xi1>, vector<16xi32>
      %select_n3A_879 = arith.select %gt3A_876, %select_n3A_867, %select_n3A_878 : vector<16xi1>, vector<16xi32>
      %select_n3A_880 = arith.select %gt3A_877, %get3A_873, %select_n3A_866 : vector<16xi1>, vector<16xf32>
      %select_n3A_881 = arith.select %gt3A_876, %select_n3A_868, %select_n3A_880 : vector<16xi1>, vector<16xf32>
      %select_n3A_882 = arith.select %gt3A_876, %broadcast_in_dim3A_875, %select_n3A_867 : vector<16xi1>, vector<16xi32>
      %select_n3A_883 = arith.select %gt3A_876, %get3A_873, %select_n3A_868 : vector<16xi1>, vector<16xf32>
      %get3A_884 = arith.constant 58 : i32
      %get3A_885 = arith.index_cast %get3A_884 : i32 to index
      %get3A_886 = arith.index_cast %mul3A_16 : i32 to index
      %get3A_887 = tpu.vector_load %arg5[%get3A_885, %get3A_886] {strides = array<i32>} : memref<64x1024xf32, #tpu.memory_space<vmem>>, vector<1x16xf32>,
      %get3A_888 = vector.shape_cast %get3A_887 : vector<1x16xf32> to vector<16xf32>
      %broadcast_in_dim3A_889 = arith.constant 58 : i32
      %broadcast_in_dim3A_890 = vector.broadcast %broadcast_in_dim3A_889 : i32 to vector<16xi32>
      %gt3A_891 = arith.cmpf ogt, %get3A_888, %select_n3A_883 : vector<16xf32>
      %gt3A_892 = arith.cmpf ogt, %get3A_888, %select_n3A_881 : vector<16xf32>
      %select_n3A_893 = arith.select %gt3A_892, %broadcast_in_dim3A_890, %select_n3A_879 : vector<16xi1>, vector<16xi32>
      %select_n3A_894 = arith.select %gt3A_891, %select_n3A_882, %select_n3A_893 : vector<16xi1>, vector<16xi32>
      %select_n3A_895 = arith.select %gt3A_892, %get3A_888, %select_n3A_881 : vector<16xi1>, vector<16xf32>
      %select_n3A_896 = arith.select %gt3A_891, %select_n3A_883, %select_n3A_895 : vector<16xi1>, vector<16xf32>
      %select_n3A_897 = arith.select %gt3A_891, %broadcast_in_dim3A_890, %select_n3A_882 : vector<16xi1>, vector<16xi32>
      %select_n3A_898 = arith.select %gt3A_891, %get3A_888, %select_n3A_883 : vector<16xi1>, vector<16xf32>
      %get3A_899 = arith.constant 59 : i32
      %get3A_900 = arith.index_cast %get3A_899 : i32 to index
      %get3A_901 = arith.index_cast %mul3A_16 : i32 to index
      %get3A_902 = tpu.vector_load %arg5[%get3A_900, %get3A_901] {strides = array<i32>} : memref<64x1024xf32, #tpu.memory_space<vmem>>, vector<1x16xf32>,
      %get3A_903 = vector.shape_cast %get3A_902 : vector<1x16xf32> to vector<16xf32>
      %broadcast_in_dim3A_904 = arith.constant 59 : i32
      %broadcast_in_dim3A_905 = vector.broadcast %broadcast_in_dim3A_904 : i32 to vector<16xi32>
      %gt3A_906 = arith.cmpf ogt, %get3A_903, %select_n3A_898 : vector<16xf32>
      %gt3A_907 = arith.cmpf ogt, %get3A_903, %select_n3A_896 : vector<16xf32>
      %select_n3A_908 = arith.select %gt3A_907, %broadcast_in_dim3A_905, %select_n3A_894 : vector<16xi1>, vector<16xi32>
      %select_n3A_909 = arith.select %gt3A_906, %select_n3A_897, %select_n3A_908 : vector<16xi1>, vector<16xi32>
      %select_n3A_910 = arith.select %gt3A_907, %get3A_903, %select_n3A_896 : vector<16xi1>, vector<16xf32>
      %select_n3A_911 = arith.select %gt3A_906, %select_n3A_898, %select_n3A_910 : vector<16xi1>, vector<16xf32>
      %select_n3A_912 = arith.select %gt3A_906, %broadcast_in_dim3A_905, %select_n3A_897 : vector<16xi1>, vector<16xi32>
      %select_n3A_913 = arith.select %gt3A_906, %get3A_903, %select_n3A_898 : vector<16xi1>, vector<16xf32>
      %get3A_914 = arith.constant 60 : i32
      %get3A_915 = arith.index_cast %get3A_914 : i32 to index
      %get3A_916 = arith.index_cast %mul3A_16 : i32 to index
      %get3A_917 = tpu.vector_load %arg5[%get3A_915, %get3A_916] {strides = array<i32>} : memref<64x1024xf32, #tpu.memory_space<vmem>>, vector<1x16xf32>,
      %get3A_918 = vector.shape_cast %get3A_917 : vector<1x16xf32> to vector<16xf32>
      %broadcast_in_dim3A_919 = arith.constant 60 : i32
      %broadcast_in_dim3A_920 = vector.broadcast %broadcast_in_dim3A_919 : i32 to vector<16xi32>
      %gt3A_921 = arith.cmpf ogt, %get3A_918, %select_n3A_913 : vector<16xf32>
      %gt3A_922 = arith.cmpf ogt, %get3A_918, %select_n3A_911 : vector<16xf32>
      %select_n3A_923 = arith.select %gt3A_922, %broadcast_in_dim3A_920, %select_n3A_909 : vector<16xi1>, vector<16xi32>
      %select_n3A_924 = arith.select %gt3A_921, %select_n3A_912, %select_n3A_923 : vector<16xi1>, vector<16xi32>
      %select_n3A_925 = arith.select %gt3A_922, %get3A_918, %select_n3A_911 : vector<16xi1>, vector<16xf32>
      %select_n3A_926 = arith.select %gt3A_921, %select_n3A_913, %select_n3A_925 : vector<16xi1>, vector<16xf32>
      %select_n3A_927 = arith.select %gt3A_921, %broadcast_in_dim3A_920, %select_n3A_912 : vector<16xi1>, vector<16xi32>
      %select_n3A_928 = arith.select %gt3A_921, %get3A_918, %select_n3A_913 : vector<16xi1>, vector<16xf32>
      %get3A_929 = arith.constant 61 : i32
      %get3A_930 = arith.index_cast %get3A_929 : i32 to index
      %get3A_931 = arith.index_cast %mul3A_16 : i32 to index
      %get3A_932 = tpu.vector_load %arg5[%get3A_930, %get3A_931] {strides = array<i32>} : memref<64x1024xf32, #tpu.memory_space<vmem>>, vector<1x16xf32>,
      %get3A_933 = vector.shape_cast %get3A_932 : vector<1x16xf32> to vector<16xf32>
      %broadcast_in_dim3A_934 = arith.constant 61 : i32
      %broadcast_in_dim3A_935 = vector.broadcast %broadcast_in_dim3A_934 : i32 to vector<16xi32>
      %gt3A_936 = arith.cmpf ogt, %get3A_933, %select_n3A_928 : vector<16xf32>
      %gt3A_937 = arith.cmpf ogt, %get3A_933, %select_n3A_926 : vector<16xf32>
      %select_n3A_938 = arith.select %gt3A_937, %broadcast_in_dim3A_935, %select_n3A_924 : vector<16xi1>, vector<16xi32>
      %select_n3A_939 = arith.select %gt3A_936, %select_n3A_927, %select_n3A_938 : vector<16xi1>, vector<16xi32>
      %select_n3A_940 = arith.select %gt3A_937, %get3A_933, %select_n3A_926 : vector<16xi1>, vector<16xf32>
      %select_n3A_941 = arith.select %gt3A_936, %select_n3A_928, %select_n3A_940 : vector<16xi1>, vector<16xf32>
      %select_n3A_942 = arith.select %gt3A_936, %broadcast_in_dim3A_935, %select_n3A_927 : vector<16xi1>, vector<16xi32>
      %select_n3A_943 = arith.select %gt3A_936, %get3A_933, %select_n3A_928 : vector<16xi1>, vector<16xf32>
      %get3A_944 = arith.constant 62 : i32
      %get3A_945 = arith.index_cast %get3A_944 : i32 to index
      %get3A_946 = arith.index_cast %mul3A_16 : i32 to index
      %get3A_947 = tpu.vector_load %arg5[%get3A_945, %get3A_946] {strides = array<i32>} : memref<64x1024xf32, #tpu.memory_space<vmem>>, vector<1x16xf32>,
      %get3A_948 = vector.shape_cast %get3A_947 : vector<1x16xf32> to vector<16xf32>
      %broadcast_in_dim3A_949 = arith.constant 62 : i32
      %broadcast_in_dim3A_950 = vector.broadcast %broadcast_in_dim3A_949 : i32 to vector<16xi32>
      %gt3A_951 = arith.cmpf ogt, %get3A_948, %select_n3A_943 : vector<16xf32>
      %gt3A_952 = arith.cmpf ogt, %get3A_948, %select_n3A_941 : vector<16xf32>
      %select_n3A_953 = arith.select %gt3A_952, %broadcast_in_dim3A_950, %select_n3A_939 : vector<16xi1>, vector<16xi32>
      %select_n3A_954 = arith.select %gt3A_951, %select_n3A_942, %select_n3A_953 : vector<16xi1>, vector<16xi32>
      %select_n3A_955 = arith.select %gt3A_952, %get3A_948, %select_n3A_941 : vector<16xi1>, vector<16xf32>
      %select_n3A_956 = arith.select %gt3A_951, %select_n3A_943, %select_n3A_955 : vector<16xi1>, vector<16xf32>
      %select_n3A_957 = arith.select %gt3A_951, %broadcast_in_dim3A_950, %select_n3A_942 : vector<16xi1>, vector<16xi32>
      %select_n3A_958 = arith.select %gt3A_951, %get3A_948, %select_n3A_943 : vector<16xi1>, vector<16xf32>
      %get3A_959 = arith.constant 63 : i32
      %get3A_960 = arith.index_cast %get3A_959 : i32 to index
      %get3A_961 = arith.index_cast %mul3A_16 : i32 to index
      %get3A_962 = tpu.vector_load %arg5[%get3A_960, %get3A_961] {strides = array<i32>} : memref<64x1024xf32, #tpu.memory_space<vmem>>, vector<1x16xf32>,
      %get3A_963 = vector.shape_cast %get3A_962 : vector<1x16xf32> to vector<16xf32>
      %broadcast_in_dim3A_964 = arith.constant 63 : i32
      %broadcast_in_dim3A_965 = vector.broadcast %broadcast_in_dim3A_964 : i32 to vector<16xi32>
      %gt3A_966 = arith.cmpf ogt, %get3A_963, %select_n3A_958 : vector<16xf32>
      %gt3A_967 = arith.cmpf ogt, %get3A_963, %select_n3A_956 : vector<16xf32>
      %select_n3A_968 = arith.select %gt3A_967, %broadcast_in_dim3A_965, %select_n3A_954 : vector<16xi1>, vector<16xi32>
      %select_n3A_969 = arith.select %gt3A_966, %select_n3A_957, %select_n3A_968 : vector<16xi1>, vector<16xi32>
      %select_n3A_970 = arith.select %gt3A_967, %get3A_963, %select_n3A_956 : vector<16xi1>, vector<16xf32>
      %select_n3A_971 = arith.select %gt3A_966, %select_n3A_958, %select_n3A_970 : vector<16xi1>, vector<16xf32>
      %select_n3A_972 = arith.select %gt3A_966, %broadcast_in_dim3A_965, %select_n3A_957 : vector<16xi1>, vector<16xi32>
      %select_n3A_973 = arith.select %gt3A_966, %get3A_963, %select_n3A_958 : vector<16xi1>, vector<16xf32>
      %sub3A = arith.subf %select_n3A_971, %select_n3A_973 : vector<16xf32>
      %exp3A = math.exp %sub3A : vector<16xf32>
      %add3A_974 = arith.constant 1.000000e+00 : f32
      %add3A_975 = vector.broadcast %add3A_974 : f32 to vector<16xf32>
      %add3A_976 = arith.addf %add3A_975, %exp3A : vector<16xf32>
      %div3A = arith.constant 1.000000e+00 : f32
      %div3A_977 = vector.broadcast %div3A : f32 to vector<16xf32>
      %div3A_978 = arith.divf %div3A_977, %add3A_976 : vector<16xf32>
      %swap3A = arith.index_cast %mul3A_16 : i32 to index
      %swap3A_979 = tpu.vector_load %arg6[%swap3A] {strides = array<i32>} : memref<1024xf32, #tpu.memory_space<vmem>>, vector<16xf32>,
      %swap3A_980 = vector.shape_cast %swap3A_979 : vector<16xf32> to vector<16xf32>
      %swap3A_981 = vector.shape_cast %div3A_978 : vector<16xf32> to vector<16xf32>
      tpu.vector_store %arg6[%swap3A], %swap3A_981 {strides = array<i32>} : memref<1024xf32, #tpu.memory_space<vmem>>, vector<16xf32>,
      %div3A_982 = arith.divf %exp3A, %add3A_976 : vector<16xf32>
      %swap3A_983 = arith.index_cast %mul3A_16 : i32 to index
      %swap3A_984 = tpu.vector_load %arg7[%swap3A_983] {strides = array<i32>} : memref<1024xf32, #tpu.memory_space<vmem>>, vector<16xf32>,
      %swap3A_985 = vector.shape_cast %swap3A_984 : vector<16xf32> to vector<16xf32>
      %swap3A_986 = vector.shape_cast %div3A_982 : vector<16xf32> to vector<16xf32>
      tpu.vector_store %arg7[%swap3A_983], %swap3A_986 {strides = array<i32>} : memref<1024xf32, #tpu.memory_space<vmem>>, vector<16xf32>,
      %swap3A_987 = arith.index_cast %mul3A_16 : i32 to index
      %swap3A_988 = tpu.vector_load %arg8[%swap3A_987] {strides = array<i32>} : memref<1024xi32, #tpu.memory_space<vmem>>, vector<16xi32>,
      %swap3A_989 = vector.shape_cast %swap3A_988 : vector<16xi32> to vector<16xi32>
      %swap3A_990 = vector.shape_cast %select_n3A_972 : vector<16xi32> to vector<16xi32>
      tpu.vector_store %arg8[%swap3A_987], %swap3A_990 {strides = array<i32>} : memref<1024xi32, #tpu.memory_space<vmem>>, vector<16xi32>,
      %swap3A_991 = arith.index_cast %mul3A_16 : i32 to index
      %swap3A_992 = tpu.vector_load %arg9[%swap3A_991] {strides = array<i32>} : memref<1024xi32, #tpu.memory_space<vmem>>, vector<16xi32>,
      %swap3A_993 = vector.shape_cast %swap3A_992 : vector<16xi32> to vector<16xi32>
      %swap3A_994 = vector.shape_cast %select_n3A_969 : vector<16xi32> to vector<16xi32>
      tpu.vector_store %arg9[%swap3A_991], %swap3A_994 {strides = array<i32>} : memref<1024xi32, #tpu.memory_space<vmem>>, vector<16xi32>,
    }
    %scan3A_10 = arith.constant 64 : i32
    %run_scoped3A = arith.constant 0 : i32
    "tpu.region"() ({
      %run_scoped3A_14 = tpu.sem_alloc : memref<!tpu.dma_semaphore, #tpu.memory_space<semaphore_mem>>
      %dma_start3A = tpu.memref_slice %arg3[%run_scoped3A, %mul3A_2] : memref<2x32768xf32, #tpu.memory_space<hbm>> -> memref<1x1024xf32, #tpu.memory_space<hbm>>
      %dma_start3A_15 = tpu.memref_squeeze %dma_start3A : memref<1x1024xf32, #tpu.memory_space<hbm>> -> memref<1024xf32, #tpu.memory_space<hbm>>
      %dma_start3A_16 = tpu.memref_slice %arg3[%run_scoped3A, %mul3A_2] : memref<2x32768xf32, #tpu.memory_space<hbm>> -> memref<1x1024xf32, #tpu.memory_space<hbm>>
      %dma_start3A_17 = tpu.memref_squeeze %dma_start3A_16 : memref<1x1024xf32, #tpu.memory_space<hbm>> -> memref<1024xf32, #tpu.memory_space<hbm>>
      tpu.enqueue_dma source(%arg6 : memref<1024xf32, #tpu.memory_space<vmem>>) target(%dma_start3A_17 : memref<1024xf32, #tpu.memory_space<hbm>>) target_semaphore(%run_scoped3A_14 : memref<!tpu.dma_semaphore, #tpu.memory_space<semaphore_mem>>)
      %dma_wait3A = tpu.memref_slice %arg3[%run_scoped3A, %mul3A_2] : memref<2x32768xf32, #tpu.memory_space<hbm>> -> memref<1x1024xf32, #tpu.memory_space<hbm>>
      %dma_wait3A_18 = tpu.memref_squeeze %dma_wait3A : memref<1x1024xf32, #tpu.memory_space<hbm>> -> memref<1024xf32, #tpu.memory_space<hbm>>
      %dma_wait3A_19 = tpu.memref_slice %arg3[%run_scoped3A, %mul3A_2] : memref<2x32768xf32, #tpu.memory_space<hbm>> -> memref<1x1024xf32, #tpu.memory_space<hbm>>
      %dma_wait3A_20 = tpu.memref_squeeze %dma_wait3A_19 : memref<1x1024xf32, #tpu.memory_space<hbm>> -> memref<1024xf32, #tpu.memory_space<hbm>>
      tpu.wait_dma2 semaphore(%run_scoped3A_14 : memref<!tpu.dma_semaphore, #tpu.memory_space<semaphore_mem>>) src(%arg6 : memref<1024xf32, #tpu.memory_space<vmem>>) dst(%dma_wait3A_20 : memref<1024xf32, #tpu.memory_space<hbm>>)
      tpu.yield
    }) : () -> ()
    %run_scoped3A_11 = arith.constant 1 : i32
    "tpu.region"() ({
      %run_scoped3A_14 = tpu.sem_alloc : memref<!tpu.dma_semaphore, #tpu.memory_space<semaphore_mem>>
      %dma_start3A = tpu.memref_slice %arg3[%run_scoped3A_11, %mul3A_2] : memref<2x32768xf32, #tpu.memory_space<hbm>> -> memref<1x1024xf32, #tpu.memory_space<hbm>>
      %dma_start3A_15 = tpu.memref_squeeze %dma_start3A : memref<1x1024xf32, #tpu.memory_space<hbm>> -> memref<1024xf32, #tpu.memory_space<hbm>>
      %dma_start3A_16 = tpu.memref_slice %arg3[%run_scoped3A_11, %mul3A_2] : memref<2x32768xf32, #tpu.memory_space<hbm>> -> memref<1x1024xf32, #tpu.memory_space<hbm>>
      %dma_start3A_17 = tpu.memref_squeeze %dma_start3A_16 : memref<1x1024xf32, #tpu.memory_space<hbm>> -> memref<1024xf32, #tpu.memory_space<hbm>>
      tpu.enqueue_dma source(%arg7 : memref<1024xf32, #tpu.memory_space<vmem>>) target(%dma_start3A_17 : memref<1024xf32, #tpu.memory_space<hbm>>) target_semaphore(%run_scoped3A_14 : memref<!tpu.dma_semaphore, #tpu.memory_space<semaphore_mem>>)
      %dma_wait3A = tpu.memref_slice %arg3[%run_scoped3A_11, %mul3A_2] : memref<2x32768xf32, #tpu.memory_space<hbm>> -> memref<1x1024xf32, #tpu.memory_space<hbm>>
      %dma_wait3A_18 = tpu.memref_squeeze %dma_wait3A : memref<1x1024xf32, #tpu.memory_space<hbm>> -> memref<1024xf32, #tpu.memory_space<hbm>>
      %dma_wait3A_19 = tpu.memref_slice %arg3[%run_scoped3A_11, %mul3A_2] : memref<2x32768xf32, #tpu.memory_space<hbm>> -> memref<1x1024xf32, #tpu.memory_space<hbm>>
      %dma_wait3A_20 = tpu.memref_squeeze %dma_wait3A_19 : memref<1x1024xf32, #tpu.memory_space<hbm>> -> memref<1024xf32, #tpu.memory_space<hbm>>
      tpu.wait_dma2 semaphore(%run_scoped3A_14 : memref<!tpu.dma_semaphore, #tpu.memory_space<semaphore_mem>>) src(%arg7 : memref<1024xf32, #tpu.memory_space<vmem>>) dst(%dma_wait3A_20 : memref<1024xf32, #tpu.memory_space<hbm>>)
      tpu.yield
    }) : () -> ()
    %run_scoped3A_12 = arith.constant 0 : i32
    "tpu.region"() ({
      %run_scoped3A_14 = tpu.sem_alloc : memref<!tpu.dma_semaphore, #tpu.memory_space<semaphore_mem>>
      %dma_start3A = tpu.memref_slice %arg4[%run_scoped3A_12, %mul3A_2] : memref<2x32768xi32, #tpu.memory_space<hbm>> -> memref<1x1024xi32, #tpu.memory_space<hbm>>
      %dma_start3A_15 = tpu.memref_squeeze %dma_start3A : memref<1x1024xi32, #tpu.memory_space<hbm>> -> memref<1024xi32, #tpu.memory_space<hbm>>
      %dma_start3A_16 = tpu.memref_slice %arg4[%run_scoped3A_12, %mul3A_2] : memref<2x32768xi32, #tpu.memory_space<hbm>> -> memref<1x1024xi32, #tpu.memory_space<hbm>>
      %dma_start3A_17 = tpu.memref_squeeze %dma_start3A_16 : memref<1x1024xi32, #tpu.memory_space<hbm>> -> memref<1024xi32, #tpu.memory_space<hbm>>
      tpu.enqueue_dma source(%arg8 : memref<1024xi32, #tpu.memory_space<vmem>>) target(%dma_start3A_17 : memref<1024xi32, #tpu.memory_space<hbm>>) target_semaphore(%run_scoped3A_14 : memref<!tpu.dma_semaphore, #tpu.memory_space<semaphore_mem>>)
      %dma_wait3A = tpu.memref_slice %arg4[%run_scoped3A_12, %mul3A_2] : memref<2x32768xi32, #tpu.memory_space<hbm>> -> memref<1x1024xi32, #tpu.memory_space<hbm>>
      %dma_wait3A_18 = tpu.memref_squeeze %dma_wait3A : memref<1x1024xi32, #tpu.memory_space<hbm>> -> memref<1024xi32, #tpu.memory_space<hbm>>
      %dma_wait3A_19 = tpu.memref_slice %arg4[%run_scoped3A_12, %mul3A_2] : memref<2x32768xi32, #tpu.memory_space<hbm>> -> memref<1x1024xi32, #tpu.memory_space<hbm>>
      %dma_wait3A_20 = tpu.memref_squeeze %dma_wait3A_19 : memref<1x1024xi32, #tpu.memory_space<hbm>> -> memref<1024xi32, #tpu.memory_space<hbm>>
      tpu.wait_dma2 semaphore(%run_scoped3A_14 : memref<!tpu.dma_semaphore, #tpu.memory_space<semaphore_mem>>) src(%arg8 : memref<1024xi32, #tpu.memory_space<vmem>>) dst(%dma_wait3A_20 : memref<1024xi32, #tpu.memory_space<hbm>>)
      tpu.yield
    }) : () -> ()
    %run_scoped3A_13 = arith.constant 1 : i32
    "tpu.region"() ({
      %run_scoped3A_14 = tpu.sem_alloc : memref<!tpu.dma_semaphore, #tpu.memory_space<semaphore_mem>>
      %dma_start3A = tpu.memref_slice %arg4[%run_scoped3A_13, %mul3A_2] : memref<2x32768xi32, #tpu.memory_space<hbm>> -> memref<1x1024xi32, #tpu.memory_space<hbm>>
      %dma_start3A_15 = tpu.memref_squeeze %dma_start3A : memref<1x1024xi32, #tpu.memory_space<hbm>> -> memref<1024xi32, #tpu.memory_space<hbm>>
      %dma_start3A_16 = tpu.memref_slice %arg4[%run_scoped3A_13, %mul3A_2] : memref<2x32768xi32, #tpu.memory_space<hbm>> -> memref<1x1024xi32, #tpu.memory_space<hbm>>
      %dma_start3A_17 = tpu.memref_squeeze %dma_start3A_16 : memref<1x1024xi32, #tpu.memory_space<hbm>> -> memref<1024xi32, #tpu.memory_space<hbm>>
      tpu.enqueue_dma source(%arg9 : memref<1024xi32, #tpu.memory_space<vmem>>) target(%dma_start3A_17 : memref<1024xi32, #tpu.memory_space<hbm>>) target_semaphore(%run_scoped3A_14 : memref<!tpu.dma_semaphore, #tpu.memory_space<semaphore_mem>>)
      %dma_wait3A = tpu.memref_slice %arg4[%run_scoped3A_13, %mul3A_2] : memref<2x32768xi32, #tpu.memory_space<hbm>> -> memref<1x1024xi32, #tpu.memory_space<hbm>>
      %dma_wait3A_18 = tpu.memref_squeeze %dma_wait3A : memref<1x1024xi32, #tpu.memory_space<hbm>> -> memref<1024xi32, #tpu.memory_space<hbm>>
      %dma_wait3A_19 = tpu.memref_slice %arg4[%run_scoped3A_13, %mul3A_2] : memref<2x32768xi32, #tpu.memory_space<hbm>> -> memref<1x1024xi32, #tpu.memory_space<hbm>>
      %dma_wait3A_20 = tpu.memref_squeeze %dma_wait3A_19 : memref<1x1024xi32, #tpu.memory_space<hbm>> -> memref<1024xi32, #tpu.memory_space<hbm>>
      tpu.wait_dma2 semaphore(%run_scoped3A_14 : memref<!tpu.dma_semaphore, #tpu.memory_space<semaphore_mem>>) src(%arg9 : memref<1024xi32, #tpu.memory_space<vmem>>) dst(%dma_wait3A_20 : memref<1024xi32, #tpu.memory_space<hbm>>)
      tpu.yield
    }) : () -> ()
    return
  }
}

module attributes {stable_mosaic.version = 14 : i64} {
  func.func @_mm_t_body(%arg0: i32, %arg1: memref<4096x768xf32, #tpu.memory_space<vmem>>, %arg2: memref<768x64xf32, #tpu.memory_space<vmem>>, %arg3: memref<64x1xf32, #tpu.memory_space<vmem>>, %arg4: memref<64x4096xf32, #tpu.memory_space<vmem>>) attributes {dimension_semantics = [#tpu.dimension_semantics<arbitrary>], iteration_bounds = array<i64: 8>, scalar_prefetch = 0 : i64, scratch_operands = 0 : i64, tpu.core_type = #tpu.core_type<tc>, window_params = [{transform_indices = @transform_0, window_bounds = array<i64: 4096, 768>}, {pipeline_mode = #tpu.pipeline_mode<synchronous>, transform_indices = @transform_1, window_bounds = array<i64: 768, 64>}, {pipeline_mode = #tpu.pipeline_mode<synchronous>, transform_indices = @transform_2, window_bounds = array<i64: 64, 1>}, {transform_indices = @transform_3, window_bounds = array<i64: 64, 4096>}]} {
    %get3A = arith.constant 0 : index
    %get3A_0 = arith.constant 0 : index
    %get3A_1 = vector.load %arg1[%get3A, %get3A_0] : memref<4096x768xf32, #tpu.memory_space<vmem>>, vector<4096x768xf32>
    %get3A_2 = arith.constant 0 : index
    %get3A_3 = arith.constant 0 : index
    %get3A_4 = vector.load %arg2[%get3A_2, %get3A_3] : memref<768x64xf32, #tpu.memory_space<vmem>>, vector<768x64xf32>
    %dot_general3A = arith.constant dense<0.000000e+00> : vector<4096x64xf32>
    %dot_general3A_5 = tpu.matmul %get3A_1, %get3A_4, %dot_general3A {dimension_numbers = #tpu.dot_dimension_numbers<[1], [0], [0], [1], [0, 0, 1, 1], [], []>, transpose_lhs_hint = false} : vector<4096x768xf32>, vector<768x64xf32>, vector<4096x64xf32> -> vector<4096x64xf32>
    %transpose3A = tpu.transpose %dot_general3A_5, [1, 0] : vector<4096x64xf32> -> vector<64x4096xf32>
    %get3A_6 = arith.constant 0 : index
    %get3A_7 = arith.constant 0 : index
    %get3A_8 = vector.load %arg3[%get3A_6, %get3A_7] : memref<64x1xf32, #tpu.memory_space<vmem>>, vector<64x1xf32>
    %add3A = vector.broadcast %get3A_8 : vector<64x1xf32> to vector<64x4096xf32>
    %add3A_9 = arith.addf %transpose3A, %add3A : vector<64x4096xf32>
    %swap3A = arith.constant 0 : index
    %swap3A_10 = arith.constant 0 : index
    %swap3A_11 = vector.load %arg4[%swap3A, %swap3A_10] : memref<64x4096xf32, #tpu.memory_space<vmem>>, vector<64x4096xf32>
    tpu.vector_store %arg4[%swap3A, %swap3A_10], %add3A_9 {strides = array<i32>} : memref<64x4096xf32, #tpu.memory_space<vmem>>, vector<64x4096xf32>,
    return
  }
  func.func @transform_0(%arg0: i32) -> (i32, i32) {
    %c0_i32 = arith.constant 0 : i32
    %c0_i32_0 = arith.constant 0 : i32
    return %arg0, %c0_i32 : i32, i32
  }
  func.func @transform_1(%arg0: i32) -> (i32, i32) {
    %c0_i32 = arith.constant 0 : i32
    %c0_i32_0 = arith.constant 0 : i32
    %c0_i32_1 = arith.constant 0 : i32
    return %c0_i32, %c0_i32_0 : i32, i32
  }
  func.func @transform_2(%arg0: i32) -> (i32, i32) {
    %c0_i32 = arith.constant 0 : i32
    %c0_i32_0 = arith.constant 0 : i32
    %c0_i32_1 = arith.constant 0 : i32
    return %c0_i32, %c0_i32_0 : i32, i32
  }
  func.func @transform_3(%arg0: i32) -> (i32, i32) {
    %c0_i32 = arith.constant 0 : i32
    %c0_i32_0 = arith.constant 0 : i32
    return %c0_i32, %arg0 : i32, i32
  }
}

</mosaic_0001>

<sc_bundles>
// kernel: kernel.4.cloned.1.call-start
scs
__scs_entry_jumppad:
0x0: {  	(pc) =	sbr.rel $0x88, $3  }
0x1: {  	(tag) =	ssettag $0x0;
	lr =	simm.s32 $0x1  }
0x2: {  	[smem:$0x3F9E] =	sst lr;
	_ =	strace $0xD0000000  }
0x3: {  	_ = 	snop  }
0x4: {  	_ = 	snop  }
0x5: {  	_ = 	snop  }
0x6: {  	_ = 	snop  }
0x7: {  	_ = 	snop  }
__scs_overlays_trampoline_lowered:
0x8: {  	[smem:$0x3FAD] =	sst s0  }
0x9: {  	[smem:$0x3FAE] =	sst s1  }
0xa: {  	[smem:$0x3FAF] =	sst s2  }
0xb: {  	[smem:$0x3FB0] =	sst s3  }
0xc: {  	[smem:$0x3FB1] =	sst s4  }
0xd: {  	[smem:$0x3FB2] =	sst s5  }
0xe: {  	[smem:$0x3FB3] =	sst s6  }
0xf: {  	[smem:$0x3FB4] =	sst s7  }
0x10: {  	[smem:$0x3FB5] =	sst s8  }
0x11: {  	[smem:$0x3FB6] =	sst s9;
	s0 =	simm.s32 @!p0 $0x0  }
0x12: {  	s1 =	sld [smem:$0x3F9C];
	s0 =	simm.s32 @p0 $0x1  }
0x13: {  	[smem:$0x3FB7] =	sst s0;
	s0 =	simm.s32 @!p1 $0x0  }
0x14: {  	s2 =	sld [smem:$0x3F9B];
	s0 =	simm.s32 @p1 $0x1  }
0x15: {  	[smem:$0x3FB8] =	sst s0;
	s0 =	simm.s32 @!p2 $0x0  }
0x16: {  	s3 =	sld [smem:$0x3FDB];
	s0 =	simm.s32 @p2 $0x1  }
0x17: {  	s4 =	simm.s32 $0x1BF5;
	[smem:$0x3FBA] =	sst s0  }
0x18: {  	s0 =	sld [smem:$0x3F9D];
	_ =	swait.ge [sflag:s4], $0x0  }
0x19: {  	s7 =	sld [smem:$0x3F9E]  }
0x1a: {  	s8 =	sadd.s32 $0xFFFFE003, lr  }
0x1b: {  	s9 =	sadd.s32 $0xFFFFFEF7, lr;
	s5 =	simm.s32 $0xFFFFFFFF;
	p2 =	slt.u32 s8, $0xFFFFF086  }
0x1c: {  	p1 =	slt.u32 s9, $0xF7A;
	s5 =	simm.s32 @!p2 $0x0  }
0x1d: {  	s5 =	simm.s32 @p1 $0x1;
	p0 =	seq.s32 s7, s2  }
0x1e: {  	s7 =	smul.u32 @!p0 $0xF7A, s2;
	p2 =	seq.s32 @!p0 s5, $0x0  }
0x1f: {  	s9 =	smul.u32 $0xF7A, s1;
	s8 =	simm.s32 @!p0 $0x1BF5;
	p2 =	por !p2, p0  }
0x20: {  	[sflag:s8] =	ssyncset.s32 @!p0 $0xFFFFF086;
	s6 =	sadd.s32 @!p0 s3, s7;
	s7 =	simm.s32 @!p0 $0x108  }
0x21: {  	s3 =	sadd.s32 s3, s9;
	s6 =	sadd.s32 @!p0 $0x88, s6;
	s7 =	simm.s32 @p2 $0x1082  }
0x22: {  	[simem:s7], [sflag:s8] =	dma.local @!p0 [hbm:s6], $0xF7A  }
0x23: {  	s9 =	sor.u32 $0xD0000000, s2;
	s6 =	simm.s32 $0x108;
	_ =	swait.ge @!p0 [sflag:s8], $0x0  }
0x24: {  	s3 =	sadd.s32 $0x88, s3;
	s6 =	simm.s32 @!p1 $0x1082;
	[sflag:s4] =	ssyncset.s32 $0xFFFFF086  }
0x25: {  	[simem:s6], [sflag:s4] =	dma.local [hbm:s3], $0xF7A  }
0x26: {  	[smem:$0x3F9E] =	sst s1;
	(tag) =	ssettag s2;
	_ =	strace s9  }
0x27: {  	s1 =	sld [smem:$0x3FAE]  }
0x28: {  	s2 =	sld [smem:$0x3FAF]  }
0x29: {  	s4 =	sld [smem:$0x3FB1]  }
0x2a: {  	p0 =	seq.s32 s5, $0x0;
	s5 =	sld [smem:$0x3FB2]  }
0x2b: {  	s6 =	sld [smem:$0x3FB3]  }
0x2c: {  	s7 =	sld [smem:$0x3FB4]  }
0x2d: {  	s3 =	simm.s32 $0x108;
	s8 =	sld [smem:$0x3FB5]  }
0x2e: {  	s3 =	simm.s32 @!p0 $0x1082;
	s9 =	sld [smem:$0x3FB6]  }
0x2f: {  	lr =	sadd.s32 s0, s3;
	s0 =	sld [smem:$0x3FAD]  }
0x30: {  	s3 =	sld [smem:$0x3FB0]  }
0x31: {  	[smem:$0x3FB9] =	sst s10  }
0x32: {  	s10 =	sld [smem:$0x3FB7];
	_ =	sdelay $0x3  }
0x33: {  	p0 =	seq.s32 s10, $0x1;
	s10 =	sld [smem:$0x3FB9];
	_ =	sdelay $0x3  }
0x34: {  	[smem:$0x3FB9] =	sst s10  }
0x35: {  	s10 =	sld [smem:$0x3FB8];
	_ =	sdelay $0x3  }
0x36: {  	p1 =	seq.s32 s10, $0x1;
	s10 =	sld [smem:$0x3FB9];
	_ =	sdelay $0x3  }
0x37: {  	[smem:$0x3FB9] =	sst s10  }
0x38: {  	s10 =	sld [smem:$0x3FBA]  }
0x39: {  	_ = 	snop;
	(pc) =	sbr.ind lr, $3  }
0x3a: {  	_ = 	snop  }
0x3b: {  	_ = 	snop  }
0x3c: {  	p2 =	seq.s32 s10, $0x1;
	s10 =	sld [smem:$0x3FB9]  }
0x3d: {  	_ =	shalt  }
0x3e: {  	_ =	shalt  }
0x3f: {  	_ =	shalt  }
0x40: {  	_ =	shalt  }
0x41: {  	_ =	shalt  }
0x42: {  	_ =	shalt  }
0x43: {  	_ =	shalt  }
0x44: {  	_ =	shalt  }
0x45: {  	_ =	shalt  }
0x46: {  	_ =	shalt  }
0x47: {  	_ =	shalt  }
0x48: {  	_ =	shalt  }
0x49: {  	_ =	shalt  }
0x4a: {  	_ =	shalt  }
0x4b: {  	_ =	shalt  }
0x4c: {  	_ =	shalt  }
0x4d: {  	_ =	shalt  }
0x4e: {  	_ =	shalt  }
0x4f: {  	_ =	shalt  }
0x50: {  	_ =	shalt  }
0x51: {  	_ =	shalt  }
0x52: {  	_ =	shalt  }
0x53: {  	_ =	shalt  }
0x54: {  	_ =	shalt  }
0x55: {  	_ =	shalt  }
0x56: {  	_ =	shalt  }
0x57: {  	_ =	shalt  }
0x58: {  	_ =	shalt  }
0x59: {  	_ =	shalt  }
0x5a: {  	_ =	shalt  }
0x5b: {  	_ =	shalt  }
0x5c: {  	_ =	shalt  }
0x5d: {  	_ =	shalt  }
0x5e: {  	_ =	shalt  }
0x5f: {  	_ =	shalt  }
0x60: {  	_ =	shalt  }
0x61: {  	_ =	shalt  }
0x62: {  	_ =	shalt  }
0x63: {  	_ =	shalt  }
0x64: {  	_ =	shalt  }
0x65: {  	_ =	shalt  }
0x66: {  	_ =	shalt  }
0x67: {  	_ =	shalt  }
0x68: {  	_ =	shalt  }
0x69: {  	_ =	shalt  }
0x6a: {  	_ =	shalt  }
0x6b: {  	_ =	shalt  }
0x6c: {  	_ =	shalt  }
0x6d: {  	_ =	shalt  }
0x6e: {  	_ =	shalt  }
0x6f: {  	_ =	shalt  }
0x70: {  	_ =	shalt  }
0x71: {  	_ =	shalt  }
0x72: {  	_ =	shalt  }
0x73: {  	_ =	shalt  }
0x74: {  	_ =	shalt  }
0x75: {  	_ =	shalt  }
0x76: {  	_ =	shalt  }
0x77: {  	_ =	shalt  }
0x78: {  	_ =	shalt  }
0x79: {  	_ =	shalt  }
0x7a: {  	_ =	shalt  }
0x7b: {  	_ =	shalt  }
0x7c: {  	_ =	shalt  }
0x7d: {  	_ =	shalt  }
0x7e: {  	_ =	shalt  }
0x7f: {  	_ =	shalt  }
0x80: {  	_ =	shalt  }
0x81: {  	_ =	shalt  }
0x82: {  	_ =	shalt  }
0x83: {  	_ =	shalt  }
0x84: {  	_ =	shalt  }
0x85: {  	_ =	shalt  }
0x86: {  	_ =	shalt  }
0x87: {  	_ =	shalt  }
.Lfunc_end0:
.L_simem_size_0:
called_computation_lowered:
.L_overlay_start_0:
0x88: {  	s2 =	sld [smem:$0x3FD9]  }
0x89: {  	s3 =	sld [smem:$0x3FFE];
	_ =	sdelay $0x1  }
0x8a: {  	s1 =	srdreg.scid  }
0x8b: {  	s0 =	sand.u32 $0x1, s1  }
0x8c: {  	s14 =	sshll.u32 s0, $0xA;
	s2 =	sadd.s32 s3, s2  }
0x8d: {  	s2 =	sadd.s32 s2, s14  }
0x8e: {  	[smem:$0x3FC5] =	sst s2  }
0x8f: {  	_ = 	snop  }
0x90: {  	s2 =	sld [smem:$0x3FD0];
	_ =	sdelay $0x2  }
0x91: {  	s15 =	simm.s32 $0xA;
	s4 =	simm.s32 $0x10  }
0x92: {  	[smem:s4], [sflag:s15] =	dma.local [hbm:s2], $0x1  }
0x93: {  	_ =	swait.eq [sflag:s15], $0x1  }
0x94: {  	[sflag:s15] =	ssyncset.done $0x0  }
0x95: {  	s16 =	sld [smem:$0x10];
	[sflag:s15] =	ssyncadd.s32 $0xFFFFFFFF  }
0x96: {  	s17 =	sld [smem:$0x11];
	(tm) =	ssettm $0x1  }
0x97: {  	s18 =	sld [smem:$0x3FFB];
	_ =	sdelay $0x3  }
0x98: {  	_ =	strace s18  }
0x99: {  	s4 =	sld [smem:$0x3FFC];
	_ =	sdelay $0x3  }
0x9a: {  	_ =	strace s4  }
0x9b: {  	s4 =	sld [smem:$0x3FFD];
	_ =	sdelay $0x3  }
0x9c: {  	_ =	strace s4  }
0x9d: {  	_ =	strace $0x8FFFFFFF  }
0x9e: {  	s19 =	sld [smem:$0x3FDB];
	_ =	sdelay $0x1  }
0x9f: {  	s5 =	simm.s32 $_scs_section_size  }
0xa0: {  	s6 =	simm.s32 $_size__tile_overlayer_lowered;
	s7 =	simm.s32 $_tile_overlayer_lowered  }
0xa1: {  	s22 =	simm.s32 $0x1BFF;
	s21 =	sshll.u32 s7, $0x1;
	s4 =	sadd.s32 s5, s19  }
0xa2: {  	s8 =	simm.s32 $0x0;
	s20 =	sshll.u32 s6, $0x1;
	s6 =	sadd.s32 s21, s4  }
0xa3: {  	[timem:s8], [sflag:s22] =	dma.local [hbm:s6], s20  }
0xa4: {  	_ =	swait.ge [sflag:s22], s20  }
0xa5: {  	s5 =	ssub.s32 $0x0, s20;
	[sflag:s22] =	ssyncset.done $0x0  }
0xa6: {  	[sflag:s22] =	ssyncadd.s32 s5;
	_ =	sdelay $0x1  }
0xa7: {  	s23 =	simm.s32 $0x1B8B  }
0xa8: {  	_ =	swait.ge [sflag:s23], $0x1  }
0xa9: {  	[sflag:s23] =	ssyncset.done $0x0  }
0xaa: {  	s25 =	simm.s32 $0x1B8E;
	s24 =	sld [smem:$0x3FFE];
	[sflag:s23] =	ssyncadd.s32 $0xFFFFFFFF  }
0xab: {  	s26 =	simm.s32 $execute0_lowered;
	[smem:$0x3FD2] =	sst s25  }
0xac: {  	s6 =	sshll.u32 s26, $0x1;
	_ =	strace $0x80000046;
	[dreg:$0x1] =	wrdreg $0xFFFFFFFF  }
0xad: {  	s28 =	simm.s32 $_size_execute0_lowered;
	s4 =	sadd.s32 s4, s6;
	[dreg:$0x0] =	wrdreg $0x0  }
0xae: {  	s6 =	sshll.u32 s28, $0x1;
	[dreg:$0x2] =	wrdreg s4  }
0xaf: {  	[dreg:$0x3] =	wrdreg s6  }
0xb0: {  	[dreg:$0x4] =	wrdreg $0xC0  }
0xb1: {  	_ =	task [dreg:s8], $0x5FFFF  }
0xb2: {  	[dreg:$0x1] =	wrdreg $0xFFFFFFFF  }
0xb3: {  	[dreg:$0x0] =	wrdreg $0x60  }
0xb4: {  	[dreg:$0x2] =	wrdreg s24  }
0xb5: {  	[dreg:$0x3] =	wrdreg s16  }
0xb6: {  	[dreg:$0x4] =	wrdreg s17  }
0xb7: {  	[dreg:$0x5] =	wrdreg $0x9  }
0xb8: {  	_ =	task.clear_ibuf [dreg:s8], $0x6FFFF;
	_ =	strace $0x90000046  }
0xb9: {  	s29 =	simm.s32 $0x9;
	_ =	strace $0x80000048  }
0xba: {  	_ =	swait.ge [sflag:s29], $0x1  }
0xbb: {  	[sflag:s29] =	ssyncadd.s32 $0xFFFFFFFF  }
0xbc: {  	_ =	strace $0x90000048  }
0xbd: {  	_ =	sfence  }
0xbe: {  	s30 =	sld [smem:$0x0];
	_ =	sdelay $0x2  }
0xbf: {  	s31 =	sshll.u32 s1, $0xD;
	s1 =	sshrl.u32 s1, $0x2  }
0xc0: {  	s3 =	sand.u32 $0x4000, s31;
	s1 =	sadd.s32 s1, s30  }
0xc1: {  	s0 =	sor.u32 s3, s0;
	s1 =	sshll.u32 s1, $0x11  }
0xc2: {  	s0 =	sor.u32 s1, s0  }
0xc3: {  	s0 =	sadd.s32 $0x8F2B, s0  }
0xc4: {  	[sflag:s0] =	ssyncadd.remote.s32 $0x1  }
0xc5: {  	_ =	sfence.sel $0xFFFF  }
0xc6: {  	[dreg:$0x0] =	wrdreg $0xFFFFFFFF;
	(pc) =	sbr.abs _section_cstart, $3  }
0xc7: {  	[dreg:$0x1] =	wrdreg $0xFFFFFFFF  }
0xc8: {  	_ =	task.clear_ibuf [dreg:s8], $0x2FFFF;
	_ =	strace $0x9FFFFFFF  }
0xc9: {  	(tm) =	ssettm $0x7FFFFFFF  }
tec
execute0_lowered:
.L_overlay_start_1:
0x0: {  	(tag) =	ssettag $0x1  }
0x1: {  	s3 =	rddreg [dreg:$0x0]  }
0x2: {  	s5 =	rddreg [dreg:$0x1]  }
0x3: {  	s7 =	rddreg [dreg:$0x2]  }
0x4: {  	s0 =	rddreg [dreg:$0x3];
	s4 =	srdreg.scid  }
0x5: {  	s2 =	simm.s32 $0x0;
	s1 =	stileid.u32;
	s10 =	simm.s32 $0x40000  }
0x6: {  	s11 =	simm.s32 $0x1;
	s12 =	simm.s32 $0x80;
	s13 =	simm.s32 $0x100  }
0x7: {  	s14 =	simm.s32 $0x10000;
	s15 =	simm.s32 $0x10400;
	s16 =	simm.s32 $0x10800  }
0x8: {  	s17 =	simm.s32 $0x10C00;
	s18 =	simm.s32 $0x0;
	s4 =	sand.u32 $0x1, s4  }
0x9: {  	[smem:$0x7FF] =	sst s2;
	s6 =	sshll.u32 s1, $0xB;
	s8 =	sshll.u32 s4, $0xA  }
0xa: {  	_ =	strace $0x80000047;
	s4 =	ssub.s32 $0x2, s4;
	s6 =	sor.u32 s8, s6  }
0xb: {  	s31 =	sshrl.u32 s4, $0x1;
	s3 =	sadd.s32 s6, s3;
	s6 =	sshrl.u32 s6, $0x2  }
0xc: {  	s8 =	ssub.s32 s4, s31;
	s3 =	sadd.s32 $0xA00, s3;
	s9 =	sor.u32 $0x10, s6  }
0xd: {  	s4 =	sadd.s32 s5, s6;
	s6 =	sadd.s32 s7, s6;
	s8 =	smax.u32 s8, $0x1  }
0xe: {  	v0 =	vimm.s32 $0x0;
	s5 =	sadd.s32 s5, s9;
	s7 =	sadd.s32 s7, s9;
	s9 =	simm.s32 $0x2000  }
.LBB2_1:
0xf: {  	[tilespmem:s2], [sflag:$0x1] =	stream.strided.gather [hbm4b:s3+s9], $0x10000, s10, s9, $0x38;
	[tilespmem:$0x11000] =	vst v63  }
0x10: {  	_ =	swait.ge [sflag:s11], $0x10000  }
0x11: {  	s19 =	sand.u32 $0x70, s2;
	s20 =	sand.u32 $0x1C00, s2;
	[sflag:s11] =	ssyncset.done $0x0  }
0x12: {  	s19 =	sor.u32 s19, s20;
	[sflag:s11] =	ssyncadd.s32 $0xFFFF0000  }
0x13: {  	v1 =	vld [tilespmem:s19+$0x0];
	_ =	sdelay $0x1  }
0x14: {  	v2 =	vld [tilespmem:s19+$0x80];
	_ =	sdelay $0x2  }
0x15: {  	vm0 =	vgt.f32 v1, $-Inf  }
0x16: {  	v4 =	vimm.s32 $0x0;
	v3 =	vld [tilespmem:s19+$0x100];
	v1 =	vnsel vm0, $0xFF800000, v1  }
0x17: {  	vm9 =	vlt.f32 v2, $-Inf;
	vm1 =	vgt.f32 v2, $-Inf;
	vm2 =	vgt.f32 v2, v1  }
0x18: {  	v38 =	vimm.s32 $0x0;
	vm0 =	vmor vm1, vm9;
	v4 =	vsel vm2, $0xFFFFFFFF, v4  }
0x19: {  	v39 =	vnsel vm0, $0xFF800000, v2;
	vm1 =	vmneg vm2;
	[tilespmem:$0x1FB90] =	vst v4;
	v4 =	vsel vm0, $0xFFFFFFFF, v38  }
0x1a: {  	v5 =	vld [tilespmem:s19+$0x180];
	[tilespmem:$0x1FB70] =	vst v4;
	v4 =	vsel vm1, v39, v1  }
0x1b: {  	v1 =	vsel vm1, v1, v2;
	v2 =	vimm.s32 $0x0;
	vm10 =	vgt.f32 v3, v4  }
0x1c: {  	v2 =	vsel vm10, $0xFFFFFFFF, v2  }
0x1d: {  	vm3 =	vgt.f32 v3, v1;
	[tilespmem:$0x1FB80] =	vst v2;
	v2 =	vsel vm10, v3, v4  }
0x1e: {  	v40 =	vld [tilespmem:s19+$0x200];
	v2 =	vsel vm3, v1, v2  }
0x1f: {  	v1 =	vsel vm3, v3, v1;
	v3 =	vimm.s32 $0x0;
	vm11 =	vgt.f32 v5, v2  }
0x20: {  	v3 =	vsel vm11, $0xFFFFFFFF, v3  }
0x21: {  	vm4 =	vgt.f32 v5, v1;
	v2 =	vsel vm11, v5, v2;
	[tilespmem:$0x1FBA0] =	vst v3;
	v3 =	vld [tilespmem:s19+$0x280]  }
0x22: {  	v2 =	vsel vm4, v1, v2  }
0x23: {  	v1 =	vsel vm4, v5, v1;
	vm12 =	vgt.f32 v40, v2  }
0x24: {  	v42 =	vld [tilespmem:s19+$0x300];
	vm5 =	vgt.f32 v40, v1;
	v2 =	vsel vm12, v40, v2  }
0x25: {  	v2 =	vsel vm5, v1, v2  }
0x26: {  	v1 =	vsel vm5, v40, v1;
	vm13 =	vgt.f32 v3, v2  }
0x27: {  	vm6 =	vgt.f32 v3, v1;
	v2 =	vsel vm13, v3, v2  }
0x28: {  	v44 =	vld [tilespmem:s19+$0x380];
	v2 =	vsel vm6, v1, v2  }
0x29: {  	v1 =	vsel vm6, v3, v1;
	v3 =	vimm.s32 $0x0;
	vm14 =	vgt.f32 v42, v2  }
0x2a: {  	v3 =	vsel vm14, $0xFFFFFFFF, v3  }
0x2b: {  	vm7 =	vgt.f32 v42, v1;
	v2 =	vsel vm14, v42, v2;
	[tilespmem:$0x1FBD0] =	vst v3;
	v3 =	vld [tilespmem:s19+$0x2000]  }
0x2c: {  	v2 =	vsel vm7, v1, v2  }
0x2d: {  	v1 =	vsel vm7, v42, v1;
	vm15 =	vgt.f32 v44, v2  }
0x2e: {  	v46 =	vld [tilespmem:s19+$0x2080];
	vm8 =	vgt.f32 v44, v1;
	v2 =	vsel vm15, v44, v2  }
0x2f: {  	v41 =	vimm.s32 $0x0;
	v2 =	vsel vm8, v1, v2  }
0x30: {  	v5 =	vsel vm12, $0xFFFFFFFF, v41;
	v1 =	vsel vm8, v44, v1;
	vm12 =	vgt.f32 v3, v2  }
0x31: {  	v43 =	vimm.s32 $0x0;
	vm9 =	vgt.f32 v3, v1;
	v2 =	vsel vm12, v3, v2  }
0x32: {  	v48 =	vld [tilespmem:s19+$0x2100];
	v4 =	vsel vm13, $0xFFFFFFFF, v43;
	v2 =	vsel vm9, v1, v2  }
0x33: {  	v1 =	vsel vm9, v3, v1;
	v3 =	vimm.s32 $0x0;
	vm13 =	vgt.f32 v46, v2  }
0x34: {  	v3 =	vsel vm13, $0xFFFFFFFF, v3  }
0x35: {  	vm10 =	vgt.f32 v46, v1;
	v2 =	vsel vm13, v46, v2;
	[tilespmem:$0x1FC00] =	vst v3;
	v3 =	vld [tilespmem:s19+$0x2180]  }
0x36: {  	v2 =	vsel vm10, v1, v2  }
0x37: {  	v1 =	vsel vm10, v46, v1;
	vm14 =	vgt.f32 v48, v2  }
0x38: {  	v45 =	vimm.s32 $0x0;
	v50 =	vld [tilespmem:s19+$0x2200];
	vm11 =	vgt.f32 v48, v1;
	v2 =	vsel vm14, v48, v2  }
0x39: {  	v47 =	vimm.s32 $0x0;
	v49 =	vimm.s32 $0x0;
	v2 =	vsel vm11, v1, v2  }
0x3a: {  	[tilespmem:$0x1FBB0] =	vst v5;
	v5 =	vsel vm15, $0xFFFFFFFF, v45;
	v1 =	vsel vm11, v48, v1;
	vm15 =	vgt.f32 v3, v2  }
0x3b: {  	v51 =	vimm.s32 $0x0;
	vm2 =	vgt.f32 v3, v1;
	v2 =	vsel vm15, v3, v2  }
0x3c: {  	v53 =	vimm.s32 $0x0;
	v52 =	vld [tilespmem:s19+$0x2280];
	[tilespmem:$0x1FBC0] =	vst v4;
	v4 =	vsel vm12, $0xFFFFFFFF, v47;
	v2 =	vsel vm2, v1, v2  }
0x3d: {  	v1 =	vsel vm2, v3, v1;
	v3 =	vimm.s32 $0x0;
	vm12 =	vgt.f32 v50, v2  }
0x3e: {  	v55 =	vimm.s32 $0x0;
	v6 =	vimm.s32 $0x0;
	v3 =	vsel vm12, $0xFFFFFFFF, v3  }
0x3f: {  	v57 =	vimm.s32 $0x0;
	v2 =	vsel vm12, v50, v2;
	vm12 =	vgt.f32 v50, v1;
	[tilespmem:$0x1FC30] =	vst v3;
	v3 =	vld [tilespmem:s19+$0x2300]  }
0x40: {  	v60 =	vimm.s32 $0x0;
	v8 =	vimm.s32 $0x0;
	v2 =	vsel vm12, v1, v2  }
0x41: {  	[tilespmem:$0x1FBE0] =	vst v5;
	v5 =	vsel vm14, $0xFFFFFFFF, v49;
	v1 =	vsel vm12, v50, v1;
	vm13 =	vgt.f32 v52, v2  }
0x42: {  	v54 =	vld [tilespmem:s19+$0x2380];
	[tilespmem:$0x1FC10] =	vst v5;
	v5 =	vsel vm13, $0xFFFFFFFF, v53;
	v2 =	vsel vm13, v52, v2;
	vm13 =	vgt.f32 v52, v1  }
0x43: {  	v11 =	vimm.s32 $0x0;
	v14 =	vimm.s32 $0x0;
	v2 =	vsel vm13, v1, v2  }
0x44: {  	v56 =	vld [tilespmem:s19+$0x4000];
	[tilespmem:$0x1FBF0] =	vst v4;
	v4 =	vsel vm15, $0xFFFFFFFF, v51;
	v1 =	vsel vm13, v52, v1;
	vm14 =	vgt.f32 v3, v2  }
0x45: {  	v58 =	vld [tilespmem:$0x1FB70];
	[tilespmem:$0x1FC20] =	vst v4;
	v4 =	vsel vm14, $0xFFFFFFFF, v55;
	v2 =	vsel vm14, v3, v2;
	vm14 =	vgt.f32 v3, v1  }
0x46: {  	v17 =	vimm.s32 $0x0;
	v20 =	vimm.s32 $0x0;
	v7 =	vld [tilespmem:$0x1FB80];
	v2 =	vsel vm14, v1, v2  }
0x47: {  	v1 =	vsel vm14, v3, v1;
	v3 =	vimm.s32 $0x0;
	vm15 =	vgt.f32 v54, v2  }
0x48: {  	v62 =	vld [tilespmem:$0x1FB90];
	v3 =	vsel vm15, $0xFFFFFFFF, v3;
	v2 =	vsel vm15, v54, v2;
	vm15 =	vgt.f32 v54, v1  }
0x49: {  	v23 =	vimm.s32 $0x0;
	[tilespmem:$0x1FC60] =	vst v3;
	v3 =	vld [tilespmem:s19+$0x4080];
	v6 =	vsel vm15, $0xFFFFFFFF, v6;
	v2 =	vsel vm15, v1, v2  }
0x4a: {  	v1 =	vsel vm15, v54, v1;
	vm15 =	vnez.u8 v58;
	vm0 =	vgt.f32 v56, v2  }
0x4b: {  	[tilespmem:$0x1FC40] =	vst v5;
	vm1 =	vmand vm15, vm1;
	vm15 =	vnez.u8 v7;
	v5 =	vsel vm0, $0xFFFFFFFF, v57  }
0x4c: {  	v59 =	vld [tilespmem:s19+$0x4100];
	v2 =	vsel vm0, v56, v2;
	vm0 =	vgt.f32 v56, v1;
	v61 =	vsel vm1, $0x1, v0  }
0x4d: {  	[tilespmem:$0x1FC70] =	vst v6;
	v6 =	vsel vm0, $0xFFFFFFFF, v60;
	v2 =	vsel vm0, v1, v2;
	v1 =	vsel vm0, v56, v1  }
0x4e: {  	[tilespmem:$0x1FC90] =	vst v6;
	v6 =	vsel vm15, $0x2, v61;
	vm15 =	vnez.u8 v62;
	vm1 =	vgt.f32 v3, v2  }
0x4f: {  	[tilespmem:$0x1FC50] =	vst v4;
	v4 =	vsel vm15, $0x1, v0;
	vm15 =	vgt.f32 v3, v1;
	v2 =	vsel vm1, v3, v2  }
0x50: {  	v26 =	vimm.s32 $0x0;
	v29 =	vimm.s32 $0x0;
	v2 =	vsel vm15, v1, v2  }
0x51: {  	v1 =	vsel vm15, v3, v1;
	v3 =	vimm.s32 $0x0;
	vm0 =	vgt.f32 v59, v2  }
0x52: {  	v32 =	vimm.s32 $0x0;
	v35 =	vimm.s32 $0x0;
	v63 =	vld [tilespmem:s19+$0x4180];
	v3 =	vsel vm0, $0xFFFFFFFF, v3  }
0x53: {  	v38 =	vimm.s32 $0x0;
	v39 =	vimm.s32 $0x0;
	v42 =	vimm.s32 $0x0;
	[tilespmem:$0x1FCB0] =	vst v3;
	v3 =	vld [tilespmem:$0x1FBA0]  }
0x54: {  	v12 =	vld [tilespmem:$0x1FBB0];
	v45 =	vimm.s32 $0x0;
	v49 =	vimm.s32 $0x0;
	v53 =	vimm.s32 $0x0  }
0x55: {  	v56 =	vimm.s32 $0x0;
	v62 =	vimm.s32 $0x0;
	v6 =	vsel vm3, v4, v6  }
0x56: {  	v4 =	vsel vm3, $0x2, v4;
	vm3 =	vgt.f32 v59, v1;
	v2 =	vsel vm0, v59, v2  }
0x57: {  	v15 =	vld [tilespmem:$0x1FBC0];
	v8 =	vsel vm15, $0xFFFFFFFF, v8;
	v2 =	vsel vm3, v1, v2;
	v1 =	vsel vm3, v59, v1  }
0x58: {  	v10 =	vld [tilespmem:s19+$0x4200];
	v59 =	vimm.s32 $0x0;
	vm0 =	vgt.f32 v63, v2;
	vm15 =	vnez.u8 v3  }
0x59: {  	v2 =	vsel vm0, v63, v2;
	v3 =	vsel vm15, $0x3, v6;
	vm15 =	vnez.u8 v12  }
0x5a: {  	v18 =	vld [tilespmem:$0x1FBD0];
	v3 =	vsel vm4, v4, v3;
	v4 =	vsel vm4, $0x3, v4;
	vm4 =	vgt.f32 v63, v1  }
0x5b: {  	[tilespmem:$0x1FC80] =	vst v5;
	v5 =	vsel vm0, $0xFFFFFFFF, v11;
	v3 =	vsel vm15, $0x4, v3;
	v2 =	vsel vm4, v1, v2  }
0x5c: {  	v13 =	vld [tilespmem:s19+$0x4280];
	v1 =	vsel vm4, v63, v1;
	vm15 =	vnez.u8 v15;
	v3 =	vsel vm5, v4, v3  }
0x5d: {  	v21 =	vld [tilespmem:$0x1FBE0];
	v4 =	vsel vm5, $0x4, v4;
	vm0 =	vgt.f32 v10, v2;
	vm5 =	vgt.f32 v10, v1  }
0x5e: {  	v7 =	vsel vm0, $0xFFFFFFFF, v14;
	v3 =	vsel vm15, $0x5, v3;
	v2 =	vsel vm0, v10, v2  }
0x5f: {  	v24 =	vld [tilespmem:$0x1FBF0];
	vm15 =	vnez.u8 v18;
	v3 =	vsel vm6, v4, v3;
	v2 =	vsel vm5, v1, v2  }
0x60: {  	v16 =	vld [tilespmem:s19+$0x4300];
	v4 =	vsel vm6, $0x5, v4;
	v1 =	vsel vm5, v10, v1;
	v10 =	vimm.s32 $0x0  }
0x61: {  	vm0 =	vgt.f32 v13, v2;
	v3 =	vsel vm15, $0x6, v3;
	vm6 =	vgt.f32 v13, v1  }
0x62: {  	v27 =	vld [tilespmem:$0x1FC00];
	vm15 =	vnez.u8 v21;
	v6 =	vsel vm0, $0xFFFFFFFF, v17;
	v2 =	vsel vm0, v13, v2  }
0x63: {  	v3 =	vsel vm7, v4, v3;
	v4 =	vsel vm7, $0x6, v4;
	v2 =	vsel vm6, v1, v2  }
0x64: {  	v19 =	vld [tilespmem:s19+$0x4380];
	v1 =	vsel vm6, v13, v1;
	v3 =	vsel vm15, $0x7, v3;
	vm15 =	vnez.u8 v24  }
0x65: {  	v30 =	vld [tilespmem:$0x1FC10];
	v13 =	vimm.s32 $0x0;
	vm0 =	vgt.f32 v16, v2;
	vm7 =	vgt.f32 v16, v1  }
0x66: {  	[tilespmem:$0x1FCC0] =	vst v5;
	v3 =	vsel vm8, v4, v3;
	v4 =	vsel vm8, $0x7, v4;
	v5 =	vsel vm0, $0xFFFFFFFF, v20  }
0x67: {  	v2 =	vsel vm0, v16, v2;
	v3 =	vsel vm15, $0x8, v3;
	vm15 =	vnez.u8 v27  }
0x68: {  	v33 =	vld [tilespmem:$0x1FC20];
	v2 =	vsel vm7, v1, v2;
	v1 =	vsel vm7, v16, v1;
	v3 =	vsel vm9, v4, v3  }
0x69: {  	v22 =	vld [tilespmem:s19+$0x6000];
	v4 =	vsel vm9, $0x8, v4;
	v16 =	vimm.s32 $0x0;
	vm0 =	vgt.f32 v19, v2  }
0x6a: {  	vm8 =	vgt.f32 v19, v1;
	v3 =	vsel vm15, $0x9, v3;
	vm15 =	vnez.u8 v30  }
0x6b: {  	[tilespmem:$0x1FCD0] =	vst v7;
	v30 =	vimm.s32 $0x0;
	v7 =	vsel vm0, $0xFFFFFFFF, v23;
	v2 =	vsel vm0, v19, v2  }
0x6c: {  	v36 =	vld [tilespmem:$0x1FC30];
	v3 =	vsel vm10, v4, v3;
	v4 =	vsel vm10, $0x9, v4;
	v2 =	vsel vm8, v1, v2  }
0x6d: {  	v1 =	vsel vm8, v19, v1;
	v3 =	vsel vm15, $0xA, v3;
	vm15 =	vnez.u8 v33  }
0x6e: {  	v57 =	vld [tilespmem:$0x1FCB0];
	v19 =	vimm.s32 $0x0;
	v33 =	vimm.s32 $0x0;
	vm0 =	vgt.f32 v22, v2  }
0x6f: {  	v25 =	vld [tilespmem:s19+$0x6080];
	vm9 =	vgt.f32 v22, v1;
	v3 =	vsel vm11, v4, v3;
	v4 =	vsel vm11, $0xA, v4  }
0x70: {  	[tilespmem:$0x1FCE0] =	vst v6;
	v6 =	vsel vm0, $0xFFFFFFFF, v26;
	v2 =	vsel vm0, v22, v2;
	v3 =	vsel vm15, $0xB, v3  }
0x71: {  	v40 =	vld [tilespmem:$0x1FC40];
	vm15 =	vnez.u8 v36;
	v26 =	vimm.s32 $0x0;
	v36 =	vimm.s32 $0x0  }
0x72: {  	v2 =	vsel vm9, v1, v2;
	v1 =	vsel vm9, v22, v1;
	v3 =	vsel vm2, v4, v3  }
0x73: {  	v28 =	vld [tilespmem:s19+$0x6100];
	v4 =	vsel vm2, $0xB, v4;
	vm2 =	vnez.u8 v57;
	v22 =	vimm.s32 $0x0  }
0x74: {  	vm0 =	vgt.f32 v25, v2;
	vm10 =	vgt.f32 v25, v1;
	v3 =	vsel vm15, $0xC, v3  }
0x75: {  	v43 =	vld [tilespmem:$0x1FC50];
	[tilespmem:$0x1FCF0] =	vst v5;
	v5 =	vsel vm0, $0xFFFFFFFF, v29;
	v2 =	vsel vm0, v25, v2;
	v3 =	vsel vm12, v4, v3  }
0x76: {  	v31 =	vld [tilespmem:s19+$0x6180];
	v4 =	vsel vm12, $0xC, v4;
	vm12 =	vnez.u8 v40;
	v29 =	vimm.s32 $0x0  }
0x77: {  	v2 =	vsel vm10, v1, v2;
	v1 =	vsel vm10, v25, v1;
	v3 =	vsel vm12, $0xD, v3  }
0x78: {  	v46 =	vld [tilespmem:$0x1FC60];
	v25 =	vimm.s32 $0x0;
	vm0 =	vgt.f32 v28, v2;
	vm11 =	vgt.f32 v28, v1  }
0x79: {  	v34 =	vld [tilespmem:s19+$0x6200];
	v3 =	vsel vm13, v4, v3;
	v4 =	vsel vm13, $0xD, v4;
	v2 =	vsel vm0, v28, v2  }
0x7a: {  	[tilespmem:$0x1FD00] =	vst v7;
	vm13 =	vnez.u8 v43;
	v7 =	vsel vm0, $0xFFFFFFFF, v32;
	v2 =	vsel vm11, v1, v2  }
0x7b: {  	v3 =	vsel vm13, $0xE, v3;
	v1 =	vsel vm11, v28, v1;
	vm0 =	vgt.f32 v31, v2  }
0x7c: {  	v37 =	vld [tilespmem:s19+$0x6280];
	v3 =	vsel vm14, v4, v3;
	vm15 =	vgt.f32 v31, v1;
	v2 =	vsel vm0, v31, v2  }
0x7d: {  	v4 =	vsel vm14, $0xE, v4;
	vm14 =	vnez.u8 v46;
	v2 =	vsel vm15, v1, v2  }
0x7e: {  	[tilespmem:$0x1FCA0] =	vst v8;
	v8 =	vsel vm15, $0xFFFFFFFF, v38;
	v1 =	vsel vm15, v31, v1;
	vm15 =	vgt.f32 v34, v2  }
0x7f: {  	v41 =	vld [tilespmem:s19+$0x6300];
	v3 =	vsel vm14, $0xF, v3;
	vm12 =	vgt.f32 v34, v1;
	v2 =	vsel vm15, v34, v2  }
0x80: {  	v48 =	vld [tilespmem:$0x1FC70];
	[tilespmem:$0x1FD10] =	vst v6;
	v6 =	vsel vm0, $0xFFFFFFFF, v35;
	v38 =	vimm.s32 $0x0;
	v2 =	vsel vm12, v1, v2  }
0x81: {  	[tilespmem:$0x1FD20] =	vst v5;
	v5 =	vsel vm15, $0xFFFFFFFF, v39;
	v1 =	vsel vm12, v34, v1;
	vm15 =	vgt.f32 v37, v2  }
0x82: {  	v50 =	vld [tilespmem:$0x1FC80];
	v39 =	vimm.s32 $0x0;
	vm13 =	vgt.f32 v37, v1;
	v2 =	vsel vm15, v37, v2  }
0x83: {  	v44 =	vld [tilespmem:s19+$0x6380];
	[tilespmem:$0x1FD30] =	vst v7;
	v7 =	vsel vm15, $0xFFFFFFFF, v42;
	v2 =	vsel vm13, v1, v2;
	v1 =	vsel vm13, v37, v1  }
0x84: {  	v42 =	vimm.s32 $0x0;
	vm15 =	vgt.f32 v41, v2;
	vm14 =	vgt.f32 v41, v1  }
0x85: {  	v52 =	vld [tilespmem:$0x1FC90];
	[tilespmem:$0x1FD40] =	vst v6;
	v6 =	vsel vm15, $0xFFFFFFFF, v45;
	v2 =	vsel vm15, v41, v2;
	vm15 =	vnez.u8 v48  }
0x86: {  	v45 =	vimm.s32 $0x0;
	v48 =	vimm.s32 $0x0;
	v3 =	vsel vm15, v4, v3  }
0x87: {  	v47 =	vld [tilespmem:s19+$0x8000];
	v2 =	vsel vm14, v1, v2;
	v4 =	vsel vm15, $0xF, v4;
	vm15 =	vnez.u8 v50  }
0x88: {  	v1 =	vsel vm14, v41, v1;
	vm0 =	vgt.f32 v44, v2;
	v3 =	vsel vm15, $0x10, v3  }
0x89: {  	v55 =	vld [tilespmem:$0x1FCA0];
	[tilespmem:$0x1FD60] =	vst v5;
	vm15 =	vgt.f32 v44, v1;
	v5 =	vsel vm0, $0xFFFFFFFF, v49;
	v2 =	vsel vm0, v44, v2  }
0x8a: {  	v51 =	vld [tilespmem:s19+$0x8080];
	vm0 =	vnez.u8 v52;
	v49 =	vimm.s32 $0x0;
	v52 =	vimm.s32 $0x0  }
0x8b: {  	v3 =	vsel vm0, v4, v3;
	v2 =	vsel vm15, v1, v2;
	v4 =	vsel vm0, $0x10, v4  }
0x8c: {  	v1 =	vsel vm15, v44, v1;
	vm0 =	vgt.f32 v47, v2;
	v3 =	vsel vm1, $0x11, v3  }
0x8d: {  	v60 =	vld [tilespmem:$0x1FCC0];
	[tilespmem:$0x1FD70] =	vst v7;
	vm1 =	vgt.f32 v47, v1;
	v7 =	vsel vm0, $0xFFFFFFFF, v53;
	v2 =	vsel vm0, v47, v2  }
0x8e: {  	vm0 =	vnez.u8 v55;
	v55 =	vimm.s32 $0x0;
	v2 =	vsel vm1, v1, v2  }
0x8f: {  	v54 =	vld [tilespmem:s19+$0x8100];
	v3 =	vsel vm0, v4, v3;
	v4 =	vsel vm0, $0x11, v4;
	vm0 =	vgt.f32 v51, v2  }
0x90: {  	v63 =	vld [tilespmem:$0x1FCD0];
	[tilespmem:$0x1FD80] =	vst v6;
	v1 =	vsel vm1, v47, v1;
	v3 =	vsel vm2, $0x12, v3;
	v6 =	vsel vm0, $0xFFFFFFFF, v56  }
0x91: {  	v2 =	vsel vm0, v51, v2;
	vm0 =	vgt.f32 v51, v1;
	v3 =	vsel vm3, v4, v3  }
0x92: {  	v4 =	vsel vm3, $0x12, v4;
	vm3 =	vnez.u8 v60;
	v56 =	vimm.s32 $0x0  }
0x93: {  	v11 =	vld [tilespmem:$0x1FCE0];
	v60 =	vimm.s32 $0x0;
	v2 =	vsel vm0, v1, v2;
	v3 =	vsel vm3, $0x13, v3  }
0x94: {  	v58 =	vld [tilespmem:s19+$0x8180];
	v1 =	vsel vm0, v51, v1;
	vm2 =	vgt.f32 v54, v2;
	v3 =	vsel vm4, v4, v3  }
0x95: {  	v4 =	vsel vm4, $0x13, v4;
	vm4 =	vnez.u8 v63;
	v63 =	vimm.s32 $0x0  }
0x96: {  	v14 =	vld [tilespmem:$0x1FCF0];
	[tilespmem:$0x1FD90] =	vst v5;
	v5 =	vsel vm2, $0xFFFFFFFF, v59;
	v2 =	vsel vm2, v54, v2;
	vm2 =	vgt.f32 v54, v1  }
0x97: {  	v3 =	vsel vm4, $0x14, v3;
	v59 =	vimm.s32 $0x0;
	v2 =	vsel vm2, v1, v2  }
0x98: {  	v61 =	vld [tilespmem:s19+$0x8200];
	v3 =	vsel vm5, v4, v3;
	v4 =	vsel vm5, $0x14, v4;
	vm5 =	vnez.u8 v11  }
0x99: {  	v17 =	vld [tilespmem:$0x1FD00];
	v1 =	vsel vm2, v54, v1;
	vm3 =	vgt.f32 v58, v2;
	v3 =	vsel vm5, $0x15, v3  }
0x9a: {  	[tilespmem:$0x1FDA0] =	vst v7;
	v7 =	vsel vm3, $0xFFFFFFFF, v62;
	v2 =	vsel vm3, v58, v2;
	vm3 =	vgt.f32 v58, v1  }
0x9b: {  	v9 =	vld [tilespmem:s19+$0x8280];
	v3 =	vsel vm6, v4, v3;
	v4 =	vsel vm6, $0x15, v4;
	vm6 =	vnez.u8 v14  }
0x9c: {  	v20 =	vld [tilespmem:$0x1FD10];
	v2 =	vsel vm3, v1, v2;
	v1 =	vsel vm3, v58, v1;
	v3 =	vsel vm6, $0x16, v3  }
0x9d: {  	vm4 =	vgt.f32 v61, v2;
	v3 =	vsel vm7, v4, v3;
	v4 =	vsel vm7, $0x16, v4  }
0x9e: {  	[tilespmem:$0x1FDB0] =	vst v6;
	vm7 =	vnez.u8 v17;
	v6 =	vsel vm4, $0xFFFFFFFF, v10;
	v2 =	vsel vm4, v61, v2  }
0x9f: {  	v23 =	vld [tilespmem:$0x1FD20];
	vm4 =	vgt.f32 v61, v1;
	v3 =	vsel vm7, $0x17, v3;
	v10 =	vimm.s32 $0x0  }
0xa0: {  	v27 =	vld [tilespmem:$0x1FD30];
	v2 =	vsel vm4, v1, v2;
	v1 =	vsel vm4, v61, v1;
	v3 =	vsel vm8, v4, v3  }
0xa1: {  	v12 =	vld [tilespmem:s19+$0x8300];
	v4 =	vsel vm8, $0x17, v4;
	vm8 =	vnez.u8 v20;
	vm5 =	vgt.f32 v9, v2  }
0xa2: {  	v35 =	vld [tilespmem:$0x1FD60];
	[tilespmem:$0x1FDC0] =	vst v5;
	v3 =	vsel vm8, $0x18, v3;
	v5 =	vsel vm5, $0xFFFFFFFF, v13;
	v2 =	vsel vm5, v9, v2  }
0xa3: {  	v31 =	vld [tilespmem:$0x1FD40];
	vm5 =	vgt.f32 v9, v1;
	v3 =	vsel vm9, v4, v3;
	v4 =	vsel vm9, $0x18, v4  }
0xa4: {  	vm9 =	vnez.u8 v23;
	v13 =	vimm.s32 $0x0;
	v2 =	vsel vm5, v1, v2  }
0xa5: {  	v15 =	vld [tilespmem:s19+$0x8380];
	[tilespmem:$0x1FD50] =	vst v8;
	v1 =	vsel vm5, v9, v1;
	v3 =	vsel vm9, $0x19, v3;
	vm9 =	vnez.u8 v27  }
0xa6: {  	v34 =	vld [tilespmem:$0x1FD50];
	vm6 =	vgt.f32 v12, v2;
	v3 =	vsel vm10, v4, v3;
	v4 =	vsel vm10, $0x19, v4  }
0xa7: {  	[tilespmem:$0x1FDD0] =	vst v7;
	vm10 =	vnez.u8 v35;
	v7 =	vsel vm6, $0xFFFFFFFF, v16;
	v2 =	vsel vm6, v12, v2  }
0xa8: {  	vm6 =	vgt.f32 v12, v1;
	v3 =	vsel vm9, $0x1A, v3;
	vm9 =	vnez.u8 v31  }
0xa9: {  	v18 =	vld [tilespmem:s19+$0xA000];
	v16 =	vimm.s32 $0x0;
	v2 =	vsel vm6, v1, v2;
	v1 =	vsel vm6, v12, v1  }
0xaa: {  	v40 =	vld [tilespmem:$0x1FD70];
	v3 =	vsel vm11, v4, v3;
	v4 =	vsel vm11, $0x1A, v4;
	vm7 =	vgt.f32 v15, v2  }
0xab: {  	v3 =	vsel vm9, $0x1B, v3;
	vm9 =	vnez.u8 v34;
	v34 =	vimm.s32 $0x0  }
0xac: {  	[tilespmem:$0x1FDE0] =	vst v6;
	v6 =	vsel vm7, $0xFFFFFFFF, v19;
	v2 =	vsel vm7, v15, v2;
	vm7 =	vgt.f32 v15, v1  }
0xad: {  	v21 =	vld [tilespmem:s19+$0xA080];
	v3 =	vsel vm9, v4, v3;
	v4 =	vsel vm9, $0x1B, v4;
	v2 =	vsel vm7, v1, v2  }
0xae: {  	v1 =	vsel vm7, v15, v1;
	v3 =	vsel vm10, $0x1C, v3;
	vm8 =	vgt.f32 v18, v2  }
0xaf: {  	v3 =	vsel vm12, v4, v3;
	v4 =	vsel vm12, $0x1C, v4;
	vm12 =	vnez.u8 v40  }
0xb0: {  	v24 =	vld [tilespmem:s19+$0xA100];
	[tilespmem:$0x1FDF0] =	vst v5;
	v5 =	vsel vm8, $0xFFFFFFFF, v22;
	v2 =	vsel vm8, v18, v2;
	vm8 =	vgt.f32 v18, v1  }
0xb1: {  	v19 =	vimm.s32 $0x0;
	v3 =	vsel vm12, $0x1D, v3;
	v2 =	vsel vm8, v1, v2  }
0xb2: {  	v8 =	vsel vm8, $0xFFFFFFFF, v25;
	v1 =	vsel vm8, v18, v1;
	vm8 =	vgt.f32 v21, v2  }
0xb3: {  	v28 =	vld [tilespmem:s19+$0xA180];
	[tilespmem:$0x1FE00] =	vst v7;
	v7 =	vsel vm8, $0xFFFFFFFF, v26;
	v2 =	vsel vm8, v21, v2;
	vm8 =	vgt.f32 v21, v1  }
0xb4: {  	v22 =	vimm.s32 $0x0;
	v3 =	vsel vm13, v4, v3;
	v2 =	vsel vm8, v1, v2  }
0xb5: {  	[tilespmem:$0x1FE30] =	vst v8;
	v8 =	vsel vm8, $0xFFFFFFFF, v29;
	v1 =	vsel vm8, v21, v1;
	vm8 =	vgt.f32 v24, v2  }
0xb6: {  	v32 =	vld [tilespmem:s19+$0xA200];
	[tilespmem:$0x1FE10] =	vst v6;
	v6 =	vsel vm8, $0xFFFFFFFF, v30;
	v2 =	vsel vm8, v24, v2;
	vm8 =	vgt.f32 v24, v1  }
0xb7: {  	v4 =	vsel vm13, $0x1D, v4;
	v26 =	vimm.s32 $0x0;
	v2 =	vsel vm8, v1, v2  }
0xb8: {  	v43 =	vld [tilespmem:$0x1FD80];
	[tilespmem:$0x1FE50] =	vst v8;
	v8 =	vsel vm8, $0xFFFFFFFF, v33;
	v1 =	vsel vm8, v24, v1;
	vm8 =	vgt.f32 v28, v2  }
0xb9: {  	v37 =	vld [tilespmem:s19+$0xA280];
	[tilespmem:$0x1FE20] =	vst v5;
	v5 =	vsel vm8, $0xFFFFFFFF, v36;
	v2 =	vsel vm8, v28, v2;
	vm8 =	vgt.f32 v28, v1  }
0xba: {  	v30 =	vimm.s32 $0x0;
	v2 =	vsel vm8, v1, v2;
	v1 =	vsel vm8, v28, v1  }
0xbb: {  	v46 =	vld [tilespmem:$0x1FD90];
	[tilespmem:$0x1FE70] =	vst v8;
	v8 =	vsel vm8, $0xFFFFFFFF, v38;
	vm8 =	vgt.f32 v32, v2;
	vm12 =	vgt.f32 v32, v1  }
0xbc: {  	v38 =	vimm.s32 $0x0;
	v2 =	vsel vm8, v32, v2;
	vm13 =	vmmov vm12  }
0xbd: {  	v41 =	vld [tilespmem:s19+$0xA300];
	v2 =	vsel vm12, v1, v2;
	v1 =	vsel vm12, v32, v1;
	vm12 =	vnez.u8 v43  }
0xbe: {  	v50 =	vld [tilespmem:$0x1FDA0];
	[tilespmem:$0x1FE40] =	vst v7;
	v7 =	vsel vm8, $0xFFFFFFFF, v39;
	vm8 =	vgt.f32 v37, v2;
	v3 =	vsel vm12, $0x1E, v3  }
0xbf: {  	[tilespmem:$0x1FE60] =	vst v6;
	vm12 =	vgt.f32 v37, v1;
	v6 =	vsel vm8, $0xFFFFFFFF, v42;
	v2 =	vsel vm8, v37, v2  }
0xc0: {  	v57 =	vld [tilespmem:$0x1FDC0];
	v3 =	vsel vm14, v4, v3;
	v4 =	vsel vm14, $0x1E, v4;
	vm14 =	vnez.u8 v46  }
0xc1: {  	v44 =	vld [tilespmem:s19+$0xA380];
	v2 =	vsel vm12, v1, v2;
	v1 =	vsel vm12, v37, v1;
	v3 =	vsel vm14, $0x1F, v3  }
0xc2: {  	vm8 =	vgt.f32 v41, v2;
	vm14 =	vgt.f32 v41, v1;
	v3 =	vsel vm15, v4, v3  }
0xc3: {  	v53 =	vld [tilespmem:$0x1FDB0];
	[tilespmem:$0x1FE80] =	vst v5;
	v4 =	vsel vm15, $0x1F, v4;
	vm15 =	vnez.u8 v50;
	v5 =	vsel vm8, $0xFFFFFFFF, v45  }
0xc4: {  	v47 =	vld [tilespmem:s19+$0xC000];
	[tilespmem:$0x1FE90] =	vst v8;
	v2 =	vsel vm8, v41, v2;
	v8 =	vsel vm14, $0xFFFFFFFF, v48;
	v3 =	vsel vm15, $0x20, v3  }
0xc5: {  	vm8 =	vnez.u8 v57;
	v2 =	vsel vm14, v1, v2;
	v1 =	vsel vm14, v41, v1  }
0xc6: {  	v3 =	vsel vm1, v4, v3;
	v4 =	vsel vm1, $0x20, v4;
	vm14 =	vgt.f32 v44, v2  }
0xc7: {  	v41 =	vimm.s32 $0x0;
	vm15 =	vgt.f32 v44, v1;
	v2 =	vsel vm14, v44, v2  }
0xc8: {  	v61 =	vld [tilespmem:$0x1FDD0];
	[tilespmem:$0x1FEA0] =	vst v7;
	v7 =	vsel vm14, $0xFFFFFFFF, v49;
	vm14 =	vnez.u8 v53;
	v2 =	vsel vm15, v1, v2  }
0xc9: {  	v51 =	vld [tilespmem:s19+$0xC080];
	v1 =	vsel vm15, v44, v1;
	v3 =	vsel vm14, $0x21, v3;
	vm1 =	vgt.f32 v47, v2  }
0xca: {  	v14 =	vld [tilespmem:$0x1FDF0];
	[tilespmem:$0x1FEB0] =	vst v6;
	vm11 =	vgt.f32 v47, v1;
	v3 =	vsel vm0, v4, v3;
	v4 =	vsel vm0, $0x21, v4  }
0xcb: {  	[tilespmem:$0x1FED0] =	vst v8;
	v6 =	vsel vm1, $0xFFFFFFFF, v52;
	v2 =	vsel vm1, v47, v2;
	v8 =	vsel vm11, $0xFFFFFFFF, v55  }
0xcc: {  	v11 =	vld [tilespmem:$0x1FDE0];
	v3 =	vsel vm8, $0x22, v3;
	v2 =	vsel vm11, v1, v2;
	v1 =	vsel vm11, v47, v1  }
0xcd: {  	v54 =	vld [tilespmem:s19+$0xC100];
	v3 =	vsel vm2, v4, v3;
	v4 =	vsel vm2, $0x22, v4;
	vm11 =	vnez.u8 v61  }
0xce: {  	v20 =	vld [tilespmem:$0x1FE10];
	vm14 =	vgt.f32 v51, v2;
	vm9 =	vgt.f32 v51, v1;
	v3 =	vsel vm11, $0x23, v3  }
0xcf: {  	[tilespmem:$0x1FEC0] =	vst v5;
	vm11 =	vnez.u8 v14;
	v5 =	vsel vm14, $0xFFFFFFFF, v56;
	v2 =	vsel vm14, v51, v2  }
0xd0: {  	[tilespmem:$0x1FF00] =	vst v8;
	v8 =	vsel vm9, $0xFFFFFFFF, v59;
	v3 =	vsel vm3, v4, v3;
	v4 =	vsel vm3, $0x23, v4  }
0xd1: {  	v58 =	vld [tilespmem:s19+$0xC180];
	v2 =	vsel vm9, v1, v2;
	v1 =	vsel vm9, v51, v1;
	vm9 =	vnez.u8 v11  }
0xd2: {  	v17 =	vld [tilespmem:$0x1FE00];
	vm10 =	vgt.f32 v54, v2;
	vm14 =	vgt.f32 v54, v1;
	v3 =	vsel vm9, $0x24, v3  }
0xd3: {  	v62 =	vld [tilespmem:s19+$0xC200];
	[tilespmem:$0x1FEE0] =	vst v7;
	vm9 =	vnez.u8 v20;
	v7 =	vsel vm10, $0xFFFFFFFF, v60;
	v2 =	vsel vm10, v54, v2  }
0xd4: {  	v23 =	vld [tilespmem:$0x1FE20];
	[tilespmem:$0x1FF20] =	vst v8;
	v8 =	vsel vm14, $0xFFFFFFFF, v63;
	v3 =	vsel vm4, v4, v3;
	v4 =	vsel vm4, $0x24, v4  }
0xd5: {  	v2 =	vsel vm14, v1, v2;
	v1 =	vsel vm14, v54, v1;
	v3 =	vsel vm11, $0x25, v3  }
0xd6: {  	v25 =	vld [tilespmem:$0x1FE30];
	vm8 =	vgt.f32 v58, v2;
	vm14 =	vgt.f32 v58, v1;
	v3 =	vsel vm5, v4, v3  }
0xd7: {  	v12 =	vld [tilespmem:s19+$0xC280];
	v4 =	vsel vm5, $0x25, v4;
	vm5 =	vnez.u8 v17;
	v2 =	vsel vm8, v58, v2  }
0xd8: {  	[tilespmem:$0x1FEF0] =	vst v6;
	v6 =	vsel vm8, $0xFFFFFFFF, v10;
	v3 =	vsel vm5, $0x26, v3;
	v2 =	vsel vm14, v1, v2  }
0xd9: {  	vm5 =	vnez.u8 v23;
	v1 =	vsel vm14, v58, v1;
	vm10 =	vgt.f32 v62, v2  }
0xda: {  	v15 =	vld [tilespmem:s19+$0xC300];
	v3 =	vsel vm6, v4, v3;
	vm11 =	vgt.f32 v62, v1;
	v2 =	vsel vm10, v62, v2  }
0xdb: {  	v29 =	vld [tilespmem:$0x1FE50];
	v4 =	vsel vm6, $0x26, v4;
	vm6 =	vnez.u8 v25;
	v2 =	vsel vm11, v1, v2  }
0xdc: {  	v3 =	vsel vm9, $0x27, v3;
	v1 =	vsel vm11, v62, v1;
	vm4 =	vgt.f32 v12, v2  }
0xdd: {  	v18 =	vld [tilespmem:s19+$0xC380];
	[tilespmem:$0x1FF10] =	vst v5;
	v5 =	vsel vm10, $0xFFFFFFFF, v13;
	vm10 =	vgt.f32 v12, v1;
	v2 =	vsel vm4, v12, v2  }
0xde: {  	v3 =	vsel vm7, v4, v3;
	v4 =	vsel vm7, $0x27, v4;
	v2 =	vsel vm10, v1, v2  }
0xdf: {  	v27 =	vld [tilespmem:$0x1FE40];
	v3 =	vsel vm5, $0x28, v3;
	v1 =	vsel vm10, v12, v1;
	vm8 =	vgt.f32 v15, v2  }
0xe0: {  	v31 =	vld [tilespmem:$0x1FE60];
	vm5 =	vnez.u8 v29;
	vm9 =	vgt.f32 v15, v1;
	v2 =	vsel vm8, v15, v2  }
0xe1: {  	v21 =	vld [tilespmem:s19+$0xE000];
	v3 =	vsel vm6, v4, v3;
	v4 =	vsel vm6, $0x28, v4;
	v2 =	vsel vm9, v1, v2  }
0xe2: {  	[tilespmem:$0x1FF30] =	vst v7;
	v7 =	vsel vm4, $0xFFFFFFFF, v16;
	v1 =	vsel vm9, v15, v1;
	vm4 =	vgt.f32 v18, v2  }
0xe3: {  	v33 =	vld [tilespmem:$0x1FE70];
	[tilespmem:$0x1FF50] =	vst v6;
	v6 =	vsel vm8, $0xFFFFFFFF, v19;
	vm8 =	vgt.f32 v18, v1;
	v2 =	vsel vm4, v18, v2  }
0xe4: {  	v24 =	vld [tilespmem:s19+$0xE080];
	[tilespmem:$0x1FF60] =	vst v5;
	v5 =	vsel vm4, $0xFFFFFFFF, v22;
	vm4 =	vnez.u8 v27;
	v2 =	vsel vm8, v1, v2  }
0xe5: {  	v1 =	vsel vm8, v18, v1;
	v3 =	vsel vm4, $0x29, v3;
	vm4 =	vnez.u8 v31  }
0xe6: {  	v35 =	vld [tilespmem:$0x1FE80];
	vm7 =	vgt.f32 v21, v2;
	v3 =	vsel vm5, v4, v3;
	v4 =	vsel vm5, $0x29, v4  }
0xe7: {  	v28 =	vld [tilespmem:s19+$0xE100];
	[tilespmem:$0x1FF70] =	vst v7;
	v7 =	vsel vm7, $0xFFFFFFFF, v26;
	v2 =	vsel vm7, v21, v2;
	vm7 =	vgt.f32 v21, v1  }
0xe8: {  	v37 =	vld [tilespmem:$0x1FE90];
	vm5 =	vnez.u8 v33;
	v3 =	vsel vm4, $0x2A, v3;
	v2 =	vsel vm7, v1, v2  }
0xe9: {  	v1 =	vsel vm7, v21, v1;
	v3 =	vsel vm5, v4, v3;
	vm6 =	vgt.f32 v24, v2  }
0xea: {  	v39 =	vld [tilespmem:$0x1FEA0];
	[tilespmem:$0x1FF80] =	vst v6;
	v6 =	vsel vm6, $0xFFFFFFFF, v30;
	v2 =	vsel vm6, v24, v2;
	vm6 =	vgt.f32 v24, v1  }
0xeb: {  	v32 =	vld [tilespmem:s19+$0xE180];
	v4 =	vsel vm5, $0x2A, v4;
	vm5 =	vnez.u8 v35;
	v2 =	vsel vm6, v1, v2  }
0xec: {  	v3 =	vsel vm5, $0x2B, v3;
	v1 =	vsel vm6, v24, v1;
	vm4 =	vgt.f32 v28, v2  }
0xed: {  	v42 =	vld [tilespmem:$0x1FEB0];
	[tilespmem:$0x1FF90] =	vst v5;
	v5 =	vsel vm4, $0xFFFFFFFF, v34;
	v2 =	vsel vm4, v28, v2;
	vm4 =	vnez.u8 v37  }
0xee: {  	v36 =	vld [tilespmem:s19+$0xE200];
	v44 =	vimm.s32 $0x0;
	vm5 =	vgt.f32 v28, v1;
	v3 =	vsel vm4, v4, v3  }
0xef: {  	v45 =	vld [tilespmem:$0x1FEC0];
	v2 =	vsel vm5, v1, v2;
	v4 =	vsel vm4, $0x2B, v4;
	vm4 =	vnez.u8 v39  }
0xf0: {  	v1 =	vsel vm5, v28, v1;
	vm1 =	vgt.f32 v32, v2;
	v3 =	vsel vm4, $0x2C, v3  }
0xf1: {  	[tilespmem:$0x1FFA0] =	vst v7;
	vm4 =	vgt.f32 v32, v1;
	v7 =	vsel vm1, $0xFFFFFFFF, v38;
	v2 =	vsel vm1, v32, v2  }
0xf2: {  	v40 =	vld [tilespmem:s19+$0xE280];
	v3 =	vsel vm13, v4, v3;
	v4 =	vsel vm13, $0x2C, v4;
	vm13 =	vnez.u8 v42  }
0xf3: {  	v47 =	vld [tilespmem:$0x1FED0];
	v2 =	vsel vm4, v1, v2;
	v1 =	vsel vm4, v32, v1;
	v3 =	vsel vm13, $0x2D, v3  }
0xf4: {  	v48 =	vld [tilespmem:$0x1FEE0];
	vm13 =	vnez.u8 v45;
	vm1 =	vgt.f32 v36, v2;
	vm3 =	vgt.f32 v36, v1  }
0xf5: {  	v43 =	vld [tilespmem:s19+$0xE300];
	v3 =	vsel vm12, v4, v3;
	v4 =	vsel vm12, $0x2D, v4;
	v2 =	vsel vm1, v36, v2  }
0xf6: {  	[tilespmem:$0x1FFB0] =	vst v6;
	v6 =	vsel vm1, $0xFFFFFFFF, v41;
	v2 =	vsel vm3, v1, v2;
	v1 =	vsel vm3, v36, v1  }
0xf7: {  	v46 =	vld [tilespmem:s19+$0xE380];
	v3 =	vsel vm13, $0x2E, v3;
	vm12 =	vgt.f32 v40, v2;
	vm2 =	vgt.f32 v40, v1  }
0xf8: {  	v49 =	vld [tilespmem:$0x1FEF0];
	[tilespmem:$0x1FFC0] =	vst v5;
	v5 =	vsel vm12, $0xFFFFFFFF, v44;
	v2 =	vsel vm12, v40, v2;
	vm12 =	vnez.u8 v47  }
0xf9: {  	vm13 =	vnez.u8 v48;
	v3 =	vsel vm12, v4, v3;
	v2 =	vsel vm2, v1, v2  }
0xfa: {  	v4 =	vsel vm12, $0x2E, v4;
	v1 =	vsel vm2, v40, v1;
	vm12 =	vgt.f32 v43, v2  }
0xfb: {  	v3 =	vsel vm13, $0x2F, v3;
	vm1 =	vgt.f32 v43, v1;
	v2 =	vsel vm12, v43, v2  }
0xfc: {  	v3 =	vsel vm15, v4, v3;
	v4 =	vsel vm15, $0x2F, v4;
	v2 =	vsel vm1, v1, v2  }
0xfd: {  	vm15 =	vnez.u8 v49;
	v1 =	vsel vm1, v43, v1;
	vm13 =	vgt.f32 v46, v2  }
0xfe: {  	v50 =	vld [tilespmem:$0x1FF00];
	v3 =	vsel vm15, $0x30, v3;
	vm15 =	vgt.f32 v46, v1;
	v2 =	vsel vm13, v46, v2  }
0xff: {  	v51 =	vld [tilespmem:$0x1FF10];
	v2 =	vsel vm15, v1, v2;
	v1 =	vsel vm15, v46, v1  }
0x100: {  	v1 =	vsub.f32 v2, v1;
	v2 =	vld [tilespmem:$0x1FF20]  }
0x101: {  	[tilespmem:$0x1FF40] =	vst v8;
	v52 =	vld [tilespmem:$0x1FF30]  }
0x102: {  	v53 =	vld [tilespmem:$0x1FF40]  }
0x103: {  	vm0 =	vnez.u8 v50;
	v54 =	vld [tilespmem:$0x1FF50]  }
0x104: {  	v3 =	vsel vm0, v4, v3;
	v4 =	vsel vm0, $0x30, v4;
	vm0 =	vnez.u8 v51  }
0x105: {  	v3 =	vsel vm0, $0x31, v3;
	vm0 =	vnez.u8 v2  }
0x106: {  	v2 =	vsel vm0, v4, v3;
	v3 =	vsel vm0, $0x31, v4;
	vm0 =	vnez.u8 v52  }
0x107: {  	v1 =	vmul.f32 $1.442695020e+00, v1;
	v2 =	vsel vm0, $0x32, v2;
	vm0 =	vnez.u8 v53  }
0x108: {  	v2 =	vsel vm0, v3, v2;
	v3 =	vsel vm0, $0x32, v3;
	vm0 =	vnez.u8 v54  }
0x109: {  	v2 =	vsel vm0, $0x33, v2  }
0x10a: {  	(erf) = vpow2.f32 v1;
	v1 =	vsel vm14, v3, v2;
	v2 =	vsel vm14, $0x33, v3;
	v3 =	vld [tilespmem:$0x1FF60];
	_ =	sdelay $0x4  }
0x10b: {  	vm14 =	vnez.u8 v3;
	v3 =	vld [tilespmem:$0x1FF70];
	_ =	sdelay $0x4  }
0x10c: {  	v1 =	vsel vm14, $0x34, v1;
	vm14 =	vnez.u8 v3;
	v3 =	vld [tilespmem:$0x1FF80];
	_ =	sdelay $0x2  }
0x10d: {  	v1 =	vsel vm11, v2, v1  }
0x10e: {  	v2 =	vsel vm11, $0x34, v2;
	v1 =	vsel vm14, $0x35, v1  }
0x10f: {  	v1 =	vsel vm10, v2, v1;
	v2 =	vsel vm10, $0x35, v2;
	vm10 =	vnez.u8 v3;
	v3 =	vld [tilespmem:$0x1FF90];
	_ =	sdelay $0x1  }
0x110: {  	v55 =	vld [tilespmem:$0x1FFA0];
	_ =	sdelay $0x1  }
0x111: {  	v57 =	vld [tilespmem:$0x1FFB0];
	v1 =	vsel vm10, $0x36, v1  }
0x112: {  	v1 =	vsel vm9, v2, v1;
	vm11 =	vnez.u8 v3  }
0x113: {  	v58 =	vld [tilespmem:$0x1FFC0];
	v2 =	vsel vm9, $0x36, v2;
	v1 =	vsel vm11, $0x37, v1  }
0x114: {  	[tilespmem:$0x1FFD0] =	vst v7;
	vm14 =	vnez.u8 v55;
	v3 =	vpop (erf);
	v1 =	vsel vm8, v2, v1  }
0x115: {  	v59 =	vld [tilespmem:$0x1FFD0];
	v56 =	vadd.f32 $1.000000000e+00, v3;
	v2 =	vsel vm8, $0x37, v2;
	v1 =	vsel vm14, $0x38, v1  }
0x116: {  	[tilespmem:$0x1FFE0] =	vst v6;
	vm8 =	vnez.u8 v57;
	v1 =	vsel vm7, v2, v1  }
0x117: {  	v60 =	vld [tilespmem:$0x1FFE0];
	(erf) = vrcp.f32 v56;
	v2 =	vsel vm7, $0x38, v2;
	v1 =	vsel vm8, $0x39, v1  }
0x118: {  	[tilespmem:$0x1FFF0] =	vst v5;
	vm9 =	vnez.u8 v58;
	v1 =	vsel vm6, v2, v1  }
0x119: {  	v61 =	vld [tilespmem:$0x1FFF0];
	v2 =	vsel vm6, $0x39, v2;
	v1 =	vsel vm9, $0x3A, v1  }
0x11a: {  	vm10 =	vnez.u8 v59;
	v1 =	vsel vm5, v2, v1  }
0x11b: {  	v2 =	vsel vm5, $0x3A, v2;
	v1 =	vsel vm10, $0x3B, v1  }
0x11c: {  	vm11 =	vnez.u8 v60;
	v1 =	vsel vm4, v2, v1  }
0x11d: {  	v2 =	vsel vm4, $0x3B, v2;
	v1 =	vsel vm11, $0x3C, v1  }
0x11e: {  	vm14 =	vnez.u8 v61;
	v1 =	vsel vm3, v2, v1  }
0x11f: {  	v2 =	vsel vm3, $0x3C, v2;
	v1 =	vsel vm14, $0x3D, v1  }
0x120: {  	v62 =	vpop (erf);
	v1 =	vsel vm2, v2, v1  }
0x121: {  	s21 =	simm.s32 $0x10;
	v3 =	vmul.f32 v62, v3;
	v2 =	vsel vm2, $0x3D, v2;
	v1 =	vsel vm12, $0x3E, v1  }
0x122: {  	s30 =	simm.s32 $0x20;
	s23 =	simm.s32 $0x80;
	s24 =	simm.s32 $0x10C00;
	[tilespmem:s14+$0x0] =	vst v62;
	v1 =	vsel vm1, v2, v1;
	v2 =	vsel vm1, $0x3E, v2  }
0x123: {  	s22 =	simm.s32 $0x10000;
	s20 =	simm.s32 $0x10C10;
	s26 =	sand.u32 $0x70, s21;
	[tilespmem:s15+$0x0] =	vst v3;
	v1 =	vsel vm13, $0x3F, v1;
	v63 =	vsel vm15, $0x3F, v2  }
0x124: {  	s29 =	sand.u32 $0x1C00, s23;
	s21 =	simm.s32 $0x10410;
	s19 =	simm.s32 $0x10810;
	v1 =	vsel vm15, v2, v1;
	[tilespmem:s16+$0x0] =	vst v63  }
.LBB2_2:
0x125: {  	s29 =	sor.u32 s26, s29;
	s22 =	sadd.s32 $0x10, s22;
	s26 =	smov.u32 s30  }
0x126: {  	[tilespmem:s24+$0x0] =	vst v1;
	s25 =	sadd.s32 $0x10, s30;
	s28 =	smov.u32 s19;
	s24 =	smov.u32 s20  }
0x127: {  	p0 =	sne.s32 s30, $0x3F0;
	v1 =	vld [tilespmem:s29+$0x0]  }
0x128: {  	v2 =	vld [tilespmem:s29+$0x80];
	_ =	sdelay $0x3  }
0x129: {  	vm0 =	vgt.f32 v1, $-Inf;
	v3 =	vld [tilespmem:s29+$0x100]  }
0x12a: {  	v1 =	vnsel vm0, $0xFF800000, v1;
	vm0 =	vlt.f32 v2, $-Inf;
	vm1 =	vgt.f32 v2, $-Inf  }
0x12b: {  	vm2 =	vgt.f32 v2, v1;
	vm0 =	vmor vm1, vm0  }
0x12c: {  	vm1 =	vmneg vm2;
	v4 =	vnsel vm0, $0xFF800000, v2;
	v5 =	vld [tilespmem:s29+$0x180]  }
0x12d: {  	vm0 =	vmand vm0, vm1;
	v4 =	vsel vm1, v4, v1;
	v1 =	vsel vm1, v1, v2  }
0x12e: {  	v2 =	vsel vm0, $0x1, v0;
	vm0 =	vgt.f32 v3, v4  }
0x12f: {  	vm1 =	vgt.f32 v3, v1;
	v2 =	vsel vm0, $0x2, v2;
	v4 =	vsel vm0, v3, v4;
	v6 =	vld [tilespmem:s29+$0x200]  }
0x130: {  	v7 =	vsel vm2, $0x1, v0;
	v4 =	vsel vm1, v1, v4;
	v1 =	vsel vm1, v3, v1  }
0x131: {  	v2 =	vsel vm1, v7, v2;
	v3 =	vsel vm1, $0x2, v7;
	vm0 =	vgt.f32 v5, v4  }
0x132: {  	vm1 =	vgt.f32 v5, v1;
	v2 =	vsel vm0, $0x3, v2;
	v4 =	vsel vm0, v5, v4;
	v7 =	vld [tilespmem:s29+$0x280]  }
0x133: {  	v2 =	vsel vm1, v3, v2;
	v4 =	vsel vm1, v1, v4;
	v1 =	vsel vm1, v5, v1  }
0x134: {  	v3 =	vsel vm1, $0x3, v3;
	vm0 =	vgt.f32 v6, v4  }
0x135: {  	vm1 =	vgt.f32 v6, v1;
	v2 =	vsel vm0, $0x4, v2;
	v4 =	vsel vm0, v6, v4;
	v5 =	vld [tilespmem:s29+$0x300]  }
0x136: {  	v2 =	vsel vm1, v3, v2;
	v4 =	vsel vm1, v1, v4;
	v1 =	vsel vm1, v6, v1  }
0x137: {  	v3 =	vsel vm1, $0x4, v3;
	vm0 =	vgt.f32 v7, v4  }
0x138: {  	vm1 =	vgt.f32 v7, v1;
	v2 =	vsel vm0, $0x5, v2;
	v4 =	vsel vm0, v7, v4;
	v6 =	vld [tilespmem:s29+$0x380]  }
0x139: {  	v2 =	vsel vm1, v3, v2;
	v4 =	vsel vm1, v1, v4;
	v1 =	vsel vm1, v7, v1  }
0x13a: {  	v3 =	vsel vm1, $0x5, v3;
	vm0 =	vgt.f32 v5, v4  }
0x13b: {  	vm1 =	vgt.f32 v5, v1;
	v2 =	vsel vm0, $0x6, v2;
	v4 =	vsel vm0, v5, v4;
	v7 =	vld [tilespmem:s29+$0x2000]  }
0x13c: {  	v8 =	vsel vm1, $0x6, v3;
	v4 =	vsel vm1, v1, v4;
	v1 =	vsel vm1, v5, v1  }
0x13d: {  	v2 =	vsel vm1, v3, v2;
	vm0 =	vgt.f32 v6, v4  }
0x13e: {  	vm1 =	vgt.f32 v6, v1;
	v2 =	vsel vm0, $0x7, v2;
	v3 =	vsel vm0, v6, v4;
	v4 =	vld [tilespmem:s29+$0x2080]  }
0x13f: {  	v2 =	vsel vm1, v8, v2;
	v3 =	vsel vm1, v1, v3;
	v1 =	vsel vm1, v6, v1  }
0x140: {  	vm0 =	vgt.f32 v7, v3  }
0x141: {  	v5 =	vsel vm1, $0x7, v8;
	vm1 =	vgt.f32 v7, v1;
	v3 =	vsel vm0, v7, v3;
	v6 =	vld [tilespmem:s29+$0x2100]  }
0x142: {  	v2 =	vsel vm0, $0x8, v2;
	v3 =	vsel vm1, v1, v3;
	v1 =	vsel vm1, v7, v1  }
0x143: {  	v2 =	vsel vm1, v5, v2;
	v5 =	vsel vm1, $0x8, v5;
	vm0 =	vgt.f32 v4, v3  }
0x144: {  	vm1 =	vgt.f32 v4, v1;
	v2 =	vsel vm0, $0x9, v2;
	v3 =	vsel vm0, v4, v3;
	v7 =	vld [tilespmem:s29+$0x2180]  }
0x145: {  	v2 =	vsel vm1, v5, v2;
	v3 =	vsel vm1, v1, v3;
	v1 =	vsel vm1, v4, v1  }
0x146: {  	v4 =	vsel vm1, $0x9, v5;
	vm0 =	vgt.f32 v6, v3  }
0x147: {  	vm1 =	vgt.f32 v6, v1;
	v2 =	vsel vm0, $0xA, v2;
	v3 =	vsel vm0, v6, v3;
	v5 =	vld [tilespmem:s29+$0x2200]  }
0x148: {  	v2 =	vsel vm1, v4, v2;
	v3 =	vsel vm1, v1, v3;
	v1 =	vsel vm1, v6, v1  }
0x149: {  	v4 =	vsel vm1, $0xA, v4;
	vm0 =	vgt.f32 v7, v3  }
0x14a: {  	vm1 =	vgt.f32 v7, v1;
	v2 =	vsel vm0, $0xB, v2;
	v3 =	vsel vm0, v7, v3;
	v6 =	vld [tilespmem:s29+$0x2280]  }
0x14b: {  	v2 =	vsel vm1, v4, v2;
	v3 =	vsel vm1, v1, v3;
	v1 =	vsel vm1, v7, v1  }
0x14c: {  	v4 =	vsel vm1, $0xB, v4;
	vm0 =	vgt.f32 v5, v3  }
0x14d: {  	vm1 =	vgt.f32 v5, v1;
	v2 =	vsel vm0, $0xC, v2;
	v3 =	vsel vm0, v5, v3;
	v7 =	vld [tilespmem:s29+$0x2300]  }
0x14e: {  	v2 =	vsel vm1, v4, v2;
	v3 =	vsel vm1, v1, v3;
	v1 =	vsel vm1, v5, v1  }
0x14f: {  	v4 =	vsel vm1, $0xC, v4;
	vm0 =	vgt.f32 v6, v3  }
0x150: {  	vm1 =	vgt.f32 v6, v1;
	v2 =	vsel vm0, $0xD, v2;
	v3 =	vsel vm0, v6, v3;
	v5 =	vld [tilespmem:s29+$0x2380]  }
0x151: {  	v2 =	vsel vm1, v4, v2;
	v3 =	vsel vm1, v1, v3;
	v4 =	vsel vm1, $0xD, v4  }
0x152: {  	v1 =	vsel vm1, v6, v1;
	vm0 =	vgt.f32 v7, v3  }
0x153: {  	vm1 =	vgt.f32 v7, v1;
	v2 =	vsel vm0, $0xE, v2;
	v3 =	vsel vm0, v7, v3;
	v6 =	vld [tilespmem:s29+$0x4000]  }
0x154: {  	v2 =	vsel vm1, v4, v2;
	v3 =	vsel vm1, v1, v3;
	v4 =	vsel vm1, $0xE, v4  }
0x155: {  	v1 =	vsel vm1, v7, v1;
	vm0 =	vgt.f32 v5, v3  }
0x156: {  	vm1 =	vgt.f32 v5, v1;
	v2 =	vsel vm0, $0xF, v2;
	v3 =	vsel vm0, v5, v3;
	v7 =	vld [tilespmem:s29+$0x4080]  }
0x157: {  	v2 =	vsel vm1, v4, v2;
	v3 =	vsel vm1, v1, v3  }
0x158: {  	v4 =	vsel vm1, $0xF, v4;
	v1 =	vsel vm1, v5, v1;
	vm0 =	vgt.f32 v6, v3  }
0x159: {  	vm1 =	vgt.f32 v6, v1;
	v2 =	vsel vm0, $0x10, v2;
	v3 =	vsel vm0, v6, v3;
	v5 =	vld [tilespmem:s29+$0x4100]  }
0x15a: {  	v2 =	vsel vm1, v4, v2;
	v3 =	vsel vm1, v1, v3;
	v4 =	vsel vm1, $0x10, v4  }
0x15b: {  	v1 =	vsel vm1, v6, v1;
	vm0 =	vgt.f32 v7, v3  }
0x15c: {  	vm1 =	vgt.f32 v7, v1;
	v2 =	vsel vm0, $0x11, v2;
	v3 =	vsel vm0, v7, v3;
	v6 =	vld [tilespmem:s29+$0x4180]  }
0x15d: {  	v2 =	vsel vm1, v4, v2;
	v3 =	vsel vm1, v1, v3;
	v1 =	vsel vm1, v7, v1  }
0x15e: {  	v4 =	vsel vm1, $0x11, v4;
	vm0 =	vgt.f32 v5, v3  }
0x15f: {  	vm1 =	vgt.f32 v5, v1;
	v2 =	vsel vm0, $0x12, v2;
	v3 =	vsel vm0, v5, v3;
	v7 =	vld [tilespmem:s29+$0x4200]  }
0x160: {  	v2 =	vsel vm1, v4, v2;
	v3 =	vsel vm1, v1, v3;
	v1 =	vsel vm1, v5, v1  }
0x161: {  	vm0 =	vgt.f32 v6, v3  }
0x162: {  	v4 =	vsel vm1, $0x12, v4;
	vm1 =	vgt.f32 v6, v1;
	v3 =	vsel vm0, v6, v3;
	v5 =	vld [tilespmem:s29+$0x4280]  }
0x163: {  	v2 =	vsel vm0, $0x13, v2;
	v3 =	vsel vm1, v1, v3;
	v1 =	vsel vm1, v6, v1  }
0x164: {  	v2 =	vsel vm1, v4, v2;
	v4 =	vsel vm1, $0x13, v4;
	vm0 =	vgt.f32 v7, v3  }
0x165: {  	vm1 =	vgt.f32 v7, v1;
	v2 =	vsel vm0, $0x14, v2;
	v3 =	vsel vm0, v7, v3;
	v6 =	vld [tilespmem:s29+$0x4300]  }
0x166: {  	v2 =	vsel vm1, v4, v2;
	v3 =	vsel vm1, v1, v3  }
0x167: {  	v1 =	vsel vm1, v7, v1;
	vm0 =	vgt.f32 v5, v3  }
0x168: {  	v4 =	vsel vm1, $0x14, v4;
	vm1 =	vgt.f32 v5, v1;
	v3 =	vsel vm0, v5, v3;
	v7 =	vld [tilespmem:s29+$0x4380]  }
0x169: {  	v2 =	vsel vm0, $0x15, v2;
	v8 =	vsel vm1, $0x15, v4;
	v3 =	vsel vm1, v1, v3  }
0x16a: {  	v2 =	vsel vm1, v4, v2;
	v1 =	vsel vm1, v5, v1;
	vm0 =	vgt.f32 v6, v3  }
0x16b: {  	vm1 =	vgt.f32 v6, v1;
	v2 =	vsel vm0, $0x16, v2;
	v3 =	vsel vm0, v6, v3;
	v4 =	vld [tilespmem:s29+$0x6000]  }
0x16c: {  	v5 =	vsel vm1, $0x16, v8;
	v3 =	vsel vm1, v1, v3;
	v1 =	vsel vm1, v6, v1  }
0x16d: {  	v2 =	vsel vm1, v8, v2;
	vm0 =	vgt.f32 v7, v3  }
0x16e: {  	vm1 =	vgt.f32 v7, v1;
	v2 =	vsel vm0, $0x17, v2;
	v3 =	vsel vm0, v7, v3;
	v6 =	vld [tilespmem:s29+$0x6080]  }
0x16f: {  	v2 =	vsel vm1, v5, v2;
	v3 =	vsel vm1, v1, v3;
	v1 =	vsel vm1, v7, v1  }
0x170: {  	v5 =	vsel vm1, $0x17, v5;
	vm0 =	vgt.f32 v4, v3  }
0x171: {  	vm1 =	vgt.f32 v4, v1;
	v2 =	vsel vm0, $0x18, v2;
	v3 =	vsel vm0, v4, v3;
	v7 =	vld [tilespmem:s29+$0x6100]  }
0x172: {  	v8 =	vsel vm1, $0x18, v5;
	v3 =	vsel vm1, v1, v3;
	v1 =	vsel vm1, v4, v1  }
0x173: {  	v2 =	vsel vm1, v5, v2;
	vm0 =	vgt.f32 v6, v3  }
0x174: {  	vm1 =	vgt.f32 v6, v1;
	v2 =	vsel vm0, $0x19, v2;
	v3 =	vsel vm0, v6, v3;
	v4 =	vld [tilespmem:s29+$0x6180]  }
0x175: {  	v2 =	vsel vm1, v8, v2;
	v3 =	vsel vm1, v1, v3;
	v1 =	vsel vm1, v6, v1  }
0x176: {  	v5 =	vsel vm1, $0x19, v8;
	vm0 =	vgt.f32 v7, v3  }
0x177: {  	vm1 =	vgt.f32 v7, v1;
	v2 =	vsel vm0, $0x1A, v2;
	v3 =	vsel vm0, v7, v3;
	v6 =	vld [tilespmem:s29+$0x6200]  }
0x178: {  	v2 =	vsel vm1, v5, v2;
	v3 =	vsel vm1, v1, v3  }
0x179: {  	v5 =	vsel vm1, $0x1A, v5;
	v1 =	vsel vm1, v7, v1;
	vm0 =	vgt.f32 v4, v3  }
0x17a: {  	vm1 =	vgt.f32 v4, v1;
	v2 =	vsel vm0, $0x1B, v2;
	v3 =	vsel vm0, v4, v3;
	v7 =	vld [tilespmem:s29+$0x6280]  }
0x17b: {  	v2 =	vsel vm1, v5, v2;
	v3 =	vsel vm1, v1, v3  }
0x17c: {  	v1 =	vsel vm1, v4, v1;
	vm0 =	vgt.f32 v6, v3  }
0x17d: {  	vm2 =	vgt.f32 v6, v1;
	v2 =	vsel vm0, $0x1C, v2;
	v3 =	vsel vm0, v6, v3;
	v4 =	vld [tilespmem:s29+$0x6300]  }
0x17e: {  	v5 =	vsel vm1, $0x1B, v5;
	v3 =	vsel vm2, v1, v3;
	v1 =	vsel vm2, v6, v1  }
0x17f: {  	v2 =	vsel vm2, v5, v2;
	v5 =	vsel vm2, $0x1C, v5;
	vm0 =	vgt.f32 v7, v3  }
0x180: {  	vm1 =	vgt.f32 v7, v1;
	v2 =	vsel vm0, $0x1D, v2;
	v3 =	vsel vm0, v7, v3;
	v6 =	vld [tilespmem:s29+$0x6380]  }
0x181: {  	v2 =	vsel vm1, v5, v2;
	v3 =	vsel vm1, v1, v3  }
0x182: {  	v5 =	vsel vm1, $0x1D, v5;
	v1 =	vsel vm1, v7, v1;
	vm0 =	vgt.f32 v4, v3  }
0x183: {  	vm1 =	vgt.f32 v4, v1;
	v2 =	vsel vm0, $0x1E, v2;
	v3 =	vsel vm0, v4, v3;
	v7 =	vld [tilespmem:s29+$0x8000]  }
0x184: {  	v2 =	vsel vm1, v5, v2;
	v3 =	vsel vm1, v1, v3  }
0x185: {  	v1 =	vsel vm1, v4, v1;
	vm0 =	vgt.f32 v6, v3  }
0x186: {  	v4 =	vsel vm1, $0x1E, v5;
	vm1 =	vgt.f32 v6, v1;
	v3 =	vsel vm0, v6, v3;
	v5 =	vld [tilespmem:s29+$0x8080]  }
0x187: {  	v2 =	vsel vm0, $0x1F, v2;
	v8 =	vsel vm1, $0x1F, v4;
	v3 =	vsel vm1, v1, v3  }
0x188: {  	v2 =	vsel vm1, v4, v2;
	v1 =	vsel vm1, v6, v1;
	vm0 =	vgt.f32 v7, v3  }
0x189: {  	vm1 =	vgt.f32 v7, v1;
	v2 =	vsel vm0, $0x20, v2;
	v3 =	vsel vm0, v7, v3;
	v4 =	vld [tilespmem:s29+$0x8100]  }
0x18a: {  	v6 =	vsel vm1, $0x20, v8;
	v2 =	vsel vm1, v8, v2;
	v3 =	vsel vm1, v1, v3  }
0x18b: {  	v1 =	vsel vm1, v7, v1;
	vm0 =	vgt.f32 v5, v3  }
0x18c: {  	vm1 =	vgt.f32 v5, v1;
	v2 =	vsel vm0, $0x21, v2;
	v3 =	vsel vm0, v5, v3;
	v7 =	vld [tilespmem:s29+$0x8180]  }
0x18d: {  	v2 =	vsel vm1, v6, v2;
	v3 =	vsel vm1, v1, v3;
	v1 =	vsel vm1, v5, v1  }
0x18e: {  	v5 =	vsel vm1, $0x21, v6;
	vm0 =	vgt.f32 v4, v3  }
0x18f: {  	vm1 =	vgt.f32 v4, v1;
	v2 =	vsel vm0, $0x22, v2;
	v3 =	vsel vm0, v4, v3;
	v6 =	vld [tilespmem:s29+$0x8200]  }
0x190: {  	v2 =	vsel vm1, v5, v2;
	v3 =	vsel vm1, v1, v3  }
0x191: {  	v5 =	vsel vm1, $0x22, v5;
	v1 =	vsel vm1, v4, v1;
	vm0 =	vgt.f32 v7, v3  }
0x192: {  	vm1 =	vgt.f32 v7, v1;
	v2 =	vsel vm0, $0x23, v2;
	v3 =	vsel vm0, v7, v3;
	v4 =	vld [tilespmem:s29+$0x8280]  }
0x193: {  	v2 =	vsel vm1, v5, v2;
	v3 =	vsel vm1, v1, v3  }
0x194: {  	v5 =	vsel vm1, $0x23, v5;
	v1 =	vsel vm1, v7, v1;
	vm0 =	vgt.f32 v6, v3  }
0x195: {  	vm1 =	vgt.f32 v6, v1;
	v2 =	vsel vm0, $0x24, v2;
	v3 =	vsel vm0, v6, v3;
	v7 =	vld [tilespmem:s29+$0x8300]  }
0x196: {  	v2 =	vsel vm1, v5, v2;
	v3 =	vsel vm1, v1, v3;
	v1 =	vsel vm1, v6, v1  }
0x197: {  	v5 =	vsel vm1, $0x24, v5;
	vm0 =	vgt.f32 v4, v3  }
0x198: {  	vm1 =	vgt.f32 v4, v1;
	v2 =	vsel vm0, $0x25, v2;
	v3 =	vsel vm0, v4, v3;
	v6 =	vld [tilespmem:s29+$0x8380]  }
0x199: {  	v2 =	vsel vm1, v5, v2;
	v3 =	vsel vm1, v1, v3;
	v1 =	vsel vm1, v4, v1  }
0x19a: {  	v4 =	vsel vm1, $0x25, v5;
	vm0 =	vgt.f32 v7, v3  }
0x19b: {  	vm1 =	vgt.f32 v7, v1;
	v2 =	vsel vm0, $0x26, v2;
	v3 =	vsel vm0, v7, v3;
	v5 =	vld [tilespmem:s29+$0xA000]  }
0x19c: {  	v2 =	vsel vm1, v4, v2;
	v3 =	vsel vm1, v1, v3;
	v1 =	vsel vm1, v7, v1  }
0x19d: {  	v4 =	vsel vm1, $0x26, v4;
	vm0 =	vgt.f32 v6, v3  }
0x19e: {  	vm1 =	vgt.f32 v6, v1;
	v2 =	vsel vm0, $0x27, v2;
	v3 =	vsel vm0, v6, v3;
	v7 =	vld [tilespmem:s29+$0xA080]  }
0x19f: {  	v2 =	vsel vm1, v4, v2;
	v3 =	vsel vm1, v1, v3;
	v1 =	vsel vm1, v6, v1  }
0x1a0: {  	v4 =	vsel vm1, $0x27, v4;
	vm0 =	vgt.f32 v5, v3  }
0x1a1: {  	vm1 =	vgt.f32 v5, v1;
	v2 =	vsel vm0, $0x28, v2;
	v3 =	vsel vm0, v5, v3;
	v6 =	vld [tilespmem:s29+$0xA100]  }
0x1a2: {  	v2 =	vsel vm1, v4, v2;
	v3 =	vsel vm1, v1, v3;
	v4 =	vsel vm1, $0x28, v4  }
0x1a3: {  	v1 =	vsel vm1, v5, v1;
	vm0 =	vgt.f32 v7, v3  }
0x1a4: {  	vm1 =	vgt.f32 v7, v1;
	v2 =	vsel vm0, $0x29, v2;
	v3 =	vsel vm0, v7, v3;
	v5 =	vld [tilespmem:s29+$0xA180]  }
0x1a5: {  	v2 =	vsel vm1, v4, v2;
	v3 =	vsel vm1, v1, v3;
	v4 =	vsel vm1, $0x29, v4  }
0x1a6: {  	v1 =	vsel vm1, v7, v1;
	vm0 =	vgt.f32 v6, v3  }
0x1a7: {  	vm1 =	vgt.f32 v6, v1;
	v2 =	vsel vm0, $0x2A, v2;
	v3 =	vsel vm0, v6, v3;
	v7 =	vld [tilespmem:s29+$0xA200]  }
0x1a8: {  	v2 =	vsel vm1, v4, v2;
	v3 =	vsel vm1, v1, v3;
	v4 =	vsel vm1, $0x2A, v4  }
0x1a9: {  	v1 =	vsel vm1, v6, v1;
	vm0 =	vgt.f32 v5, v3  }
0x1aa: {  	vm1 =	vgt.f32 v5, v1;
	v2 =	vsel vm0, $0x2B, v2;
	v3 =	vsel vm0, v5, v3;
	v6 =	vld [tilespmem:s29+$0xA280]  }
0x1ab: {  	v2 =	vsel vm1, v4, v2;
	v3 =	vsel vm1, v1, v3  }
0x1ac: {  	v4 =	vsel vm1, $0x2B, v4;
	v1 =	vsel vm1, v5, v1;
	vm0 =	vgt.f32 v7, v3  }
0x1ad: {  	vm1 =	vgt.f32 v7, v1;
	v2 =	vsel vm0, $0x2C, v2;
	v3 =	vsel vm0, v7, v3;
	v5 =	vld [tilespmem:s29+$0xA300]  }
0x1ae: {  	v8 =	vsel vm1, $0x2C, v4;
	v3 =	vsel vm1, v1, v3;
	v1 =	vsel vm1, v7, v1  }
0x1af: {  	v2 =	vsel vm1, v4, v2;
	vm0 =	vgt.f32 v6, v3  }
0x1b0: {  	vm1 =	vgt.f32 v6, v1;
	v2 =	vsel vm0, $0x2D, v2;
	v3 =	vsel vm0, v6, v3;
	v4 =	vld [tilespmem:s29+$0xA380]  }
0x1b1: {  	v7 =	vsel vm1, $0x2D, v8;
	v3 =	vsel vm1, v1, v3;
	v1 =	vsel vm1, v6, v1  }
0x1b2: {  	v2 =	vsel vm1, v8, v2;
	vm0 =	vgt.f32 v5, v3  }
0x1b3: {  	vm1 =	vgt.f32 v5, v1;
	v2 =	vsel vm0, $0x2E, v2;
	v3 =	vsel vm0, v5, v3;
	v6 =	vld [tilespmem:s29+$0xC000]  }
0x1b4: {  	v2 =	vsel vm1, v7, v2;
	v3 =	vsel vm1, v1, v3;
	v1 =	vsel vm1, v5, v1  }
0x1b5: {  	v5 =	vsel vm1, $0x2E, v7;
	vm0 =	vgt.f32 v4, v3  }
0x1b6: {  	vm1 =	vgt.f32 v4, v1;
	v2 =	vsel vm0, $0x2F, v2;
	v3 =	vsel vm0, v4, v3;
	v7 =	vld [tilespmem:s29+$0xC080]  }
0x1b7: {  	v8 =	vsel vm1, $0x2F, v5;
	v3 =	vsel vm1, v1, v3;
	v1 =	vsel vm1, v4, v1  }
0x1b8: {  	v2 =	vsel vm1, v5, v2;
	vm0 =	vgt.f32 v6, v3;
	v4 =	vld [tilespmem:s29+$0xC100]  }
0x1b9: {  	vm1 =	vgt.f32 v6, v1;
	v2 =	vsel vm0, $0x30, v2;
	v3 =	vsel vm0, v6, v3  }
0x1ba: {  	v5 =	vsel vm1, $0x30, v8;
	v3 =	vsel vm1, v1, v3;
	v1 =	vsel vm1, v6, v1  }
0x1bb: {  	v2 =	vsel vm1, v8, v2;
	vm0 =	vgt.f32 v7, v1;
	vm1 =	vgt.f32 v7, v3  }
0x1bc: {  	v2 =	vsel vm1, $0x31, v2;
	v3 =	vsel vm1, v7, v3;
	v6 =	vsel vm0, v7, v1;
	v7 =	vld [tilespmem:s29+$0xC180]  }
0x1bd: {  	v1 =	vsel vm0, v1, v3;
	v3 =	vsel vm0, $0x31, v5;
	vm1 =	vgt.f32 v4, v6  }
0x1be: {  	v2 =	vsel vm0, v5, v2;
	vm0 =	vgt.f32 v4, v1;
	v5 =	vsel vm1, $0x32, v3  }
0x1bf: {  	v2 =	vsel vm0, $0x32, v2;
	v1 =	vsel vm0, v4, v1;
	v8 =	vld [tilespmem:s29+$0xC200]  }
0x1c0: {  	v2 =	vsel vm1, v3, v2;
	v1 =	vsel vm1, v6, v1  }
0x1c1: {  	v3 =	vsel vm1, v4, v6;
	vm0 =	vgt.f32 v7, v1  }
0x1c2: {  	vm1 =	vgt.f32 v7, v3;
	v2 =	vsel vm0, $0x33, v2;
	v1 =	vsel vm0, v7, v1;
	v4 =	vld [tilespmem:s29+$0xC280]  }
0x1c3: {  	v6 =	vsel vm1, $0x33, v5;
	v1 =	vsel vm1, v3, v1;
	v3 =	vsel vm1, v7, v3  }
0x1c4: {  	v2 =	vsel vm1, v5, v2;
	vm0 =	vgt.f32 v8, v3;
	vm1 =	vgt.f32 v8, v1  }
0x1c5: {  	v1 =	vsel vm1, v8, v1;
	v5 =	vsel vm0, $0x34, v6;
	v7 =	vsel vm0, v8, v3;
	v8 =	vld [tilespmem:s29+$0xC300]  }
0x1c6: {  	v2 =	vsel vm1, $0x34, v2;
	v1 =	vsel vm0, v3, v1  }
0x1c7: {  	v2 =	vsel vm0, v6, v2;
	vm0 =	vgt.f32 v4, v1  }
0x1c8: {  	vm1 =	vgt.f32 v4, v7;
	v2 =	vsel vm0, $0x35, v2;
	v1 =	vsel vm0, v4, v1;
	v3 =	vld [tilespmem:s29+$0xC380]  }
0x1c9: {  	v2 =	vsel vm1, v5, v2;
	v1 =	vsel vm1, v7, v1  }
0x1ca: {  	v4 =	vsel vm1, v4, v7;
	v5 =	vsel vm1, $0x35, v5;
	vm0 =	vgt.f32 v8, v1  }
0x1cb: {  	vm1 =	vgt.f32 v8, v4;
	v2 =	vsel vm0, $0x36, v2;
	v1 =	vsel vm0, v8, v1;
	v6 =	vld [tilespmem:s29+$0xE000]  }
0x1cc: {  	v2 =	vsel vm1, v5, v2;
	v1 =	vsel vm1, v4, v1  }
0x1cd: {  	v4 =	vsel vm1, v8, v4;
	vm0 =	vgt.f32 v3, v1;
	v7 =	vld [tilespmem:s29+$0xE080]  }
0x1ce: {  	v5 =	vsel vm1, $0x36, v5;
	vm1 =	vgt.f32 v3, v4;
	v1 =	vsel vm0, v3, v1  }
0x1cf: {  	v8 =	vsel vm1, $0x37, v5;
	v3 =	vsel vm1, v3, v4;
	v1 =	vsel vm1, v4, v1  }
0x1d0: {  	v2 =	vsel vm0, $0x37, v2;
	vm0 =	vgt.f32 v6, v3;
	vm2 =	vgt.f32 v6, v1  }
0x1d1: {  	v2 =	vsel vm1, v5, v2;
	v1 =	vsel vm2, v6, v1;
	v4 =	vsel vm0, v6, v3;
	v5 =	vld [tilespmem:s29+$0xE100]  }
0x1d2: {  	v1 =	vsel vm0, v3, v1;
	v3 =	vsel vm0, $0x38, v8;
	vm1 =	vgt.f32 v7, v4  }
0x1d3: {  	v2 =	vsel vm2, $0x38, v2;
	vm2 =	vgt.f32 v7, v1;
	v6 =	vsel vm1, $0x39, v3  }
0x1d4: {  	v2 =	vsel vm0, v8, v2;
	v1 =	vsel vm2, v7, v1;
	v8 =	vld [tilespmem:s29+$0xE180]  }
0x1d5: {  	v2 =	vsel vm2, $0x39, v2;
	v1 =	vsel vm1, v4, v1  }
0x1d6: {  	v2 =	vsel vm1, v3, v2;
	v3 =	vsel vm1, v7, v4;
	vm0 =	vgt.f32 v5, v1  }
0x1d7: {  	vm1 =	vgt.f32 v5, v3;
	v2 =	vsel vm0, $0x3A, v2;
	v1 =	vsel vm0, v5, v1;
	v4 =	vld [tilespmem:s29+$0xE200]  }
0x1d8: {  	v2 =	vsel vm1, v6, v2;
	v1 =	vsel vm1, v3, v1;
	v3 =	vsel vm1, v5, v3  }
0x1d9: {  	vm0 =	vgt.f32 v8, v1  }
0x1da: {  	v5 =	vsel vm1, $0x3A, v6;
	vm1 =	vgt.f32 v8, v3;
	v1 =	vsel vm0, v8, v1;
	v6 =	vld [tilespmem:s29+$0xE280]  }
0x1db: {  	v2 =	vsel vm0, $0x3B, v2;
	v7 =	vsel vm1, $0x3B, v5;
	v1 =	vsel vm1, v3, v1  }
0x1dc: {  	v2 =	vsel vm1, v5, v2;
	v3 =	vsel vm1, v8, v3;
	vm0 =	vgt.f32 v4, v1  }
0x1dd: {  	vm1 =	vgt.f32 v4, v3;
	v2 =	vsel vm0, $0x3C, v2;
	v1 =	vsel vm0, v4, v1;
	v5 =	vld [tilespmem:s29+$0xE300]  }
0x1de: {  	v2 =	vsel vm1, v7, v2;
	v1 =	vsel vm1, v3, v1  }
0x1df: {  	v7 =	vsel vm1, $0x3C, v7;
	v3 =	vsel vm1, v4, v3;
	vm0 =	vgt.f32 v6, v1  }
0x1e0: {  	vm1 =	vgt.f32 v6, v3;
	v2 =	vsel vm0, $0x3D, v2;
	v1 =	vsel vm0, v6, v1;
	v4 =	vld [tilespmem:s29+$0xE380]  }
0x1e1: {  	v2 =	vsel vm1, v7, v2;
	v1 =	vsel vm1, v3, v1  }
0x1e2: {  	v7 =	vsel vm1, $0x3D, v7;
	v3 =	vsel vm1, v6, v3;
	vm0 =	vgt.f32 v5, v1  }
0x1e3: {  	vm1 =	vgt.f32 v5, v3;
	v2 =	vsel vm0, $0x3E, v2;
	v1 =	vsel vm0, v5, v1  }
0x1e4: {  	v2 =	vsel vm1, v7, v2;
	v1 =	vsel vm1, v3, v1  }
0x1e5: {  	v6 =	vsel vm1, $0x3E, v7;
	v3 =	vsel vm1, v5, v3;
	vm1 =	vgt.f32 v4, v1  }
0x1e6: {  	vm0 =	vgt.f32 v4, v3;
	v2 =	vsel vm1, $0x3F, v2;
	v5 =	vsel vm1, v4, v1  }
0x1e7: {  	v1 =	vsel vm0, v6, v2;
	v2 =	vsel vm0, v3, v5;
	v3 =	vsel vm0, v4, v3  }
0x1e8: {  	v2 =	vsub.f32 v2, v3;
	_ =	sdelay $0x1  }
0x1e9: {  	v2 =	vmul.f32 $1.442695020e+00, v2;
	_ =	sdelay $0x1  }
0x1ea: {  	(erf) = vpow2.f32 v2;
	_ =	sdelay $0x8  }
0x1eb: {  	v2 =	vpop (erf)  }
0x1ec: {  	v3 =	vadd.f32 $1.000000000e+00, v2;
	_ =	sdelay $0x1  }
0x1ed: {  	(erf) = vrcp.f32 v3;
	_ =	sdelay $0x8  }
.Ltmp0:
0x1ee: {  	v3 =	vpop (erf);
	(pc) =	sbr.rel @p0 .LBB2_2-.Ltmp0, $4  }
0x1ef: {  	[tilespmem:s22+$0x0] =	vst v3;
	v2 =	vmul.f32 v3, v2  }
0x1f0: {  	s23 =	sadd.s32 $0x80, s23  }
0x1f1: {  	s19 =	sadd.s32 $0x10, s19;
	s20 =	sadd.s32 $0x10, s20;
	s26 =	sand.u32 $0x70, s26;
	v3 =	vsel vm0, $0x3F, v6;
	[tilespmem:s21+$0x0] =	vst v2  }
0x1f2: {  	s30 =	smov.u32 s25;
	s29 =	sand.u32 $0x1C00, s23;
	s21 =	sadd.s32 $0x10, s21;
	[tilespmem:s28+$0x0] =	vst v3  }
0x1f3: {  	s23 =	sor.u32 s26, s29;
	[tilespmem:s24+$0x0] =	vst v1  }
0x1f4: {  	v1 =	vld [tilespmem:s23+$0x0];
	_ =	sdelay $0x1  }
0x1f5: {  	v2 =	vld [tilespmem:s23+$0x80];
	_ =	sdelay $0x2  }
0x1f6: {  	vm0 =	vgt.f32 v1, $-Inf  }
0x1f7: {  	v4 =	vimm.s32 $0x0;
	v3 =	vld [tilespmem:s23+$0x100];
	v1 =	vnsel vm0, $0xFF800000, v1  }
0x1f8: {  	vm9 =	vlt.f32 v2, $-Inf;
	vm1 =	vgt.f32 v2, $-Inf;
	vm2 =	vgt.f32 v2, v1  }
0x1f9: {  	v38 =	vimm.s32 $0x0;
	vm0 =	vmor vm1, vm9;
	v4 =	vsel vm2, $0xFFFFFFFF, v4  }
0x1fa: {  	v39 =	vnsel vm0, $0xFF800000, v2;
	vm1 =	vmneg vm2;
	[tilespmem:$0x1F700] =	vst v4;
	v4 =	vsel vm0, $0xFFFFFFFF, v38  }
0x1fb: {  	v5 =	vld [tilespmem:s23+$0x180];
	[tilespmem:$0x1F6E0] =	vst v4;
	v4 =	vsel vm1, v39, v1  }
0x1fc: {  	v1 =	vsel vm1, v1, v2;
	v2 =	vimm.s32 $0x0;
	vm10 =	vgt.f32 v3, v4  }
0x1fd: {  	v2 =	vsel vm10, $0xFFFFFFFF, v2  }
0x1fe: {  	vm3 =	vgt.f32 v3, v1;
	[tilespmem:$0x1F6F0] =	vst v2;
	v2 =	vsel vm10, v3, v4  }
0x1ff: {  	v40 =	vld [tilespmem:s23+$0x200];
	v2 =	vsel vm3, v1, v2  }
0x200: {  	v1 =	vsel vm3, v3, v1;
	v3 =	vimm.s32 $0x0;
	vm11 =	vgt.f32 v5, v2  }
0x201: {  	v3 =	vsel vm11, $0xFFFFFFFF, v3  }
0x202: {  	vm4 =	vgt.f32 v5, v1;
	v2 =	vsel vm11, v5, v2;
	[tilespmem:$0x1F710] =	vst v3;
	v3 =	vld [tilespmem:s23+$0x280]  }
0x203: {  	v2 =	vsel vm4, v1, v2  }
0x204: {  	v1 =	vsel vm4, v5, v1;
	vm12 =	vgt.f32 v40, v2  }
0x205: {  	v42 =	vld [tilespmem:s23+$0x300];
	vm5 =	vgt.f32 v40, v1;
	v2 =	vsel vm12, v40, v2  }
0x206: {  	v2 =	vsel vm5, v1, v2  }
0x207: {  	v1 =	vsel vm5, v40, v1;
	vm13 =	vgt.f32 v3, v2  }
0x208: {  	vm6 =	vgt.f32 v3, v1;
	v2 =	vsel vm13, v3, v2  }
0x209: {  	v44 =	vld [tilespmem:s23+$0x380];
	v2 =	vsel vm6, v1, v2  }
0x20a: {  	v1 =	vsel vm6, v3, v1;
	v3 =	vimm.s32 $0x0;
	vm14 =	vgt.f32 v42, v2  }
0x20b: {  	v3 =	vsel vm14, $0xFFFFFFFF, v3  }
0x20c: {  	vm7 =	vgt.f32 v42, v1;
	v2 =	vsel vm14, v42, v2;
	[tilespmem:$0x1F740] =	vst v3;
	v3 =	vld [tilespmem:s23+$0x2000]  }
0x20d: {  	v2 =	vsel vm7, v1, v2  }
0x20e: {  	v1 =	vsel vm7, v42, v1;
	vm15 =	vgt.f32 v44, v2  }
0x20f: {  	v46 =	vld [tilespmem:s23+$0x2080];
	vm8 =	vgt.f32 v44, v1;
	v2 =	vsel vm15, v44, v2  }
0x210: {  	v41 =	vimm.s32 $0x0;
	v2 =	vsel vm8, v1, v2  }
0x211: {  	v5 =	vsel vm12, $0xFFFFFFFF, v41;
	v1 =	vsel vm8, v44, v1;
	vm12 =	vgt.f32 v3, v2  }
0x212: {  	v43 =	vimm.s32 $0x0;
	vm9 =	vgt.f32 v3, v1;
	v2 =	vsel vm12, v3, v2  }
0x213: {  	v48 =	vld [tilespmem:s23+$0x2100];
	v4 =	vsel vm13, $0xFFFFFFFF, v43;
	v2 =	vsel vm9, v1, v2  }
0x214: {  	v1 =	vsel vm9, v3, v1;
	v3 =	vimm.s32 $0x0;
	vm13 =	vgt.f32 v46, v2  }
0x215: {  	v3 =	vsel vm13, $0xFFFFFFFF, v3  }
0x216: {  	vm10 =	vgt.f32 v46, v1;
	v2 =	vsel vm13, v46, v2;
	[tilespmem:$0x1F770] =	vst v3;
	v3 =	vld [tilespmem:s23+$0x2180]  }
0x217: {  	v2 =	vsel vm10, v1, v2  }
0x218: {  	v45 =	vimm.s32 $0x0;
	v1 =	vsel vm10, v46, v1;
	vm14 =	vgt.f32 v48, v2  }
0x219: {  	v47 =	vimm.s32 $0x0;
	v50 =	vld [tilespmem:s23+$0x2200];
	vm11 =	vgt.f32 v48, v1;
	v2 =	vsel vm14, v48, v2  }
0x21a: {  	v49 =	vimm.s32 $0x0;
	v51 =	vimm.s32 $0x0;
	v2 =	vsel vm11, v1, v2  }
0x21b: {  	[tilespmem:$0x1F720] =	vst v5;
	v5 =	vsel vm15, $0xFFFFFFFF, v45;
	v1 =	vsel vm11, v48, v1;
	vm15 =	vgt.f32 v3, v2  }
0x21c: {  	v53 =	vimm.s32 $0x0;
	vm2 =	vgt.f32 v3, v1;
	v2 =	vsel vm15, v3, v2  }
0x21d: {  	v55 =	vimm.s32 $0x0;
	v52 =	vld [tilespmem:s23+$0x2280];
	[tilespmem:$0x1F730] =	vst v4;
	v4 =	vsel vm12, $0xFFFFFFFF, v47;
	v2 =	vsel vm2, v1, v2  }
0x21e: {  	v1 =	vsel vm2, v3, v1;
	v3 =	vimm.s32 $0x0;
	vm12 =	vgt.f32 v50, v2  }
0x21f: {  	v6 =	vimm.s32 $0x0;
	v57 =	vimm.s32 $0x0;
	v3 =	vsel vm12, $0xFFFFFFFF, v3  }
0x220: {  	v60 =	vimm.s32 $0x0;
	v2 =	vsel vm12, v50, v2;
	vm12 =	vgt.f32 v50, v1;
	[tilespmem:$0x1F7A0] =	vst v3;
	v3 =	vld [tilespmem:s23+$0x2300]  }
0x221: {  	v8 =	vimm.s32 $0x0;
	v11 =	vimm.s32 $0x0;
	v2 =	vsel vm12, v1, v2  }
0x222: {  	[tilespmem:$0x1F750] =	vst v5;
	v5 =	vsel vm14, $0xFFFFFFFF, v49;
	v1 =	vsel vm12, v50, v1;
	vm13 =	vgt.f32 v52, v2  }
0x223: {  	v54 =	vld [tilespmem:s23+$0x2380];
	[tilespmem:$0x1F780] =	vst v5;
	v5 =	vsel vm13, $0xFFFFFFFF, v53;
	v2 =	vsel vm13, v52, v2;
	vm13 =	vgt.f32 v52, v1  }
0x224: {  	v14 =	vimm.s32 $0x0;
	v17 =	vimm.s32 $0x0;
	v2 =	vsel vm13, v1, v2  }
0x225: {  	v56 =	vld [tilespmem:s23+$0x4000];
	[tilespmem:$0x1F760] =	vst v4;
	v4 =	vsel vm15, $0xFFFFFFFF, v51;
	v1 =	vsel vm13, v52, v1;
	vm14 =	vgt.f32 v3, v2  }
0x226: {  	v58 =	vld [tilespmem:$0x1F6E0];
	[tilespmem:$0x1F790] =	vst v4;
	v4 =	vsel vm14, $0xFFFFFFFF, v55;
	v2 =	vsel vm14, v3, v2;
	vm14 =	vgt.f32 v3, v1  }
0x227: {  	v20 =	vimm.s32 $0x0;
	v23 =	vimm.s32 $0x0;
	v7 =	vld [tilespmem:$0x1F6F0];
	v2 =	vsel vm14, v1, v2  }
0x228: {  	v1 =	vsel vm14, v3, v1;
	v3 =	vimm.s32 $0x0;
	vm15 =	vgt.f32 v54, v2  }
0x229: {  	v62 =	vld [tilespmem:$0x1F700];
	v3 =	vsel vm15, $0xFFFFFFFF, v3;
	v2 =	vsel vm15, v54, v2;
	vm15 =	vgt.f32 v54, v1  }
0x22a: {  	v26 =	vimm.s32 $0x0;
	[tilespmem:$0x1F7D0] =	vst v3;
	v3 =	vld [tilespmem:s23+$0x4080];
	v6 =	vsel vm15, $0xFFFFFFFF, v6;
	v2 =	vsel vm15, v1, v2  }
0x22b: {  	v1 =	vsel vm15, v54, v1;
	vm15 =	vnez.u8 v58;
	vm0 =	vgt.f32 v56, v2  }
0x22c: {  	[tilespmem:$0x1F7B0] =	vst v5;
	vm1 =	vmand vm15, vm1;
	vm15 =	vnez.u8 v7;
	v5 =	vsel vm0, $0xFFFFFFFF, v57  }
0x22d: {  	v59 =	vld [tilespmem:s23+$0x4100];
	v2 =	vsel vm0, v56, v2;
	vm0 =	vgt.f32 v56, v1;
	v61 =	vsel vm1, $0x1, v0  }
0x22e: {  	[tilespmem:$0x1F7E0] =	vst v6;
	v6 =	vsel vm0, $0xFFFFFFFF, v60;
	v2 =	vsel vm0, v1, v2;
	v1 =	vsel vm0, v56, v1  }
0x22f: {  	[tilespmem:$0x1F800] =	vst v6;
	v6 =	vsel vm15, $0x2, v61;
	vm15 =	vnez.u8 v62;
	vm1 =	vgt.f32 v3, v2  }
0x230: {  	[tilespmem:$0x1F7C0] =	vst v4;
	v4 =	vsel vm15, $0x1, v0;
	vm15 =	vgt.f32 v3, v1;
	v2 =	vsel vm1, v3, v2  }
0x231: {  	v29 =	vimm.s32 $0x0;
	v32 =	vimm.s32 $0x0;
	v2 =	vsel vm15, v1, v2  }
0x232: {  	v1 =	vsel vm15, v3, v1;
	v3 =	vimm.s32 $0x0;
	vm0 =	vgt.f32 v59, v2  }
0x233: {  	v35 =	vimm.s32 $0x0;
	v63 =	vld [tilespmem:s23+$0x4180];
	v38 =	vimm.s32 $0x0;
	v3 =	vsel vm0, $0xFFFFFFFF, v3  }
0x234: {  	v39 =	vimm.s32 $0x0;
	v42 =	vimm.s32 $0x0;
	v45 =	vimm.s32 $0x0;
	[tilespmem:$0x1F820] =	vst v3;
	v3 =	vld [tilespmem:$0x1F710]  }
0x235: {  	v12 =	vld [tilespmem:$0x1F720];
	v49 =	vimm.s32 $0x0;
	v53 =	vimm.s32 $0x0;
	v6 =	vsel vm3, v4, v6  }
0x236: {  	v4 =	vsel vm3, $0x2, v4;
	vm3 =	vgt.f32 v59, v1;
	v2 =	vsel vm0, v59, v2  }
0x237: {  	v10 =	vld [tilespmem:s23+$0x4200];
	v56 =	vimm.s32 $0x0;
	v62 =	vimm.s32 $0x0;
	v2 =	vsel vm3, v1, v2  }
0x238: {  	v15 =	vld [tilespmem:$0x1F730];
	v8 =	vsel vm15, $0xFFFFFFFF, v8;
	v1 =	vsel vm3, v59, v1;
	vm0 =	vgt.f32 v63, v2  }
0x239: {  	[tilespmem:$0x1F7F0] =	vst v5;
	v59 =	vimm.s32 $0x0;
	v5 =	vsel vm0, $0xFFFFFFFF, v11;
	vm15 =	vnez.u8 v3  }
0x23a: {  	v18 =	vld [tilespmem:$0x1F740];
	v2 =	vsel vm0, v63, v2;
	v3 =	vsel vm15, $0x3, v6;
	vm15 =	vnez.u8 v12  }
0x23b: {  	v3 =	vsel vm4, v4, v3;
	v4 =	vsel vm4, $0x3, v4;
	vm4 =	vgt.f32 v63, v1  }
0x23c: {  	v13 =	vld [tilespmem:s23+$0x4280];
	v3 =	vsel vm15, $0x4, v3;
	v2 =	vsel vm4, v1, v2;
	v1 =	vsel vm4, v63, v1  }
0x23d: {  	v21 =	vld [tilespmem:$0x1F750];
	vm15 =	vnez.u8 v15;
	v3 =	vsel vm5, v4, v3;
	vm0 =	vgt.f32 v10, v2  }
0x23e: {  	v4 =	vsel vm5, $0x4, v4;
	vm5 =	vgt.f32 v10, v1;
	v7 =	vsel vm0, $0xFFFFFFFF, v14  }
0x23f: {  	v3 =	vsel vm15, $0x5, v3;
	v2 =	vsel vm0, v10, v2;
	vm15 =	vnez.u8 v18  }
0x240: {  	v24 =	vld [tilespmem:$0x1F760];
	v3 =	vsel vm6, v4, v3;
	v2 =	vsel vm5, v1, v2;
	v4 =	vsel vm6, $0x5, v4  }
0x241: {  	v16 =	vld [tilespmem:s23+$0x4300];
	v1 =	vsel vm5, v10, v1;
	v10 =	vimm.s32 $0x0;
	vm0 =	vgt.f32 v13, v2  }
0x242: {  	v3 =	vsel vm15, $0x6, v3;
	vm6 =	vgt.f32 v13, v1;
	vm15 =	vnez.u8 v21  }
0x243: {  	v27 =	vld [tilespmem:$0x1F770];
	v6 =	vsel vm0, $0xFFFFFFFF, v17;
	v2 =	vsel vm0, v13, v2;
	v3 =	vsel vm7, v4, v3  }
0x244: {  	v4 =	vsel vm7, $0x6, v4;
	v2 =	vsel vm6, v1, v2;
	v1 =	vsel vm6, v13, v1  }
0x245: {  	v19 =	vld [tilespmem:s23+$0x4380];
	v3 =	vsel vm15, $0x7, v3;
	vm15 =	vnez.u8 v24;
	v13 =	vimm.s32 $0x0  }
0x246: {  	v30 =	vld [tilespmem:$0x1F780];
	vm0 =	vgt.f32 v16, v2;
	vm7 =	vgt.f32 v16, v1;
	v3 =	vsel vm8, v4, v3  }
0x247: {  	[tilespmem:$0x1F830] =	vst v5;
	v4 =	vsel vm8, $0x7, v4;
	v5 =	vsel vm0, $0xFFFFFFFF, v20;
	v2 =	vsel vm0, v16, v2  }
0x248: {  	v3 =	vsel vm15, $0x8, v3;
	vm15 =	vnez.u8 v27;
	v2 =	vsel vm7, v1, v2  }
0x249: {  	v33 =	vld [tilespmem:$0x1F790];
	v1 =	vsel vm7, v16, v1;
	v3 =	vsel vm9, v4, v3;
	v4 =	vsel vm9, $0x8, v4  }
0x24a: {  	v22 =	vld [tilespmem:s23+$0x6000];
	v16 =	vimm.s32 $0x0;
	vm0 =	vgt.f32 v19, v2;
	vm8 =	vgt.f32 v19, v1  }
0x24b: {  	v3 =	vsel vm15, $0x9, v3;
	vm15 =	vnez.u8 v30;
	v30 =	vimm.s32 $0x0  }
0x24c: {  	v36 =	vld [tilespmem:$0x1F7A0];
	[tilespmem:$0x1F840] =	vst v7;
	v7 =	vsel vm0, $0xFFFFFFFF, v23;
	v2 =	vsel vm0, v19, v2;
	v3 =	vsel vm10, v4, v3  }
0x24d: {  	v4 =	vsel vm10, $0x9, v4;
	v2 =	vsel vm8, v1, v2;
	v1 =	vsel vm8, v19, v1  }
0x24e: {  	v25 =	vld [tilespmem:s23+$0x6080];
	v3 =	vsel vm15, $0xA, v3;
	vm15 =	vnez.u8 v33;
	v19 =	vimm.s32 $0x0  }
0x24f: {  	v57 =	vld [tilespmem:$0x1F820];
	v33 =	vimm.s32 $0x0;
	vm0 =	vgt.f32 v22, v2;
	vm9 =	vgt.f32 v22, v1  }
0x250: {  	[tilespmem:$0x1F850] =	vst v6;
	v3 =	vsel vm11, v4, v3;
	v4 =	vsel vm11, $0xA, v4;
	v6 =	vsel vm0, $0xFFFFFFFF, v26  }
0x251: {  	v2 =	vsel vm0, v22, v2;
	v3 =	vsel vm15, $0xB, v3;
	vm15 =	vnez.u8 v36  }
0x252: {  	v40 =	vld [tilespmem:$0x1F7B0];
	v26 =	vimm.s32 $0x0;
	v36 =	vimm.s32 $0x0;
	v2 =	vsel vm9, v1, v2  }
0x253: {  	v28 =	vld [tilespmem:s23+$0x6100];
	v1 =	vsel vm9, v22, v1;
	v3 =	vsel vm2, v4, v3;
	v4 =	vsel vm2, $0xB, v4  }
0x254: {  	vm2 =	vnez.u8 v57;
	v22 =	vimm.s32 $0x0;
	vm0 =	vgt.f32 v25, v2  }
0x255: {  	v43 =	vld [tilespmem:$0x1F7C0];
	[tilespmem:$0x1F860] =	vst v5;
	vm10 =	vgt.f32 v25, v1;
	v3 =	vsel vm15, $0xC, v3;
	v5 =	vsel vm0, $0xFFFFFFFF, v29  }
0x256: {  	v31 =	vld [tilespmem:s23+$0x6180];
	v2 =	vsel vm0, v25, v2;
	v3 =	vsel vm12, v4, v3;
	v4 =	vsel vm12, $0xC, v4  }
0x257: {  	vm12 =	vnez.u8 v40;
	v29 =	vimm.s32 $0x0;
	v2 =	vsel vm10, v1, v2  }
0x258: {  	v1 =	vsel vm10, v25, v1;
	v3 =	vsel vm12, $0xD, v3;
	vm0 =	vgt.f32 v28, v2  }
0x259: {  	v34 =	vld [tilespmem:s23+$0x6200];
	vm11 =	vgt.f32 v28, v1;
	v3 =	vsel vm13, v4, v3;
	v2 =	vsel vm0, v28, v2  }
0x25a: {  	v46 =	vld [tilespmem:$0x1F7D0];
	v4 =	vsel vm13, $0xD, v4;
	vm13 =	vnez.u8 v43;
	v2 =	vsel vm11, v1, v2  }
0x25b: {  	[tilespmem:$0x1F870] =	vst v7;
	v7 =	vsel vm0, $0xFFFFFFFF, v32;
	v1 =	vsel vm11, v28, v1;
	vm0 =	vgt.f32 v31, v2  }
0x25c: {  	v37 =	vld [tilespmem:s23+$0x6280];
	v3 =	vsel vm13, $0xE, v3;
	vm15 =	vgt.f32 v31, v1;
	v2 =	vsel vm0, v31, v2  }
0x25d: {  	v3 =	vsel vm14, v4, v3;
	v4 =	vsel vm14, $0xE, v4;
	v2 =	vsel vm15, v1, v2  }
0x25e: {  	[tilespmem:$0x1F810] =	vst v8;
	v8 =	vsel vm15, $0xFFFFFFFF, v38;
	v1 =	vsel vm15, v31, v1;
	vm15 =	vgt.f32 v34, v2  }
0x25f: {  	v41 =	vld [tilespmem:s23+$0x6300];
	vm14 =	vnez.u8 v46;
	vm12 =	vgt.f32 v34, v1;
	v2 =	vsel vm15, v34, v2  }
0x260: {  	v25 =	vimm.s32 $0x0;
	v3 =	vsel vm14, $0xF, v3;
	v2 =	vsel vm12, v1, v2  }
0x261: {  	v48 =	vld [tilespmem:$0x1F7E0];
	[tilespmem:$0x1F890] =	vst v5;
	v5 =	vsel vm15, $0xFFFFFFFF, v39;
	v1 =	vsel vm12, v34, v1;
	vm15 =	vgt.f32 v37, v2  }
0x262: {  	[tilespmem:$0x1F880] =	vst v6;
	v6 =	vsel vm0, $0xFFFFFFFF, v35;
	vm13 =	vgt.f32 v37, v1;
	v2 =	vsel vm15, v37, v2  }
0x263: {  	v50 =	vld [tilespmem:$0x1F7F0];
	v38 =	vimm.s32 $0x0;
	v39 =	vimm.s32 $0x0;
	v2 =	vsel vm13, v1, v2  }
0x264: {  	v44 =	vld [tilespmem:s23+$0x6380];
	[tilespmem:$0x1F8A0] =	vst v7;
	v7 =	vsel vm15, $0xFFFFFFFF, v42;
	v1 =	vsel vm13, v37, v1;
	vm15 =	vgt.f32 v41, v2  }
0x265: {  	v52 =	vld [tilespmem:$0x1F800];
	[tilespmem:$0x1F8B0] =	vst v6;
	v42 =	vimm.s32 $0x0;
	vm14 =	vgt.f32 v41, v1;
	v6 =	vsel vm15, $0xFFFFFFFF, v45  }
0x266: {  	v2 =	vsel vm15, v41, v2;
	vm15 =	vnez.u8 v48;
	v45 =	vimm.s32 $0x0  }
0x267: {  	v47 =	vld [tilespmem:s23+$0x8000];
	v48 =	vimm.s32 $0x0;
	v3 =	vsel vm15, v4, v3;
	v2 =	vsel vm14, v1, v2  }
0x268: {  	v4 =	vsel vm15, $0xF, v4;
	v1 =	vsel vm14, v41, v1;
	vm15 =	vnez.u8 v50  }
0x269: {  	v55 =	vld [tilespmem:$0x1F810];
	vm0 =	vgt.f32 v44, v2;
	v3 =	vsel vm15, $0x10, v3;
	vm15 =	vgt.f32 v44, v1  }
0x26a: {  	[tilespmem:$0x1F8D0] =	vst v5;
	v5 =	vsel vm0, $0xFFFFFFFF, v49;
	v2 =	vsel vm0, v44, v2;
	vm0 =	vnez.u8 v52  }
0x26b: {  	v51 =	vld [tilespmem:s23+$0x8080];
	v52 =	vimm.s32 $0x0;
	v3 =	vsel vm0, v4, v3;
	v2 =	vsel vm15, v1, v2  }
0x26c: {  	v4 =	vsel vm0, $0x10, v4;
	v1 =	vsel vm15, v44, v1;
	vm0 =	vgt.f32 v47, v2  }
0x26d: {  	v60 =	vld [tilespmem:$0x1F830];
	[tilespmem:$0x1F8E0] =	vst v7;
	v3 =	vsel vm1, $0x11, v3;
	vm1 =	vgt.f32 v47, v1;
	v7 =	vsel vm0, $0xFFFFFFFF, v53  }
0x26e: {  	v2 =	vsel vm0, v47, v2;
	vm0 =	vnez.u8 v55;
	v55 =	vimm.s32 $0x0  }
0x26f: {  	v3 =	vsel vm0, v4, v3;
	v2 =	vsel vm1, v1, v2;
	v4 =	vsel vm0, $0x11, v4  }
0x270: {  	v54 =	vld [tilespmem:s23+$0x8100];
	v1 =	vsel vm1, v47, v1;
	vm0 =	vgt.f32 v51, v2;
	v3 =	vsel vm2, $0x12, v3  }
0x271: {  	v63 =	vld [tilespmem:$0x1F840];
	[tilespmem:$0x1F8F0] =	vst v6;
	v6 =	vsel vm0, $0xFFFFFFFF, v56;
	v2 =	vsel vm0, v51, v2;
	vm0 =	vgt.f32 v51, v1  }
0x272: {  	v3 =	vsel vm3, v4, v3;
	v4 =	vsel vm3, $0x12, v4;
	vm3 =	vnez.u8 v60  }
0x273: {  	v56 =	vimm.s32 $0x0;
	v60 =	vimm.s32 $0x0;
	v2 =	vsel vm0, v1, v2  }
0x274: {  	v11 =	vld [tilespmem:$0x1F850];
	v1 =	vsel vm0, v51, v1;
	v3 =	vsel vm3, $0x13, v3;
	v51 =	vimm.s32 $0x0  }
0x275: {  	v58 =	vld [tilespmem:s23+$0x8180];
	vm2 =	vgt.f32 v54, v2;
	vm3 =	vgt.f32 v54, v1;
	v3 =	vsel vm4, v4, v3  }
0x276: {  	v4 =	vsel vm4, $0x13, v4;
	vm4 =	vnez.u8 v63;
	v63 =	vimm.s32 $0x0  }
0x277: {  	v14 =	vld [tilespmem:$0x1F860];
	[tilespmem:$0x1F900] =	vst v5;
	v5 =	vsel vm2, $0xFFFFFFFF, v59;
	v2 =	vsel vm2, v54, v2;
	v3 =	vsel vm4, $0x14, v3  }
0x278: {  	v61 =	vld [tilespmem:s23+$0x8200];
	v59 =	vimm.s32 $0x0;
	v2 =	vsel vm3, v1, v2;
	v1 =	vsel vm3, v54, v1  }
0x279: {  	v3 =	vsel vm5, v4, v3;
	v4 =	vsel vm5, $0x14, v4;
	vm5 =	vnez.u8 v11  }
0x27a: {  	v17 =	vld [tilespmem:$0x1F870];
	vm2 =	vgt.f32 v58, v2;
	vm4 =	vgt.f32 v58, v1;
	v3 =	vsel vm5, $0x15, v3  }
0x27b: {  	[tilespmem:$0x1F910] =	vst v7;
	v7 =	vsel vm2, $0xFFFFFFFF, v62;
	v2 =	vsel vm2, v58, v2;
	v3 =	vsel vm6, v4, v3  }
0x27c: {  	v9 =	vld [tilespmem:s23+$0x8280];
	v4 =	vsel vm6, $0x15, v4;
	vm6 =	vnez.u8 v14;
	v2 =	vsel vm4, v1, v2  }
0x27d: {  	v20 =	vld [tilespmem:$0x1F880];
	v1 =	vsel vm4, v58, v1;
	v3 =	vsel vm6, $0x16, v3;
	vm2 =	vgt.f32 v61, v2  }
0x27e: {  	vm5 =	vgt.f32 v61, v1;
	v3 =	vsel vm7, v4, v3;
	v4 =	vsel vm7, $0x16, v4  }
0x27f: {  	v12 =	vld [tilespmem:s23+$0x8300];
	[tilespmem:$0x1F920] =	vst v6;
	vm7 =	vnez.u8 v17;
	v6 =	vsel vm2, $0xFFFFFFFF, v10;
	v2 =	vsel vm2, v61, v2  }
0x280: {  	v23 =	vld [tilespmem:$0x1F890];
	v3 =	vsel vm7, $0x17, v3;
	v10 =	vimm.s32 $0x0;
	v2 =	vsel vm5, v1, v2  }
0x281: {  	v1 =	vsel vm5, v61, v1;
	v3 =	vsel vm8, v4, v3;
	v4 =	vsel vm8, $0x17, v4  }
0x282: {  	vm8 =	vnez.u8 v20;
	vm2 =	vgt.f32 v9, v2;
	vm6 =	vgt.f32 v9, v1  }
0x283: {  	v15 =	vld [tilespmem:s23+$0x8380];
	[tilespmem:$0x1F930] =	vst v5;
	v3 =	vsel vm8, $0x18, v3;
	v5 =	vsel vm2, $0xFFFFFFFF, v13;
	v2 =	vsel vm2, v9, v2  }
0x284: {  	v3 =	vsel vm9, v4, v3;
	v4 =	vsel vm9, $0x18, v4;
	v2 =	vsel vm6, v1, v2  }
0x285: {  	v35 =	vld [tilespmem:$0x1F8D0];
	vm9 =	vnez.u8 v23;
	v1 =	vsel vm6, v9, v1;
	vm2 =	vgt.f32 v12, v2  }
0x286: {  	v18 =	vld [tilespmem:s23+$0xA000];
	v3 =	vsel vm9, $0x19, v3;
	vm7 =	vgt.f32 v12, v1;
	v2 =	vsel vm2, v12, v2  }
0x287: {  	v13 =	vimm.s32 $0x0;
	v3 =	vsel vm10, v4, v3;
	v2 =	vsel vm7, v1, v2  }
0x288: {  	[tilespmem:$0x1F940] =	vst v7;
	v7 =	vsel vm2, $0xFFFFFFFF, v16;
	v1 =	vsel vm7, v12, v1;
	vm2 =	vgt.f32 v15, v2  }
0x289: {  	v27 =	vld [tilespmem:$0x1F8A0];
	v4 =	vsel vm10, $0x19, v4;
	vm8 =	vgt.f32 v15, v1;
	v2 =	vsel vm2, v15, v2  }
0x28a: {  	v21 =	vld [tilespmem:s23+$0xA080];
	vm10 =	vnez.u8 v35;
	v16 =	vimm.s32 $0x0;
	v2 =	vsel vm8, v1, v2  }
0x28b: {  	[tilespmem:$0x1F950] =	vst v6;
	v6 =	vsel vm2, $0xFFFFFFFF, v19;
	v1 =	vsel vm8, v15, v1;
	vm2 =	vgt.f32 v18, v2  }
0x28c: {  	v24 =	vld [tilespmem:s23+$0xA100];
	[tilespmem:$0x1F960] =	vst v5;
	v19 =	vimm.s32 $0x0;
	vm9 =	vgt.f32 v18, v1;
	v5 =	vsel vm2, $0xFFFFFFFF, v22  }
0x28d: {  	[tilespmem:$0x1F8C0] =	vst v8;
	v31 =	vld [tilespmem:$0x1F8B0];
	v2 =	vsel vm2, v18, v2;
	v8 =	vsel vm9, $0xFFFFFFFF, v25;
	v22 =	vimm.s32 $0x0  }
0x28e: {  	v34 =	vld [tilespmem:$0x1F8C0];
	v2 =	vsel vm9, v1, v2;
	v1 =	vsel vm9, v18, v1;
	vm9 =	vnez.u8 v27  }
0x28f: {  	[tilespmem:$0x1F970] =	vst v7;
	vm2 =	vgt.f32 v21, v2;
	v3 =	vsel vm9, $0x1A, v3;
	vm9 =	vgt.f32 v21, v1  }
0x290: {  	[tilespmem:$0x1F9A0] =	vst v8;
	v7 =	vsel vm2, $0xFFFFFFFF, v26;
	v2 =	vsel vm2, v21, v2;
	v8 =	vsel vm9, $0xFFFFFFFF, v29  }
0x291: {  	v3 =	vsel vm11, v4, v3;
	v4 =	vsel vm11, $0x1A, v4;
	v26 =	vimm.s32 $0x0  }
0x292: {  	v28 =	vld [tilespmem:s23+$0xA180];
	v2 =	vsel vm9, v1, v2;
	v1 =	vsel vm9, v21, v1;
	vm9 =	vnez.u8 v31  }
0x293: {  	vm2 =	vgt.f32 v24, v2;
	v3 =	vsel vm9, $0x1B, v3;
	vm9 =	vnez.u8 v34  }
0x294: {  	v40 =	vld [tilespmem:$0x1F8E0];
	[tilespmem:$0x1F980] =	vst v6;
	v34 =	vimm.s32 $0x0;
	v6 =	vsel vm2, $0xFFFFFFFF, v30;
	v2 =	vsel vm2, v24, v2  }
0x295: {  	v43 =	vld [tilespmem:$0x1F8F0];
	vm2 =	vgt.f32 v24, v1;
	v3 =	vsel vm9, v4, v3;
	v4 =	vsel vm9, $0x1B, v4  }
0x296: {  	[tilespmem:$0x1F9C0] =	vst v8;
	v30 =	vimm.s32 $0x0;
	v8 =	vsel vm2, $0xFFFFFFFF, v33;
	v2 =	vsel vm2, v1, v2  }
0x297: {  	v32 =	vld [tilespmem:s23+$0xA200];
	v3 =	vsel vm10, $0x1C, v3;
	v1 =	vsel vm2, v24, v1;
	vm10 =	vgt.f32 v28, v2  }
0x298: {  	vm11 =	vgt.f32 v28, v1;
	v3 =	vsel vm12, v4, v3;
	v4 =	vsel vm12, $0x1C, v4  }
0x299: {  	v37 =	vld [tilespmem:s23+$0xA280];
	[tilespmem:$0x1F990] =	vst v5;
	vm12 =	vnez.u8 v40;
	v5 =	vsel vm10, $0xFFFFFFFF, v36;
	v2 =	vsel vm10, v28, v2  }
0x29a: {  	v46 =	vld [tilespmem:$0x1F900];
	[tilespmem:$0x1F9E0] =	vst v8;
	v8 =	vsel vm11, $0xFFFFFFFF, v38;
	v3 =	vsel vm12, $0x1D, v3;
	vm12 =	vnez.u8 v43  }
0x29b: {  	v2 =	vsel vm11, v1, v2;
	v1 =	vsel vm11, v28, v1;
	v3 =	vsel vm13, v4, v3  }
0x29c: {  	v4 =	vsel vm13, $0x1D, v4;
	vm2 =	vgt.f32 v32, v2;
	vm11 =	vgt.f32 v32, v1  }
0x29d: {  	v41 =	vld [tilespmem:s23+$0xA300];
	[tilespmem:$0x1F9B0] =	vst v7;
	v3 =	vsel vm12, $0x1E, v3;
	v7 =	vsel vm2, $0xFFFFFFFF, v39;
	v2 =	vsel vm2, v32, v2  }
0x29e: {  	v3 =	vsel vm14, v4, v3;
	v4 =	vsel vm14, $0x1E, v4;
	v2 =	vsel vm11, v1, v2  }
0x29f: {  	v49 =	vld [tilespmem:$0x1F910];
	vm14 =	vnez.u8 v46;
	v1 =	vsel vm11, v32, v1;
	vm2 =	vgt.f32 v37, v2  }
0x2a0: {  	v44 =	vld [tilespmem:s23+$0xA380];
	[tilespmem:$0x1F9D0] =	vst v6;
	v6 =	vsel vm2, $0xFFFFFFFF, v42;
	v2 =	vsel vm2, v37, v2;
	vm2 =	vgt.f32 v37, v1  }
0x2a1: {  	v38 =	vimm.s32 $0x0;
	v3 =	vsel vm14, $0x1F, v3;
	v2 =	vsel vm2, v1, v2  }
0x2a2: {  	v3 =	vsel vm15, v4, v3;
	v1 =	vsel vm2, v37, v1;
	vm12 =	vgt.f32 v41, v2  }
0x2a3: {  	v53 =	vld [tilespmem:$0x1F920];
	v4 =	vsel vm15, $0x1F, v4;
	vm14 =	vgt.f32 v41, v1;
	v2 =	vsel vm12, v41, v2  }
0x2a4: {  	v47 =	vld [tilespmem:s23+$0xC000];
	[tilespmem:$0x1F9F0] =	vst v5;
	v5 =	vsel vm12, $0xFFFFFFFF, v45;
	vm12 =	vnez.u8 v49;
	v2 =	vsel vm14, v1, v2  }
0x2a5: {  	v57 =	vld [tilespmem:$0x1F930];
	v1 =	vsel vm14, v41, v1;
	v3 =	vsel vm12, $0x20, v3;
	vm15 =	vgt.f32 v44, v2  }
0x2a6: {  	[tilespmem:$0x1FA10] =	vst v7;
	v7 =	vsel vm15, $0xFFFFFFFF, v48;
	v2 =	vsel vm15, v44, v2;
	vm15 =	vgt.f32 v44, v1  }
0x2a7: {  	v50 =	vld [tilespmem:s23+$0xC080];
	[tilespmem:$0x1FA00] =	vst v8;
	vm13 =	vmmov vm11;
	v3 =	vsel vm1, v4, v3;
	v8 =	vsel vm15, $0xFFFFFFFF, v51  }
0x2a8: {  	v61 =	vld [tilespmem:$0x1F940];
	v2 =	vsel vm15, v1, v2;
	v1 =	vsel vm15, v44, v1;
	vm15 =	vnez.u8 v53  }
0x2a9: {  	v4 =	vsel vm1, $0x20, v4;
	vm12 =	vgt.f32 v47, v2;
	v3 =	vsel vm15, $0x21, v3  }
0x2aa: {  	v54 =	vld [tilespmem:s23+$0xC100];
	[tilespmem:$0x1FA20] =	vst v6;
	vm11 =	vgt.f32 v47, v1;
	vm15 =	vnez.u8 v57;
	v6 =	vsel vm12, $0xFFFFFFFF, v52  }
0x2ab: {  	v17 =	vld [tilespmem:$0x1F970];
	[tilespmem:$0x1FA50] =	vst v8;
	v2 =	vsel vm12, v47, v2;
	v8 =	vsel vm11, $0xFFFFFFFF, v55;
	v3 =	vsel vm0, v4, v3  }
0x2ac: {  	v11 =	vld [tilespmem:$0x1F950];
	v4 =	vsel vm0, $0x21, v4;
	v2 =	vsel vm11, v1, v2;
	v1 =	vsel vm11, v47, v1  }
0x2ad: {  	v14 =	vld [tilespmem:$0x1F960];
	v3 =	vsel vm15, $0x22, v3;
	vm11 =	vnez.u8 v61;
	vm12 =	vgt.f32 v50, v2  }
0x2ae: {  	[tilespmem:$0x1FA30] =	vst v5;
	vm9 =	vgt.f32 v50, v1;
	v3 =	vsel vm3, v4, v3;
	v4 =	vsel vm3, $0x22, v4  }
0x2af: {  	[tilespmem:$0x1FA70] =	vst v8;
	v5 =	vsel vm12, $0xFFFFFFFF, v56;
	v2 =	vsel vm12, v50, v2;
	v8 =	vsel vm9, $0xFFFFFFFF, v59  }
0x2b0: {  	v3 =	vsel vm11, $0x23, v3;
	vm11 =	vnez.u8 v17;
	v2 =	vsel vm9, v1, v2  }
0x2b1: {  	v58 =	vld [tilespmem:s23+$0xC180];
	v1 =	vsel vm9, v50, v1;
	v3 =	vsel vm4, v4, v3;
	v4 =	vsel vm4, $0x23, v4  }
0x2b2: {  	vm4 =	vnez.u8 v11;
	vm9 =	vnez.u8 v14;
	vm10 =	vgt.f32 v54, v2  }
0x2b3: {  	[tilespmem:$0x1FA40] =	vst v7;
	vm12 =	vgt.f32 v54, v1;
	v3 =	vsel vm4, $0x24, v3;
	v7 =	vsel vm10, $0xFFFFFFFF, v60  }
0x2b4: {  	v62 =	vld [tilespmem:s23+$0xC200];
	[tilespmem:$0x1FA90] =	vst v8;
	v2 =	vsel vm10, v54, v2;
	v8 =	vsel vm12, $0xFFFFFFFF, v63;
	v3 =	vsel vm5, v4, v3  }
0x2b5: {  	v23 =	vld [tilespmem:$0x1F990];
	v4 =	vsel vm5, $0x24, v4;
	v2 =	vsel vm12, v1, v2;
	v3 =	vsel vm9, $0x25, v3  }
0x2b6: {  	v20 =	vld [tilespmem:$0x1F980];
	v1 =	vsel vm12, v54, v1;
	vm15 =	vgt.f32 v58, v2;
	v3 =	vsel vm6, v4, v3  }
0x2b7: {  	v12 =	vld [tilespmem:s23+$0xC280];
	[tilespmem:$0x1FA60] =	vst v6;
	v6 =	vsel vm15, $0xFFFFFFFF, v10;
	v2 =	vsel vm15, v58, v2;
	vm15 =	vgt.f32 v58, v1  }
0x2b8: {  	v27 =	vld [tilespmem:$0x1F9B0];
	v4 =	vsel vm6, $0x25, v4;
	v3 =	vsel vm11, $0x26, v3;
	v2 =	vsel vm15, v1, v2  }
0x2b9: {  	v1 =	vsel vm15, v58, v1;
	v3 =	vsel vm7, v4, v3;
	v4 =	vsel vm7, $0x26, v4  }
0x2ba: {  	v25 =	vld [tilespmem:$0x1F9A0];
	vm7 =	vnez.u8 v23;
	vm5 =	vgt.f32 v62, v2;
	vm12 =	vgt.f32 v62, v1  }
0x2bb: {  	v15 =	vld [tilespmem:s23+$0xC300];
	[tilespmem:$0x1FA80] =	vst v5;
	v5 =	vsel vm5, $0xFFFFFFFF, v13;
	v2 =	vsel vm5, v62, v2;
	vm5 =	vnez.u8 v20  }
0x2bc: {  	v2 =	vsel vm12, v1, v2;
	v1 =	vsel vm12, v62, v1;
	v3 =	vsel vm5, $0x27, v3  }
0x2bd: {  	v18 =	vld [tilespmem:s23+$0xC380];
	vm5 =	vnez.u8 v27;
	vm10 =	vgt.f32 v12, v2;
	vm11 =	vgt.f32 v12, v1  }
0x2be: {  	v33 =	vld [tilespmem:$0x1F9E0];
	v3 =	vsel vm8, v4, v3;
	v4 =	vsel vm8, $0x27, v4;
	v2 =	vsel vm10, v12, v2  }
0x2bf: {  	[tilespmem:$0x1FAA0] =	vst v7;
	vm8 =	vnez.u8 v25;
	v7 =	vsel vm10, $0xFFFFFFFF, v16;
	v2 =	vsel vm11, v1, v2  }
0x2c0: {  	v29 =	vld [tilespmem:$0x1F9C0];
	v3 =	vsel vm7, $0x28, v3;
	v1 =	vsel vm11, v12, v1;
	vm4 =	vgt.f32 v15, v2  }
0x2c1: {  	v21 =	vld [tilespmem:s23+$0xE000];
	v3 =	vsel vm8, v4, v3;
	vm10 =	vgt.f32 v15, v1;
	v2 =	vsel vm4, v15, v2  }
0x2c2: {  	v4 =	vsel vm8, $0x28, v4;
	v3 =	vsel vm5, $0x29, v3;
	v2 =	vsel vm10, v1, v2  }
0x2c3: {  	v31 =	vld [tilespmem:$0x1F9D0];
	vm5 =	vnez.u8 v33;
	v1 =	vsel vm10, v15, v1;
	vm6 =	vgt.f32 v18, v2  }
0x2c4: {  	v35 =	vld [tilespmem:$0x1F9F0];
	[tilespmem:$0x1FAC0] =	vst v6;
	v6 =	vsel vm4, $0xFFFFFFFF, v19;
	vm9 =	vgt.f32 v18, v1;
	v2 =	vsel vm6, v18, v2  }
0x2c5: {  	v24 =	vld [tilespmem:s23+$0xE080];
	[tilespmem:$0x1FAD0] =	vst v5;
	v5 =	vsel vm6, $0xFFFFFFFF, v22;
	vm6 =	vnez.u8 v29;
	v2 =	vsel vm9, v1, v2  }
0x2c6: {  	v1 =	vsel vm9, v18, v1;
	v3 =	vsel vm6, v4, v3;
	vm4 =	vgt.f32 v21, v2  }
0x2c7: {  	v37 =	vld [tilespmem:$0x1FA00];
	v4 =	vsel vm6, $0x29, v4;
	vm8 =	vgt.f32 v21, v1;
	v2 =	vsel vm4, v21, v2  }
0x2c8: {  	v39 =	vld [tilespmem:$0x1FA10];
	[tilespmem:$0x1FAE0] =	vst v7;
	v7 =	vsel vm4, $0xFFFFFFFF, v26;
	vm4 =	vnez.u8 v31;
	v2 =	vsel vm8, v1, v2  }
0x2c9: {  	v28 =	vld [tilespmem:s23+$0xE100];
	v1 =	vsel vm8, v21, v1;
	v3 =	vsel vm4, $0x2A, v3;
	vm4 =	vnez.u8 v35  }
0x2ca: {  	vm7 =	vgt.f32 v24, v2;
	v3 =	vsel vm5, v4, v3;
	v4 =	vsel vm5, $0x2A, v4  }
0x2cb: {  	[tilespmem:$0x1FAF0] =	vst v6;
	v6 =	vsel vm7, $0xFFFFFFFF, v30;
	v2 =	vsel vm7, v24, v2;
	vm7 =	vgt.f32 v24, v1  }
0x2cc: {  	v32 =	vld [tilespmem:s23+$0xE180];
	vm5 =	vnez.u8 v37;
	v3 =	vsel vm4, $0x2B, v3;
	v2 =	vsel vm7, v1, v2  }
0x2cd: {  	v3 =	vsel vm5, v4, v3;
	v4 =	vsel vm5, $0x2B, v4;
	vm5 =	vnez.u8 v39  }
0x2ce: {  	v42 =	vld [tilespmem:$0x1FA20];
	v1 =	vsel vm7, v24, v1;
	vm6 =	vgt.f32 v28, v2;
	v3 =	vsel vm5, $0x2C, v3  }
0x2cf: {  	v36 =	vld [tilespmem:s23+$0xE200];
	[tilespmem:$0x1FB00] =	vst v5;
	v5 =	vsel vm6, $0xFFFFFFFF, v34;
	v2 =	vsel vm6, v28, v2;
	vm6 =	vgt.f32 v28, v1  }
0x2d0: {  	v41 =	vimm.s32 $0x0;
	v3 =	vsel vm13, v4, v3;
	v2 =	vsel vm6, v1, v2  }
0x2d1: {  	v45 =	vld [tilespmem:$0x1FA30];
	v4 =	vsel vm13, $0x2C, v4;
	v1 =	vsel vm6, v28, v1;
	vm4 =	vgt.f32 v32, v2  }
0x2d2: {  	v40 =	vld [tilespmem:s23+$0xE280];
	[tilespmem:$0x1FB10] =	vst v7;
	vm5 =	vgt.f32 v32, v1;
	v7 =	vsel vm4, $0xFFFFFFFF, v38;
	v2 =	vsel vm4, v32, v2  }
0x2d3: {  	v47 =	vld [tilespmem:$0x1FA40];
	vm4 =	vnez.u8 v42;
	v2 =	vsel vm5, v1, v2;
	v1 =	vsel vm5, v32, v1  }
0x2d4: {  	v3 =	vsel vm4, $0x2D, v3;
	vm13 =	vgt.f32 v36, v2;
	vm4 =	vgt.f32 v36, v1  }
0x2d5: {  	v43 =	vld [tilespmem:s23+$0xE300];
	v3 =	vsel vm2, v4, v3;
	v4 =	vsel vm2, $0x2D, v4;
	v2 =	vsel vm13, v36, v2  }
0x2d6: {  	v48 =	vld [tilespmem:$0x1FA50];
	[tilespmem:$0x1FB20] =	vst v6;
	v6 =	vsel vm13, $0xFFFFFFFF, v41;
	vm13 =	vnez.u8 v45;
	v2 =	vsel vm4, v1, v2  }
0x2d7: {  	v1 =	vsel vm4, v36, v1;
	v3 =	vsel vm13, $0x2E, v3;
	vm1 =	vgt.f32 v40, v2  }
0x2d8: {  	v46 =	vld [tilespmem:s23+$0xE380];
	vm13 =	vnez.u8 v47;
	vm3 =	vgt.f32 v40, v1;
	v2 =	vsel vm1, v40, v2  }
0x2d9: {  	v3 =	vsel vm14, v4, v3;
	v4 =	vsel vm14, $0x2E, v4;
	v2 =	vsel vm3, v1, v2  }
0x2da: {  	v3 =	vsel vm13, $0x2F, v3;
	v1 =	vsel vm3, v40, v1;
	vm14 =	vgt.f32 v43, v2  }
0x2db: {  	vm13 =	vnez.u8 v48;
	vm2 =	vgt.f32 v43, v1;
	v2 =	vsel vm14, v43, v2  }
0x2dc: {  	v44 =	vimm.s32 $0x0;
	v3 =	vsel vm13, v4, v3;
	v2 =	vsel vm2, v1, v2  }
0x2dd: {  	v49 =	vld [tilespmem:$0x1FA60];
	v4 =	vsel vm13, $0x2F, v4;
	v1 =	vsel vm2, v43, v1;
	vm13 =	vgt.f32 v46, v2  }
0x2de: {  	v50 =	vld [tilespmem:$0x1FA70];
	[tilespmem:$0x1FB30] =	vst v5;
	v5 =	vsel vm1, $0xFFFFFFFF, v44;
	vm1 =	vgt.f32 v46, v1;
	v2 =	vsel vm13, v46, v2  }
0x2df: {  	v51 =	vld [tilespmem:$0x1FA80];
	v2 =	vsel vm1, v1, v2;
	v1 =	vsel vm1, v46, v1  }
0x2e0: {  	v1 =	vsub.f32 v2, v1;
	v2 =	vld [tilespmem:$0x1FA90]  }
0x2e1: {  	[tilespmem:$0x1FAB0] =	vst v8;
	v52 =	vld [tilespmem:$0x1FAA0]  }
0x2e2: {  	vm0 =	vnez.u8 v49;
	v53 =	vld [tilespmem:$0x1FAB0]  }
0x2e3: {  	v54 =	vld [tilespmem:$0x1FAC0];
	v3 =	vsel vm0, $0x30, v3;
	vm0 =	vnez.u8 v50  }
0x2e4: {  	v3 =	vsel vm0, v4, v3;
	v4 =	vsel vm0, $0x30, v4;
	vm0 =	vnez.u8 v51  }
0x2e5: {  	v3 =	vsel vm0, $0x31, v3;
	vm0 =	vnez.u8 v2  }
0x2e6: {  	v2 =	vsel vm0, v4, v3;
	v3 =	vsel vm0, $0x31, v4;
	vm0 =	vnez.u8 v52  }
0x2e7: {  	v1 =	vmul.f32 $1.442695020e+00, v1;
	v2 =	vsel vm0, $0x32, v2;
	vm0 =	vnez.u8 v53  }
0x2e8: {  	v2 =	vsel vm0, v3, v2;
	v3 =	vsel vm0, $0x32, v3;
	vm0 =	vnez.u8 v54  }
0x2e9: {  	v2 =	vsel vm0, $0x33, v2  }
0x2ea: {  	(erf) = vpow2.f32 v1;
	v1 =	vsel vm15, v3, v2;
	v2 =	vsel vm15, $0x33, v3;
	v3 =	vld [tilespmem:$0x1FAD0];
	_ =	sdelay $0x4  }
0x2eb: {  	vm15 =	vnez.u8 v3;
	v3 =	vld [tilespmem:$0x1FAE0];
	_ =	sdelay $0x4  }
0x2ec: {  	v1 =	vsel vm15, $0x34, v1;
	vm15 =	vnez.u8 v3;
	v3 =	vld [tilespmem:$0x1FAF0];
	_ =	sdelay $0x2  }
0x2ed: {  	v1 =	vsel vm12, v2, v1  }
0x2ee: {  	v2 =	vsel vm12, $0x34, v2;
	v1 =	vsel vm15, $0x35, v1  }
0x2ef: {  	v1 =	vsel vm11, v2, v1;
	v2 =	vsel vm11, $0x35, v2;
	vm11 =	vnez.u8 v3;
	v3 =	vld [tilespmem:$0x1FB00];
	_ =	sdelay $0x1  }
0x2f0: {  	v55 =	vld [tilespmem:$0x1FB10];
	_ =	sdelay $0x1  }
0x2f1: {  	v57 =	vld [tilespmem:$0x1FB20];
	v1 =	vsel vm11, $0x36, v1  }
0x2f2: {  	v1 =	vsel vm10, v2, v1;
	vm12 =	vnez.u8 v3  }
0x2f3: {  	v58 =	vld [tilespmem:$0x1FB30];
	v2 =	vsel vm10, $0x36, v2;
	v1 =	vsel vm12, $0x37, v1  }
0x2f4: {  	[tilespmem:$0x1FB40] =	vst v7;
	vm15 =	vnez.u8 v55;
	v3 =	vpop (erf);
	v1 =	vsel vm9, v2, v1  }
0x2f5: {  	v59 =	vld [tilespmem:$0x1FB40];
	v56 =	vadd.f32 $1.000000000e+00, v3;
	v2 =	vsel vm9, $0x37, v2;
	v1 =	vsel vm15, $0x38, v1  }
0x2f6: {  	[tilespmem:$0x1FB50] =	vst v6;
	vm9 =	vnez.u8 v57;
	v1 =	vsel vm8, v2, v1  }
0x2f7: {  	v60 =	vld [tilespmem:$0x1FB50];
	(erf) = vrcp.f32 v56;
	v2 =	vsel vm8, $0x38, v2;
	v1 =	vsel vm9, $0x39, v1  }
0x2f8: {  	[tilespmem:$0x1FB60] =	vst v5;
	vm10 =	vnez.u8 v58;
	v1 =	vsel vm7, v2, v1  }
0x2f9: {  	v61 =	vld [tilespmem:$0x1FB60];
	v2 =	vsel vm7, $0x39, v2;
	v1 =	vsel vm10, $0x3A, v1  }
0x2fa: {  	vm11 =	vnez.u8 v59;
	v1 =	vsel vm6, v2, v1  }
0x2fb: {  	v2 =	vsel vm6, $0x3A, v2;
	v1 =	vsel vm11, $0x3B, v1  }
0x2fc: {  	vm12 =	vnez.u8 v60;
	v1 =	vsel vm5, v2, v1  }
0x2fd: {  	v2 =	vsel vm5, $0x3B, v2;
	v1 =	vsel vm12, $0x3C, v1  }
0x2fe: {  	vm15 =	vnez.u8 v61;
	v1 =	vsel vm4, v2, v1  }
0x2ff: {  	v2 =	vsel vm4, $0x3C, v2;
	v1 =	vsel vm15, $0x3D, v1  }
0x300: {  	v62 =	vpop (erf);
	v1 =	vsel vm3, v2, v1  }
0x301: {  	s22 =	sadd.s32 $0x10, s22;
	v3 =	vmul.f32 v62, v3;
	v2 =	vsel vm3, $0x3D, v2;
	v1 =	vsel vm14, $0x3E, v1  }
0x302: {  	[tilespmem:s22+$0x0] =	vst v62;
	v1 =	vsel vm2, v2, v1;
	v2 =	vsel vm2, $0x3E, v2  }
0x303: {  	[tilespmem:s21+$0x0] =	vst v3;
	v1 =	vsel vm13, $0x3F, v1;
	v63 =	vsel vm1, $0x3F, v2  }
0x304: {  	v1 =	vsel vm1, v2, v1;
	[tilespmem:s19+$0x0] =	vst v63  }
0x305: {  	[tilespmem:s20+$0x0] =	vst v1  }
0x306: {  	[hbm4b:s4+s12] =	stream.strided.scatter [tilespmem:s14], [sflag:$0x1], $0x400, s13, s12, $0x38;
	[tilespmem:$0x11000] =	vst v63  }
0x307: {  	_ =	swait.ge [sflag:s11], $0x400  }
0x308: {  	[sflag:s11] =	ssyncset.done $0x0  }
0x309: {  	[sflag:s11] =	ssyncadd.s32 $0xFFFFFC00  }
0x30a: {  	[hbm4b:s5+s12] =	stream.strided.scatter [tilespmem:s15], [sflag:$0x1], $0x400, s13, s12, $0x38;
	[tilespmem:$0x11000] =	vst v63  }
0x30b: {  	_ =	swait.ge [sflag:s11], $0x400  }
0x30c: {  	[sflag:s11] =	ssyncset.done $0x0  }
0x30d: {  	[sflag:s11] =	ssyncadd.s32 $0xFFFFFC00  }
0x30e: {  	[hbm4b:s6+s12] =	stream.strided.scatter [tilespmem:s16], [sflag:$0x1], $0x400, s13, s12, $0x38;
	[tilespmem:$0x11000] =	vst v63  }
0x30f: {  	s18 =	sadd.s32 $0x1, s18;
	_ =	swait.ge [sflag:s11], $0x400  }
0x310: {  	p0 =	sne.s32 s18, s8;
	[sflag:s11] =	ssyncset.done $0x0  }
.Ltmp1:
0x311: {  	[sflag:s11] =	ssyncadd.s32 $0xFFFFFC00;
	(pc) =	sbr.rel @p0 .LBB2_1-.Ltmp1, $4  }
0x312: {  	[hbm4b:s7+s12] =	stream.strided.scatter [tilespmem:s17], [sflag:$0x1], $0x400, s13, s12, $0x38;
	[tilespmem:$0x11000] =	vst v63  }
0x313: {  	_ =	swait.ge [sflag:s11], $0x400  }
0x314: {  	[sflag:s11] =	ssyncset.done $0x0  }
0x315: {  	[sflag:s11] =	ssyncadd.s32 $0xFFFFFC00  }
0x316: {  	_ =	sfence.sel $0x180000  }
0x317: {  	[bflag:$0x0] =	sbarrier.arrive $0xFFFF  }
0x318: {  	p0 =	sne.s32 s1, $0x0;
	_ =	strace $0x90000047  }
0x319: {  	s0 =	sadd.s32 @!p0 $0x100000, s0;
	[bflag:$0x2] =	sbarrier.arrive $0xFFFF  }
0x31a: {  	[sflag:s0] =	ssyncadd.tile.s32 @!p0 $0x1;
	_ =	shalt  }
.Lfunc_end2:
_tile_overlayer_lowered:
.L_overlay_start_2:
0x31b: {  	(tag) =	ssettag $0x2  }
0x31c: {  	s0 =	rddreg [dreg:$0x0];
	s2 =	stileid.u32  }
0x31d: {  	s1 =	rddreg [dreg:$0x1];
	p0 =	sne.s32 s2, $0x0  }
0x31e: {  	s3 =	rddreg [dreg:$0x2];
	[bflag:$0x3] =	sbarrier.arrive $0xFFFF;
	s2 =	simm.s32 @!p0 $0x1C01  }
0x31f: {  	[timem:s3], [sflag:s2] =	dma.local @!p0 [hbm:s0], s1  }
0x320: {  	s0 =	simm.s32 @!p0 $0x1  }
0x321: {  	_ =	swait.ge @!p0 [sflag:s0], s1  }
0x322: {  	s1 =	ssub.s32 @!p0 $0x0, s1;
	[sflag:s0] =	ssyncset.done @!p0 $0x0  }
0x323: {  	[sflag:s0] =	ssyncadd.s32 @!p0 s1  }
0x324: {  	[bflag:$0x3] =	sbarrier.arrive $0xFFFF  }
0x325: {  	_ =	shalt  }

</sc_bundles>
